<compile_context>
chip_gen: v7x
topology: tpu7x:2x2x1
jax: 0.10.2.dev20260603
libtpu: 0.0.44.dev20260713+nightly
codegen_flags: <defaults>
</compile_context>

<pallas_src>
import functools

import jax
import jax.numpy as jnp
from jax import lax
from jax.experimental import pallas as pl
from jax.experimental.pallas import tpu as pltpu
from jax.experimental.pallas import tpu_sc as plsc

N = 10000
C = 128
E = 320000
K2 = 49
MULT = 2
EPS = 1e-05

NC = 2
NS = 16
NW = NC * NS
EPW = E // NW
B = 40
NCHUNK = EPW // B
NZ = 10
RPT = N // NZ
CG = C // 16


def _conv_sparsecore(x, src1, dst1, kidx1, wconv, zrows):
    mesh = plsc.VectorSubcoreMesh(core_axis_name="c", subcore_axis_name="s")

    @functools.partial(
        pl.kernel,
        out_type=jax.ShapeDtypeStruct((NC, N, C), jnp.float32),
        mesh=mesh,
        scratch_types=[
            pltpu.VMEM_SHARED((N, C), jnp.float32),
            pltpu.VMEM((B,), jnp.int32),
            pltpu.VMEM((B,), jnp.int32),
            pltpu.VMEM((B,), jnp.int32),
            pltpu.VMEM((B,), jnp.int32),
            pltpu.VMEM((B,), jnp.int32),
            pltpu.VMEM((B,), jnp.int32),
            pltpu.VMEM((B, C), jnp.float32),
            pltpu.VMEM((B, C), jnp.float32),
            pltpu.VMEM((B, C), jnp.float32),
            pltpu.VMEM((B, C), jnp.float32),
            pltpu.VMEM((B, C), jnp.float32),
            pltpu.VMEM((B, C), jnp.float32),
            pltpu.SemaphoreType.DMA,
            pltpu.SemaphoreType.DMA,
            pltpu.SemaphoreType.DMA,
            pltpu.SemaphoreType.DMA,
            pltpu.SemaphoreType.DMA,
            pltpu.SemaphoreType.DMA,
            pltpu.SemaphoreType.DMA,
            pltpu.SemaphoreType.DMA,
        ],
    )
    def conv_kernel(x_hbm, src_hbm, dst_hbm, kidx_hbm, wconv_hbm, zrows_hbm,
                    out_hbm, acc, sb0, sb1, kb0, kb1, db0, db1,
                    xr0, xr1, wr0, wr1, mb0, mb1,
                    gs0, gs1, ss0, ss1, ik0, ik1, dk0, dk1):
        c = lax.axis_index("c")
        s = lax.axis_index("s")
        wid = c * NS + s
        row0 = s * RPT
        ebase = wid * EPW

        def issue_sk(i, sb, kb, iksem):
            pltpu.async_copy(src_hbm.at[pl.ds(ebase + i * B, B)], sb, iksem)
            pltpu.async_copy(kidx_hbm.at[pl.ds(ebase + i * B, B)], kb, iksem)

        def wait_sk(i, sb, kb, iksem):
            pltpu.make_async_copy(src_hbm.at[pl.ds(ebase + i * B, B)], sb, iksem).wait()
            pltpu.make_async_copy(kidx_hbm.at[pl.ds(ebase + i * B, B)], kb, iksem).wait()

        def issue_dst(i, db, dksem):
            pltpu.async_copy(dst_hbm.at[pl.ds(ebase + i * B, B)], db, dksem)

        def wait_dst(i, db, dksem):
            pltpu.make_async_copy(dst_hbm.at[pl.ds(ebase + i * B, B)], db, dksem).wait()

        def gathers(sb, kb, xr, wr, gsem):
            pltpu.async_copy(x_hbm.at[sb], xr, gsem)
            pltpu.async_copy(wconv_hbm.at[kb], wr, gsem)

        def drain_gathers(sb, kb, xr, wr, gsem):
            pltpu.make_async_copy(x_hbm.at[sb], xr, gsem).wait()
            pltpu.make_async_copy(wconv_hbm.at[kb], wr, gsem).wait()

        def multiply(xr, wr, mb):
            @pl.loop(0, B, unroll=8)
            def _edge(e):
                for j in range(CG):
                    sl = pl.ds(16 * j, 16)
                    mb[e, sl] = xr[e, sl] * wr[e, sl]

        def drain_scatter(mb, db, ssem):
            pltpu.make_async_copy(mb, acc.at[db], ssem).wait()

        issue_sk(0, sb0, kb0, ik0)
        issue_sk(1, sb1, kb1, ik1)
        issue_dst(0, db0, dk0)

        @pl.when(s < NZ)
        def _zero():
            pltpu.sync_copy(zrows_hbm, acc.at[pl.ds(row0, RPT)])

        plsc.subcore_barrier()

        wait_sk(0, sb0, kb0, ik0)
        gathers(sb0, kb0, xr0, wr0, gs0)

        @pl.loop(0, NCHUNK, step=2)
        def _chunk(i):
            wait_sk(i + 1, sb1, kb1, ik1)
            gathers(sb1, kb1, xr1, wr1, gs1)
            drain_gathers(sb0, kb0, xr0, wr0, gs0)

            @pl.when(i + 2 < NCHUNK)
            def _():
                issue_sk(i + 2, sb0, kb0, ik0)

            multiply(xr0, wr0, mb0)
            wait_dst(i, db0, dk0)

            @pl.when(i > 0)
            def _():
                drain_scatter(mb1, db1, ss1)

            pltpu.async_copy(mb0, acc.at[db0], ss0, add=True)
            issue_dst(i + 1, db1, dk1)

            @pl.when(i + 2 < NCHUNK)
            def _():
                wait_sk(i + 2, sb0, kb0, ik0)
                gathers(sb0, kb0, xr0, wr0, gs0)

            drain_gathers(sb1, kb1, xr1, wr1, gs1)

            @pl.when(i + 3 < NCHUNK)
            def _():
                issue_sk(i + 3, sb1, kb1, ik1)

            multiply(xr1, wr1, mb1)
            wait_dst(i + 1, db1, dk1)
            drain_scatter(mb0, db0, ss0)
            pltpu.async_copy(mb1, acc.at[db1], ss1, add=True)

            @pl.when(i + 2 < NCHUNK)
            def _():
                issue_dst(i + 2, db0, dk0)

        drain_scatter(mb1, db1, ss1)
        plsc.subcore_barrier()

        @pl.when(s < NZ)
        def _writeout():
            pltpu.sync_copy(acc.at[pl.ds(row0, RPT)],
                            out_hbm.at[c, pl.ds(row0, RPT)])

    return conv_kernel(x, src1, dst1, kidx1, wconv, zrows)


def _dense_tensorcore(x, c0, c1, norm, gamma, beta, W1, b1, W2, b2):
    R = 2000
    grid = (N // R,)
    sqrt_half = 0.7071067811865476

    def body(x_r, c0_r, c1_r, n_r, g_r, be_r, w1_r, b1_r, w2_r, b2_r, o_r):
        h = x_r[...] + (c0_r[...] + c1_r[...]) / n_r[...]
        mu = jnp.mean(h, axis=1, keepdims=True)
        d = h - mu
        var = jnp.mean(d * d, axis=1, keepdims=True)
        y = d * lax.rsqrt(var + EPS) * g_r[...] + be_r[...]
        t = jnp.dot(y, w1_r[...], preferred_element_type=jnp.float32) + b1_r[...]
        t = 0.5 * t * (1.0 + lax.erf(t * sqrt_half))
        o_r[...] = h + jnp.dot(t, w2_r[...], preferred_element_type=jnp.float32) + b2_r[...]

    blk = lambda shape, imap: pl.BlockSpec(shape, imap)
    row_spec = blk((R, C), lambda i: (i, 0))
    return pl.pallas_call(
        body,
        grid=grid,
        in_specs=[
            row_spec, row_spec, row_spec,
            blk((R, 1), lambda i: (i, 0)),
            blk((1, C), lambda i: (0, 0)),
            blk((1, C), lambda i: (0, 0)),
            blk((C, C * MULT), lambda i: (0, 0)),
            blk((1, C * MULT), lambda i: (0, 0)),
            blk((C * MULT, C), lambda i: (0, 0)),
            blk((1, C), lambda i: (0, 0)),
        ],
        out_specs=row_spec,
        out_shape=jax.ShapeDtypeStruct((N, C), jnp.float32),
    )(x, c0, c1, norm, gamma, beta, W1, b1, W2, b2)


def kernel(x, edge_index, kernel_idx, norm, W_conv, ln_gamma, ln_beta, W1, b1, W2, b2):
    src1 = edge_index[0].astype(jnp.int32)
    dst1 = edge_index[1].astype(jnp.int32)
    kidx1 = kernel_idx.astype(jnp.int32) + K2 * (
        jnp.arange(E, dtype=jnp.int32) // EPW)
    wconv_rep = jnp.tile(W_conv, (NW, 1))
    zrows = jnp.zeros((RPT, C), jnp.float32)
    partials = _conv_sparsecore(x, src1, dst1, kidx1, wconv_rep, zrows)
    return _dense_tensorcore(
        x, partials[0], partials[1], norm,
        ln_gamma.reshape(1, C), ln_beta.reshape(1, C),
        W1, b1.reshape(1, C * MULT), W2, b2.reshape(1, C),
    )

# --- scband reference (transcript-rebuilt; emitter-appended) ---
"""Pipeline reference for scband-minkowski-conv-res-block-29850022708098 (READ-ONLY COPY).

The authoritative reference and input builder live on the scoring server;
editing this copy changes nothing except your own understanding.
"""

import jax, jax.numpy as jnp
import numpy as np

N = 10000
C = 128
E = 320000
K2 = 49  # 7x7 kernel offsets
MULT = 2
EPS = 1e-05


def setup_inputs(seed: int = 0) -> dict:
    key = jax.random.key(seed)
    ks = jax.random.split(key, 10)
    x = jax.random.normal(ks[0], (N, C), dtype=jnp.float32)
    edge_index = jax.random.randint(ks[1], (2, E), 0, N, dtype=jnp.int64)
    kernel_idx = jax.random.randint(ks[2], (E,), 0, K2, dtype=jnp.int64)
    norm = jnp.ones((N, 1), dtype=jnp.float32)
    # depthwise (channelwise) conv kernel: one weight per (kernel offset, channel)
    W_conv = jax.random.normal(ks[3], (K2, C), dtype=jnp.float32) * (1.0 / np.sqrt(K2))
    ln_gamma = jnp.ones((C,), dtype=jnp.float32)
    ln_beta = jnp.zeros((C,), dtype=jnp.float32)
    W1 = jax.random.normal(ks[4], (C, C * MULT), dtype=jnp.float32) * (1.0 / np.sqrt(C))
    b1 = jnp.zeros((C * MULT,), dtype=jnp.float32)
    W2 = jax.random.normal(ks[5], (C * MULT, C), dtype=jnp.float32) * (1.0 / np.sqrt(C * MULT))
    b2 = jnp.zeros((C,), dtype=jnp.float32)
    return {"x": x, "edge_index": edge_index, "kernel_idx": kernel_idx, "norm": norm,
            "W_conv": W_conv, "ln_gamma": ln_gamma, "ln_beta": ln_beta,
            "W1": W1, "b1": b1, "W2": W2, "b2": b2}


def reference(x, edge_index, kernel_idx, norm, W_conv, ln_gamma, ln_beta, W1, b1, W2, b2):
    # MinkowskiChannelwiseConvolution as gather -> per-edge depthwise weight -> scatter-add
    src = edge_index[0]
    dst = edge_index[1]
    msg = jnp.take(x, src, axis=0) * jnp.take(W_conv, kernel_idx, axis=0)
    conv_out = jnp.zeros_like(x).at[dst].add(msg)
    # out = conv(x) / norm ; x = x + out
    conv_out = conv_out / norm
    h = x + conv_out
    # mlp: LayerNorm -> Linear -> GELU -> Linear, residual
    mu = jnp.mean(h, axis=-1, keepdims=True)
    var = jnp.var(h, axis=-1, keepdims=True)
    y = (h - mu) / jnp.sqrt(var + EPS) * ln_gamma + ln_beta
    y = y @ W1 + b1
    y = jax.nn.gelu(y, approximate=False)
    y = y @ W2 + b2
    return h + y

if __name__ == "__main__":
    import jax
    _d = setup_inputs()
    print(jax.jit(kernel)(*tuple(_d.values())))

</pallas_src>

<mosaic_0001>
#map = affine_map<(d0, d1) -> (0, 0)>
#map1 = affine_map<(d0, d1) -> (0)>
#map2 = affine_map<(d0, d1) -> (0, 0, 0)>
module attributes {stable_mosaic.version = 14 : i64} {
  func.func @conv_kernel(%arg0: i32, %arg1: i32, %arg2: memref<10000x128xf32, #tpu.memory_space<hbm>>, %arg3: memref<320000xi32, #tpu.memory_space<hbm>>, %arg4: memref<320000xi32, #tpu.memory_space<hbm>>, %arg5: memref<320000xi32, #tpu.memory_space<hbm>>, %arg6: memref<1568x128xf32, #tpu.memory_space<hbm>>, %arg7: memref<1000x128xf32, #tpu.memory_space<hbm>>, %arg8: memref<2x10000x128xf32, #tpu.memory_space<hbm>>, %arg9: memref<10000x128xf32, #tpu.memory_space<vmem_shared>>, %arg10: memref<40xi32, #tpu.memory_space<vmem>>, %arg11: memref<40xi32, #tpu.memory_space<vmem>>, %arg12: memref<40xi32, #tpu.memory_space<vmem>>, %arg13: memref<40xi32, #tpu.memory_space<vmem>>, %arg14: memref<40xi32, #tpu.memory_space<vmem>>, %arg15: memref<40xi32, #tpu.memory_space<vmem>>, %arg16: memref<40x128xf32, #tpu.memory_space<vmem>>, %arg17: memref<40x128xf32, #tpu.memory_space<vmem>>, %arg18: memref<40x128xf32, #tpu.memory_space<vmem>>, %arg19: memref<40x128xf32, #tpu.memory_space<vmem>>, %arg20: memref<40x128xf32, #tpu.memory_space<vmem>>, %arg21: memref<40x128xf32, #tpu.memory_space<vmem>>, %arg22: memref<!tpu.dma_semaphore, #tpu.memory_space<semaphore_mem>>, %arg23: memref<!tpu.dma_semaphore, #tpu.memory_space<semaphore_mem>>, %arg24: memref<!tpu.dma_semaphore, #tpu.memory_space<semaphore_mem>>, %arg25: memref<!tpu.dma_semaphore, #tpu.memory_space<semaphore_mem>>, %arg26: memref<!tpu.dma_semaphore, #tpu.memory_space<semaphore_mem>>, %arg27: memref<!tpu.dma_semaphore, #tpu.memory_space<semaphore_mem>>, %arg28: memref<!tpu.dma_semaphore, #tpu.memory_space<semaphore_mem>>, %arg29: memref<!tpu.dma_semaphore, #tpu.memory_space<semaphore_mem>>) attributes {dimension_semantics = [#tpu.dimension_semantics<core_parallel>, #tpu.dimension_semantics<subcore_parallel>], iteration_bounds = array<i64: 2, 16>, scalar_prefetch = 0 : i64, scratch_operands = 21 : i64, tpu.core_type = #tpu.core_type<sc_vector_subcore>, window_params = [{transform_indices = #map}, {transform_indices = #map1}, {transform_indices = #map1}, {transform_indices = #map1}, {transform_indices = #map}, {transform_indices = #map}, {transform_indices = #map2}]} {
    %mul3A = arith.constant 16 : i32
    %mul3A_0 = arith.muli %arg0, %mul3A : i32
    %add3A = arith.addi %mul3A_0, %arg1 : i32
    %mul3A_1 = arith.constant 1000 : i32
    %mul3A_2 = arith.muli %arg1, %mul3A_1 : i32
    %mul3A_3 = arith.constant 10000 : i32
    %mul3A_4 = arith.muli %add3A, %mul3A_3 : i32
    %add3A_5 = arith.constant 0 : i32
    %add3A_6 = arith.addi %mul3A_4, %add3A_5 : i32
    %dma_start3A = tpu.memref_slice %arg3[%add3A_6] : memref<320000xi32, #tpu.memory_space<hbm>> -> memref<40xi32, #tpu.memory_space<hbm>>
    %dma_start3A_7 = tpu.memref_slice %arg3[%add3A_6] : memref<320000xi32, #tpu.memory_space<hbm>> -> memref<40xi32, #tpu.memory_space<hbm>>
    tpu.enqueue_dma source(%dma_start3A_7 : memref<40xi32, #tpu.memory_space<hbm>>) target(%arg10 : memref<40xi32, #tpu.memory_space<vmem>>) target_semaphore(%arg26 : memref<!tpu.dma_semaphore, #tpu.memory_space<semaphore_mem>>)
    %add3A_8 = arith.constant 0 : i32
    %add3A_9 = arith.addi %mul3A_4, %add3A_8 : i32
    %dma_start3A_10 = tpu.memref_slice %arg5[%add3A_9] : memref<320000xi32, #tpu.memory_space<hbm>> -> memref<40xi32, #tpu.memory_space<hbm>>
    %dma_start3A_11 = tpu.memref_slice %arg5[%add3A_9] : memref<320000xi32, #tpu.memory_space<hbm>> -> memref<40xi32, #tpu.memory_space<hbm>>
    tpu.enqueue_dma source(%dma_start3A_11 : memref<40xi32, #tpu.memory_space<hbm>>) target(%arg12 : memref<40xi32, #tpu.memory_space<vmem>>) target_semaphore(%arg26 : memref<!tpu.dma_semaphore, #tpu.memory_space<semaphore_mem>>)
    %add3A_12 = arith.constant 40 : i32
    %add3A_13 = arith.addi %mul3A_4, %add3A_12 : i32
    %dma_start3A_14 = tpu.memref_slice %arg3[%add3A_13] : memref<320000xi32, #tpu.memory_space<hbm>> -> memref<40xi32, #tpu.memory_space<hbm>>
    %dma_start3A_15 = tpu.memref_slice %arg3[%add3A_13] : memref<320000xi32, #tpu.memory_space<hbm>> -> memref<40xi32, #tpu.memory_space<hbm>>
    tpu.enqueue_dma source(%dma_start3A_15 : memref<40xi32, #tpu.memory_space<hbm>>) target(%arg11 : memref<40xi32, #tpu.memory_space<vmem>>) target_semaphore(%arg27 : memref<!tpu.dma_semaphore, #tpu.memory_space<semaphore_mem>>)
    %add3A_16 = arith.constant 40 : i32
    %add3A_17 = arith.addi %mul3A_4, %add3A_16 : i32
    %dma_start3A_18 = tpu.memref_slice %arg5[%add3A_17] : memref<320000xi32, #tpu.memory_space<hbm>> -> memref<40xi32, #tpu.memory_space<hbm>>
    %dma_start3A_19 = tpu.memref_slice %arg5[%add3A_17] : memref<320000xi32, #tpu.memory_space<hbm>> -> memref<40xi32, #tpu.memory_space<hbm>>
    tpu.enqueue_dma source(%dma_start3A_19 : memref<40xi32, #tpu.memory_space<hbm>>) target(%arg13 : memref<40xi32, #tpu.memory_space<vmem>>) target_semaphore(%arg27 : memref<!tpu.dma_semaphore, #tpu.memory_space<semaphore_mem>>)
    %add3A_20 = arith.constant 0 : i32
    %add3A_21 = arith.addi %mul3A_4, %add3A_20 : i32
    %dma_start3A_22 = tpu.memref_slice %arg4[%add3A_21] : memref<320000xi32, #tpu.memory_space<hbm>> -> memref<40xi32, #tpu.memory_space<hbm>>
    %dma_start3A_23 = tpu.memref_slice %arg4[%add3A_21] : memref<320000xi32, #tpu.memory_space<hbm>> -> memref<40xi32, #tpu.memory_space<hbm>>
    tpu.enqueue_dma source(%dma_start3A_23 : memref<40xi32, #tpu.memory_space<hbm>>) target(%arg14 : memref<40xi32, #tpu.memory_space<vmem>>) target_semaphore(%arg28 : memref<!tpu.dma_semaphore, #tpu.memory_space<semaphore_mem>>)
    %lt3A = arith.constant 10 : i32
    %lt3A_24 = arith.cmpi slt, %arg1, %lt3A : i32
    %convert_element_type3A = arith.extui %lt3A_24 : i1 to i32
    %cond3A = arith.constant 0 : i32
    %cond3A_25 = arith.cmpi ne, %convert_element_type3A, %cond3A : i32
    scf.if %cond3A_25 {
      "tpu.region"() ({
        %run_scoped3A = tpu.sem_alloc : memref<!tpu.dma_semaphore, #tpu.memory_space<semaphore_mem>>
        %dma_start3A_52 = arith.constant 0 : i32
        %dma_start3A_53 = tpu.memref_slice %arg9[%mul3A_2, %dma_start3A_52] : memref<10000x128xf32, #tpu.memory_space<vmem_shared>> -> memref<1000x128xf32, #tpu.memory_space<vmem_shared>>
        tpu.enqueue_dma source(%arg7 : memref<1000x128xf32, #tpu.memory_space<hbm>>) target(%dma_start3A_53 : memref<1000x128xf32, #tpu.memory_space<vmem_shared>>) target_semaphore(%run_scoped3A : memref<!tpu.dma_semaphore, #tpu.memory_space<semaphore_mem>>)
        %dma_wait3A_54 = arith.constant 0 : i32
        %dma_wait3A_55 = tpu.memref_slice %arg9[%mul3A_2, %dma_wait3A_54] : memref<10000x128xf32, #tpu.memory_space<vmem_shared>> -> memref<1000x128xf32, #tpu.memory_space<vmem_shared>>
        tpu.wait_dma2 semaphore(%run_scoped3A : memref<!tpu.dma_semaphore, #tpu.memory_space<semaphore_mem>>) src(%arg7 : memref<1000x128xf32, #tpu.memory_space<hbm>>) dst(%dma_wait3A_55 : memref<1000x128xf32, #tpu.memory_space<vmem_shared>>)
        tpu.yield
      }) : () -> ()
    } else {
    }
    %barrier3A = arith.constant 0 : index
    tpu.barrier barrier_id(%barrier3A)
    %add3A_26 = arith.constant 0 : i32
    %add3A_27 = arith.addi %mul3A_4, %add3A_26 : i32
    %dma_wait3A = tpu.memref_slice %arg3[%add3A_27] : memref<320000xi32, #tpu.memory_space<hbm>> -> memref<40xi32, #tpu.memory_space<hbm>>
    %dma_wait3A_28 = tpu.memref_slice %arg3[%add3A_27] : memref<320000xi32, #tpu.memory_space<hbm>> -> memref<40xi32, #tpu.memory_space<hbm>>
    tpu.wait_dma2 semaphore(%arg26 : memref<!tpu.dma_semaphore, #tpu.memory_space<semaphore_mem>>) src(%dma_wait3A_28 : memref<40xi32, #tpu.memory_space<hbm>>) dst(%arg10 : memref<40xi32, #tpu.memory_space<vmem>>)
    %add3A_29 = arith.constant 0 : i32
    %add3A_30 = arith.addi %mul3A_4, %add3A_29 : i32
    %dma_wait3A_31 = tpu.memref_slice %arg5[%add3A_30] : memref<320000xi32, #tpu.memory_space<hbm>> -> memref<40xi32, #tpu.memory_space<hbm>>
    %dma_wait3A_32 = tpu.memref_slice %arg5[%add3A_30] : memref<320000xi32, #tpu.memory_space<hbm>> -> memref<40xi32, #tpu.memory_space<hbm>>
    tpu.wait_dma2 semaphore(%arg26 : memref<!tpu.dma_semaphore, #tpu.memory_space<semaphore_mem>>) src(%dma_wait3A_32 : memref<40xi32, #tpu.memory_space<hbm>>) dst(%arg12 : memref<40xi32, #tpu.memory_space<vmem>>)
    %dma_start3A_33 = arith.constant 0 : i32
    %dma_start3A_34 = arith.constant 0 : i32
    %dma_start3A_35 = tpu.memref_slice %arg2[%dma_start3A_33, %dma_start3A_34] : memref<10000x128xf32, #tpu.memory_space<hbm>> -> memref<10000x128xf32, #tpu.memory_space<hbm>>
    tpu.enqueue_indirect_dma source(%dma_start3A_35 : memref<10000x128xf32, #tpu.memory_space<hbm>>) target(%arg16 : memref<40x128xf32, #tpu.memory_space<vmem>>) offsets(%arg10 : memref<40xi32, #tpu.memory_space<vmem>>) semaphore(%arg22 : memref<!tpu.dma_semaphore, #tpu.memory_space<semaphore_mem>>)
    %dma_start3A_36 = arith.constant 0 : i32
    %dma_start3A_37 = arith.constant 0 : i32
    %dma_start3A_38 = tpu.memref_slice %arg6[%dma_start3A_36, %dma_start3A_37] : memref<1568x128xf32, #tpu.memory_space<hbm>> -> memref<1568x128xf32, #tpu.memory_space<hbm>>
    tpu.enqueue_indirect_dma source(%dma_start3A_38 : memref<1568x128xf32, #tpu.memory_space<hbm>>) target(%arg18 : memref<40x128xf32, #tpu.memory_space<vmem>>) offsets(%arg12 : memref<40xi32, #tpu.memory_space<vmem>>) semaphore(%arg22 : memref<!tpu.dma_semaphore, #tpu.memory_space<semaphore_mem>>)
    %scan3A = arith.constant 0 : i32
    %scan3A_39 = arith.constant 125 : i32
    %scan3A_40 = arith.addi %scan3A, %scan3A_39 : i32
    %scan3A_41 = arith.constant 1 : i32
    scf.for %scan3A_52 = %scan3A to %scan3A_40 step %scan3A_41  : i32 {
      %mul3A_53 = arith.constant 2 : i32
      %mul3A_54 = arith.muli %scan3A_52, %mul3A_53 : i32
      %add3A_55 = arith.constant 0 : i32
      %add3A_56 = arith.addi %add3A_55, %mul3A_54 : i32
      %add3A_57 = arith.constant 1 : i32
      %add3A_58 = arith.addi %add3A_56, %add3A_57 : i32
      %mul3A_59 = arith.constant 40 : i32
      %mul3A_60 = arith.muli %add3A_58, %mul3A_59 : i32
      %add3A_61 = arith.addi %mul3A_4, %mul3A_60 : i32
      %dma_wait3A_62 = tpu.memref_slice %arg3[%add3A_61] : memref<320000xi32, #tpu.memory_space<hbm>> -> memref<40xi32, #tpu.memory_space<hbm>>
      %dma_wait3A_63 = tpu.memref_slice %arg3[%add3A_61] : memref<320000xi32, #tpu.memory_space<hbm>> -> memref<40xi32, #tpu.memory_space<hbm>>
      tpu.wait_dma2 semaphore(%arg27 : memref<!tpu.dma_semaphore, #tpu.memory_space<semaphore_mem>>) src(%dma_wait3A_63 : memref<40xi32, #tpu.memory_space<hbm>>) dst(%arg11 : memref<40xi32, #tpu.memory_space<vmem>>)
      %mul3A_64 = arith.constant 40 : i32
      %mul3A_65 = arith.muli %add3A_58, %mul3A_64 : i32
      %add3A_66 = arith.addi %mul3A_4, %mul3A_65 : i32
      %dma_wait3A_67 = tpu.memref_slice %arg5[%add3A_66] : memref<320000xi32, #tpu.memory_space<hbm>> -> memref<40xi32, #tpu.memory_space<hbm>>
      %dma_wait3A_68 = tpu.memref_slice %arg5[%add3A_66] : memref<320000xi32, #tpu.memory_space<hbm>> -> memref<40xi32, #tpu.memory_space<hbm>>
      tpu.wait_dma2 semaphore(%arg27 : memref<!tpu.dma_semaphore, #tpu.memory_space<semaphore_mem>>) src(%dma_wait3A_68 : memref<40xi32, #tpu.memory_space<hbm>>) dst(%arg13 : memref<40xi32, #tpu.memory_space<vmem>>)
      %dma_start3A_69 = arith.constant 0 : i32
      %dma_start3A_70 = arith.constant 0 : i32
      %dma_start3A_71 = tpu.memref_slice %arg2[%dma_start3A_69, %dma_start3A_70] : memref<10000x128xf32, #tpu.memory_space<hbm>> -> memref<10000x128xf32, #tpu.memory_space<hbm>>
      tpu.enqueue_indirect_dma source(%dma_start3A_71 : memref<10000x128xf32, #tpu.memory_space<hbm>>) target(%arg17 : memref<40x128xf32, #tpu.memory_space<vmem>>) offsets(%arg11 : memref<40xi32, #tpu.memory_space<vmem>>) semaphore(%arg23 : memref<!tpu.dma_semaphore, #tpu.memory_space<semaphore_mem>>)
      %dma_start3A_72 = arith.constant 0 : i32
      %dma_start3A_73 = arith.constant 0 : i32
      %dma_start3A_74 = tpu.memref_slice %arg6[%dma_start3A_72, %dma_start3A_73] : memref<1568x128xf32, #tpu.memory_space<hbm>> -> memref<1568x128xf32, #tpu.memory_space<hbm>>
      tpu.enqueue_indirect_dma source(%dma_start3A_74 : memref<1568x128xf32, #tpu.memory_space<hbm>>) target(%arg19 : memref<40x128xf32, #tpu.memory_space<vmem>>) offsets(%arg13 : memref<40xi32, #tpu.memory_space<vmem>>) semaphore(%arg23 : memref<!tpu.dma_semaphore, #tpu.memory_space<semaphore_mem>>)
      %dma_wait3A_75 = arith.constant 0 : i32
      %dma_wait3A_76 = arith.constant 0 : i32
      %dma_wait3A_77 = tpu.memref_slice %arg2[%dma_wait3A_75, %dma_wait3A_76] : memref<10000x128xf32, #tpu.memory_space<hbm>> -> memref<10000x128xf32, #tpu.memory_space<hbm>>
      tpu.wait_indirect_dma semaphore(%arg22 : memref<!tpu.dma_semaphore, #tpu.memory_space<semaphore_mem>>) src(%dma_wait3A_77 : memref<10000x128xf32, #tpu.memory_space<hbm>>) dst(%arg16 : memref<40x128xf32, #tpu.memory_space<vmem>>)
      %dma_wait3A_78 = arith.constant 0 : i32
      %dma_wait3A_79 = arith.constant 0 : i32
      %dma_wait3A_80 = tpu.memref_slice %arg6[%dma_wait3A_78, %dma_wait3A_79] : memref<1568x128xf32, #tpu.memory_space<hbm>> -> memref<1568x128xf32, #tpu.memory_space<hbm>>
      tpu.wait_indirect_dma semaphore(%arg22 : memref<!tpu.dma_semaphore, #tpu.memory_space<semaphore_mem>>) src(%dma_wait3A_80 : memref<1568x128xf32, #tpu.memory_space<hbm>>) dst(%arg18 : memref<40x128xf32, #tpu.memory_space<vmem>>)
      %add3A_81 = arith.constant 2 : i32
      %add3A_82 = arith.addi %add3A_56, %add3A_81 : i32
      %lt3A_83 = arith.constant 250 : i32
      %lt3A_84 = arith.cmpi slt, %add3A_82, %lt3A_83 : i32
      %convert_element_type3A_85 = arith.extui %lt3A_84 : i1 to i32
      %cond3A_86 = arith.constant 0 : i32
      %cond3A_87 = arith.cmpi ne, %convert_element_type3A_85, %cond3A_86 : i32
      scf.if %cond3A_87 {
        %add3A_157 = arith.constant 2 : i32
        %add3A_158 = arith.addi %add3A_56, %add3A_157 : i32
        %mul3A_159 = arith.constant 40 : i32
        %mul3A_160 = arith.muli %add3A_158, %mul3A_159 : i32
        %add3A_161 = arith.addi %mul3A_4, %mul3A_160 : i32
        %dma_start3A_162 = tpu.memref_slice %arg3[%add3A_161] : memref<320000xi32, #tpu.memory_space<hbm>> -> memref<40xi32, #tpu.memory_space<hbm>>
        %dma_start3A_163 = tpu.memref_slice %arg3[%add3A_161] : memref<320000xi32, #tpu.memory_space<hbm>> -> memref<40xi32, #tpu.memory_space<hbm>>
        tpu.enqueue_dma source(%dma_start3A_163 : memref<40xi32, #tpu.memory_space<hbm>>) target(%arg10 : memref<40xi32, #tpu.memory_space<vmem>>) target_semaphore(%arg26 : memref<!tpu.dma_semaphore, #tpu.memory_space<semaphore_mem>>)
        %mul3A_164 = arith.constant 40 : i32
        %mul3A_165 = arith.muli %add3A_158, %mul3A_164 : i32
        %add3A_166 = arith.addi %mul3A_4, %mul3A_165 : i32
        %dma_start3A_167 = tpu.memref_slice %arg5[%add3A_166] : memref<320000xi32, #tpu.memory_space<hbm>> -> memref<40xi32, #tpu.memory_space<hbm>>
        %dma_start3A_168 = tpu.memref_slice %arg5[%add3A_166] : memref<320000xi32, #tpu.memory_space<hbm>> -> memref<40xi32, #tpu.memory_space<hbm>>
        tpu.enqueue_dma source(%dma_start3A_168 : memref<40xi32, #tpu.memory_space<hbm>>) target(%arg12 : memref<40xi32, #tpu.memory_space<vmem>>) target_semaphore(%arg26 : memref<!tpu.dma_semaphore, #tpu.memory_space<semaphore_mem>>)
      } else {
      }
      %scan3A_88 = arith.constant 0 : i32
      %scan3A_89 = arith.constant 40 : i32
      %scan3A_90 = arith.addi %scan3A_88, %scan3A_89 : i32
      %scan3A_91 = arith.constant 8 : i32
      scf.for %scan3A_157 = %scan3A_88 to %scan3A_90 step %scan3A_91  : i32 {
        %mul3A_158 = arith.constant 1 : i32
        %mul3A_159 = arith.muli %scan3A_157, %mul3A_158 : i32
        %add3A_160 = arith.constant 0 : i32
        %add3A_161 = arith.addi %add3A_160, %mul3A_159 : i32
        %get3A = arith.index_cast %add3A_161 : i32 to index
        %get3A_162 = arith.constant 0 : index
        %get3A_163 = tpu.vector_load %arg16[%get3A, %get3A_162] {strides = array<i32>} : memref<40x128xf32, #tpu.memory_space<vmem>>, vector<1x16xf32>,
        %get3A_164 = vector.shape_cast %get3A_163 : vector<1x16xf32> to vector<16xf32>
        %get3A_165 = arith.index_cast %add3A_161 : i32 to index
        %get3A_166 = arith.constant 0 : index
        %get3A_167 = tpu.vector_load %arg18[%get3A_165, %get3A_166] {strides = array<i32>} : memref<40x128xf32, #tpu.memory_space<vmem>>, vector<1x16xf32>,
        %get3A_168 = vector.shape_cast %get3A_167 : vector<1x16xf32> to vector<16xf32>
        %mul3A_169 = arith.mulf %get3A_164, %get3A_168 : vector<16xf32>
        %swap3A = arith.index_cast %add3A_161 : i32 to index
        %swap3A_170 = arith.constant 0 : index
        %swap3A_171 = tpu.vector_load %arg20[%swap3A, %swap3A_170] {strides = array<i32>} : memref<40x128xf32, #tpu.memory_space<vmem>>, vector<1x16xf32>,
        %swap3A_172 = vector.shape_cast %swap3A_171 : vector<1x16xf32> to vector<16xf32>
        %swap3A_173 = vector.shape_cast %mul3A_169 : vector<16xf32> to vector<1x16xf32>
        tpu.vector_store %arg20[%swap3A, %swap3A_170], %swap3A_173 {strides = array<i32>} : memref<40x128xf32, #tpu.memory_space<vmem>>, vector<1x16xf32>,
        %get3A_174 = arith.index_cast %add3A_161 : i32 to index
        %get3A_175 = arith.constant 16 : index
        %get3A_176 = tpu.vector_load %arg16[%get3A_174, %get3A_175] {strides = array<i32>} : memref<40x128xf32, #tpu.memory_space<vmem>>, vector<1x16xf32>,
        %get3A_177 = vector.shape_cast %get3A_176 : vector<1x16xf32> to vector<16xf32>
        %get3A_178 = arith.index_cast %add3A_161 : i32 to index
        %get3A_179 = arith.constant 16 : index
        %get3A_180 = tpu.vector_load %arg18[%get3A_178, %get3A_179] {strides = array<i32>} : memref<40x128xf32, #tpu.memory_space<vmem>>, vector<1x16xf32>,
        %get3A_181 = vector.shape_cast %get3A_180 : vector<1x16xf32> to vector<16xf32>
        %mul3A_182 = arith.mulf %get3A_177, %get3A_181 : vector<16xf32>
        %swap3A_183 = arith.index_cast %add3A_161 : i32 to index
        %swap3A_184 = arith.constant 16 : index
        %swap3A_185 = tpu.vector_load %arg20[%swap3A_183, %swap3A_184] {strides = array<i32>} : memref<40x128xf32, #tpu.memory_space<vmem>>, vector<1x16xf32>,
        %swap3A_186 = vector.shape_cast %swap3A_185 : vector<1x16xf32> to vector<16xf32>
        %swap3A_187 = vector.shape_cast %mul3A_182 : vector<16xf32> to vector<1x16xf32>
        tpu.vector_store %arg20[%swap3A_183, %swap3A_184], %swap3A_187 {strides = array<i32>} : memref<40x128xf32, #tpu.memory_space<vmem>>, vector<1x16xf32>,
        %get3A_188 = arith.index_cast %add3A_161 : i32 to index
        %get3A_189 = arith.constant 32 : index
        %get3A_190 = tpu.vector_load %arg16[%get3A_188, %get3A_189] {strides = array<i32>} : memref<40x128xf32, #tpu.memory_space<vmem>>, vector<1x16xf32>,
        %get3A_191 = vector.shape_cast %get3A_190 : vector<1x16xf32> to vector<16xf32>
        %get3A_192 = arith.index_cast %add3A_161 : i32 to index
        %get3A_193 = arith.constant 32 : index
        %get3A_194 = tpu.vector_load %arg18[%get3A_192, %get3A_193] {strides = array<i32>} : memref<40x128xf32, #tpu.memory_space<vmem>>, vector<1x16xf32>,
        %get3A_195 = vector.shape_cast %get3A_194 : vector<1x16xf32> to vector<16xf32>
        %mul3A_196 = arith.mulf %get3A_191, %get3A_195 : vector<16xf32>
        %swap3A_197 = arith.index_cast %add3A_161 : i32 to index
        %swap3A_198 = arith.constant 32 : index
        %swap3A_199 = tpu.vector_load %arg20[%swap3A_197, %swap3A_198] {strides = array<i32>} : memref<40x128xf32, #tpu.memory_space<vmem>>, vector<1x16xf32>,
        %swap3A_200 = vector.shape_cast %swap3A_199 : vector<1x16xf32> to vector<16xf32>
        %swap3A_201 = vector.shape_cast %mul3A_196 : vector<16xf32> to vector<1x16xf32>
        tpu.vector_store %arg20[%swap3A_197, %swap3A_198], %swap3A_201 {strides = array<i32>} : memref<40x128xf32, #tpu.memory_space<vmem>>, vector<1x16xf32>,
        %get3A_202 = arith.index_cast %add3A_161 : i32 to index
        %get3A_203 = arith.constant 48 : index
        %get3A_204 = tpu.vector_load %arg16[%get3A_202, %get3A_203] {strides = array<i32>} : memref<40x128xf32, #tpu.memory_space<vmem>>, vector<1x16xf32>,
        %get3A_205 = vector.shape_cast %get3A_204 : vector<1x16xf32> to vector<16xf32>
        %get3A_206 = arith.index_cast %add3A_161 : i32 to index
        %get3A_207 = arith.constant 48 : index
        %get3A_208 = tpu.vector_load %arg18[%get3A_206, %get3A_207] {strides = array<i32>} : memref<40x128xf32, #tpu.memory_space<vmem>>, vector<1x16xf32>,
        %get3A_209 = vector.shape_cast %get3A_208 : vector<1x16xf32> to vector<16xf32>
        %mul3A_210 = arith.mulf %get3A_205, %get3A_209 : vector<16xf32>
        %swap3A_211 = arith.index_cast %add3A_161 : i32 to index
        %swap3A_212 = arith.constant 48 : index
        %swap3A_213 = tpu.vector_load %arg20[%swap3A_211, %swap3A_212] {strides = array<i32>} : memref<40x128xf32, #tpu.memory_space<vmem>>, vector<1x16xf32>,
        %swap3A_214 = vector.shape_cast %swap3A_213 : vector<1x16xf32> to vector<16xf32>
        %swap3A_215 = vector.shape_cast %mul3A_210 : vector<16xf32> to vector<1x16xf32>
        tpu.vector_store %arg20[%swap3A_211, %swap3A_212], %swap3A_215 {strides = array<i32>} : memref<40x128xf32, #tpu.memory_space<vmem>>, vector<1x16xf32>,
        %get3A_216 = arith.index_cast %add3A_161 : i32 to index
        %get3A_217 = arith.constant 64 : index
        %get3A_218 = tpu.vector_load %arg16[%get3A_216, %get3A_217] {strides = array<i32>} : memref<40x128xf32, #tpu.memory_space<vmem>>, vector<1x16xf32>,
        %get3A_219 = vector.shape_cast %get3A_218 : vector<1x16xf32> to vector<16xf32>
        %get3A_220 = arith.index_cast %add3A_161 : i32 to index
        %get3A_221 = arith.constant 64 : index
        %get3A_222 = tpu.vector_load %arg18[%get3A_220, %get3A_221] {strides = array<i32>} : memref<40x128xf32, #tpu.memory_space<vmem>>, vector<1x16xf32>,
        %get3A_223 = vector.shape_cast %get3A_222 : vector<1x16xf32> to vector<16xf32>
        %mul3A_224 = arith.mulf %get3A_219, %get3A_223 : vector<16xf32>
        %swap3A_225 = arith.index_cast %add3A_161 : i32 to index
        %swap3A_226 = arith.constant 64 : index
        %swap3A_227 = tpu.vector_load %arg20[%swap3A_225, %swap3A_226] {strides = array<i32>} : memref<40x128xf32, #tpu.memory_space<vmem>>, vector<1x16xf32>,
        %swap3A_228 = vector.shape_cast %swap3A_227 : vector<1x16xf32> to vector<16xf32>
        %swap3A_229 = vector.shape_cast %mul3A_224 : vector<16xf32> to vector<1x16xf32>
        tpu.vector_store %arg20[%swap3A_225, %swap3A_226], %swap3A_229 {strides = array<i32>} : memref<40x128xf32, #tpu.memory_space<vmem>>, vector<1x16xf32>,
        %get3A_230 = arith.index_cast %add3A_161 : i32 to index
        %get3A_231 = arith.constant 80 : index
        %get3A_232 = tpu.vector_load %arg16[%get3A_230, %get3A_231] {strides = array<i32>} : memref<40x128xf32, #tpu.memory_space<vmem>>, vector<1x16xf32>,
        %get3A_233 = vector.shape_cast %get3A_232 : vector<1x16xf32> to vector<16xf32>
        %get3A_234 = arith.index_cast %add3A_161 : i32 to index
        %get3A_235 = arith.constant 80 : index
        %get3A_236 = tpu.vector_load %arg18[%get3A_234, %get3A_235] {strides = array<i32>} : memref<40x128xf32, #tpu.memory_space<vmem>>, vector<1x16xf32>,
        %get3A_237 = vector.shape_cast %get3A_236 : vector<1x16xf32> to vector<16xf32>
        %mul3A_238 = arith.mulf %get3A_233, %get3A_237 : vector<16xf32>
        %swap3A_239 = arith.index_cast %add3A_161 : i32 to index
        %swap3A_240 = arith.constant 80 : index
        %swap3A_241 = tpu.vector_load %arg20[%swap3A_239, %swap3A_240] {strides = array<i32>} : memref<40x128xf32, #tpu.memory_space<vmem>>, vector<1x16xf32>,
        %swap3A_242 = vector.shape_cast %swap3A_241 : vector<1x16xf32> to vector<16xf32>
        %swap3A_243 = vector.shape_cast %mul3A_238 : vector<16xf32> to vector<1x16xf32>
        tpu.vector_store %arg20[%swap3A_239, %swap3A_240], %swap3A_243 {strides = array<i32>} : memref<40x128xf32, #tpu.memory_space<vmem>>, vector<1x16xf32>,
        %get3A_244 = arith.index_cast %add3A_161 : i32 to index
        %get3A_245 = arith.constant 96 : index
        %get3A_246 = tpu.vector_load %arg16[%get3A_244, %get3A_245] {strides = array<i32>} : memref<40x128xf32, #tpu.memory_space<vmem>>, vector<1x16xf32>,
        %get3A_247 = vector.shape_cast %get3A_246 : vector<1x16xf32> to vector<16xf32>
        %get3A_248 = arith.index_cast %add3A_161 : i32 to index
        %get3A_249 = arith.constant 96 : index
        %get3A_250 = tpu.vector_load %arg18[%get3A_248, %get3A_249] {strides = array<i32>} : memref<40x128xf32, #tpu.memory_space<vmem>>, vector<1x16xf32>,
        %get3A_251 = vector.shape_cast %get3A_250 : vector<1x16xf32> to vector<16xf32>
        %mul3A_252 = arith.mulf %get3A_247, %get3A_251 : vector<16xf32>
        %swap3A_253 = arith.index_cast %add3A_161 : i32 to index
        %swap3A_254 = arith.constant 96 : index
        %swap3A_255 = tpu.vector_load %arg20[%swap3A_253, %swap3A_254] {strides = array<i32>} : memref<40x128xf32, #tpu.memory_space<vmem>>, vector<1x16xf32>,
        %swap3A_256 = vector.shape_cast %swap3A_255 : vector<1x16xf32> to vector<16xf32>
        %swap3A_257 = vector.shape_cast %mul3A_252 : vector<16xf32> to vector<1x16xf32>
        tpu.vector_store %arg20[%swap3A_253, %swap3A_254], %swap3A_257 {strides = array<i32>} : memref<40x128xf32, #tpu.memory_space<vmem>>, vector<1x16xf32>,
        %get3A_258 = arith.index_cast %add3A_161 : i32 to index
        %get3A_259 = arith.constant 112 : index
        %get3A_260 = tpu.vector_load %arg16[%get3A_258, %get3A_259] {strides = array<i32>} : memref<40x128xf32, #tpu.memory_space<vmem>>, vector<1x16xf32>,
        %get3A_261 = vector.shape_cast %get3A_260 : vector<1x16xf32> to vector<16xf32>
        %get3A_262 = arith.index_cast %add3A_161 : i32 to index
        %get3A_263 = arith.constant 112 : index
        %get3A_264 = tpu.vector_load %arg18[%get3A_262, %get3A_263] {strides = array<i32>} : memref<40x128xf32, #tpu.memory_space<vmem>>, vector<1x16xf32>,
        %get3A_265 = vector.shape_cast %get3A_264 : vector<1x16xf32> to vector<16xf32>
        %mul3A_266 = arith.mulf %get3A_261, %get3A_265 : vector<16xf32>
        %swap3A_267 = arith.index_cast %add3A_161 : i32 to index
        %swap3A_268 = arith.constant 112 : index
        %swap3A_269 = tpu.vector_load %arg20[%swap3A_267, %swap3A_268] {strides = array<i32>} : memref<40x128xf32, #tpu.memory_space<vmem>>, vector<1x16xf32>,
        %swap3A_270 = vector.shape_cast %swap3A_269 : vector<1x16xf32> to vector<16xf32>
        %swap3A_271 = vector.shape_cast %mul3A_266 : vector<16xf32> to vector<1x16xf32>
        tpu.vector_store %arg20[%swap3A_267, %swap3A_268], %swap3A_271 {strides = array<i32>} : memref<40x128xf32, #tpu.memory_space<vmem>>, vector<1x16xf32>,
        %scan3A_272 = arith.constant 1 : i32
        %scan3A_273 = arith.addi %scan3A_157, %scan3A_272 : i32
        %mul3A_274 = arith.constant 1 : i32
        %mul3A_275 = arith.muli %scan3A_273, %mul3A_274 : i32
        %add3A_276 = arith.constant 0 : i32
        %add3A_277 = arith.addi %add3A_276, %mul3A_275 : i32
        %get3A_278 = arith.index_cast %add3A_277 : i32 to index
        %get3A_279 = arith.constant 0 : index
        %get3A_280 = tpu.vector_load %arg16[%get3A_278, %get3A_279] {strides = array<i32>} : memref<40x128xf32, #tpu.memory_space<vmem>>, vector<1x16xf32>,
        %get3A_281 = vector.shape_cast %get3A_280 : vector<1x16xf32> to vector<16xf32>
        %get3A_282 = arith.index_cast %add3A_277 : i32 to index
        %get3A_283 = arith.constant 0 : index
        %get3A_284 = tpu.vector_load %arg18[%get3A_282, %get3A_283] {strides = array<i32>} : memref<40x128xf32, #tpu.memory_space<vmem>>, vector<1x16xf32>,
        %get3A_285 = vector.shape_cast %get3A_284 : vector<1x16xf32> to vector<16xf32>
        %mul3A_286 = arith.mulf %get3A_281, %get3A_285 : vector<16xf32>
        %swap3A_287 = arith.index_cast %add3A_277 : i32 to index
        %swap3A_288 = arith.constant 0 : index
        %swap3A_289 = tpu.vector_load %arg20[%swap3A_287, %swap3A_288] {strides = array<i32>} : memref<40x128xf32, #tpu.memory_space<vmem>>, vector<1x16xf32>,
        %swap3A_290 = vector.shape_cast %swap3A_289 : vector<1x16xf32> to vector<16xf32>
        %swap3A_291 = vector.shape_cast %mul3A_286 : vector<16xf32> to vector<1x16xf32>
        tpu.vector_store %arg20[%swap3A_287, %swap3A_288], %swap3A_291 {strides = array<i32>} : memref<40x128xf32, #tpu.memory_space<vmem>>, vector<1x16xf32>,
        %get3A_292 = arith.index_cast %add3A_277 : i32 to index
        %get3A_293 = arith.constant 16 : index
        %get3A_294 = tpu.vector_load %arg16[%get3A_292, %get3A_293] {strides = array<i32>} : memref<40x128xf32, #tpu.memory_space<vmem>>, vector<1x16xf32>,
        %get3A_295 = vector.shape_cast %get3A_294 : vector<1x16xf32> to vector<16xf32>
        %get3A_296 = arith.index_cast %add3A_277 : i32 to index
        %get3A_297 = arith.constant 16 : index
        %get3A_298 = tpu.vector_load %arg18[%get3A_296, %get3A_297] {strides = array<i32>} : memref<40x128xf32, #tpu.memory_space<vmem>>, vector<1x16xf32>,
        %get3A_299 = vector.shape_cast %get3A_298 : vector<1x16xf32> to vector<16xf32>
        %mul3A_300 = arith.mulf %get3A_295, %get3A_299 : vector<16xf32>
        %swap3A_301 = arith.index_cast %add3A_277 : i32 to index
        %swap3A_302 = arith.constant 16 : index
        %swap3A_303 = tpu.vector_load %arg20[%swap3A_301, %swap3A_302] {strides = array<i32>} : memref<40x128xf32, #tpu.memory_space<vmem>>, vector<1x16xf32>,
        %swap3A_304 = vector.shape_cast %swap3A_303 : vector<1x16xf32> to vector<16xf32>
        %swap3A_305 = vector.shape_cast %mul3A_300 : vector<16xf32> to vector<1x16xf32>
        tpu.vector_store %arg20[%swap3A_301, %swap3A_302], %swap3A_305 {strides = array<i32>} : memref<40x128xf32, #tpu.memory_space<vmem>>, vector<1x16xf32>,
        %get3A_306 = arith.index_cast %add3A_277 : i32 to index
        %get3A_307 = arith.constant 32 : index
        %get3A_308 = tpu.vector_load %arg16[%get3A_306, %get3A_307] {strides = array<i32>} : memref<40x128xf32, #tpu.memory_space<vmem>>, vector<1x16xf32>,
        %get3A_309 = vector.shape_cast %get3A_308 : vector<1x16xf32> to vector<16xf32>
        %get3A_310 = arith.index_cast %add3A_277 : i32 to index
        %get3A_311 = arith.constant 32 : index
        %get3A_312 = tpu.vector_load %arg18[%get3A_310, %get3A_311] {strides = array<i32>} : memref<40x128xf32, #tpu.memory_space<vmem>>, vector<1x16xf32>,
        %get3A_313 = vector.shape_cast %get3A_312 : vector<1x16xf32> to vector<16xf32>
        %mul3A_314 = arith.mulf %get3A_309, %get3A_313 : vector<16xf32>
        %swap3A_315 = arith.index_cast %add3A_277 : i32 to index
        %swap3A_316 = arith.constant 32 : index
        %swap3A_317 = tpu.vector_load %arg20[%swap3A_315, %swap3A_316] {strides = array<i32>} : memref<40x128xf32, #tpu.memory_space<vmem>>, vector<1x16xf32>,
        %swap3A_318 = vector.shape_cast %swap3A_317 : vector<1x16xf32> to vector<16xf32>
        %swap3A_319 = vector.shape_cast %mul3A_314 : vector<16xf32> to vector<1x16xf32>
        tpu.vector_store %arg20[%swap3A_315, %swap3A_316], %swap3A_319 {strides = array<i32>} : memref<40x128xf32, #tpu.memory_space<vmem>>, vector<1x16xf32>,
        %get3A_320 = arith.index_cast %add3A_277 : i32 to index
        %get3A_321 = arith.constant 48 : index
        %get3A_322 = tpu.vector_load %arg16[%get3A_320, %get3A_321] {strides = array<i32>} : memref<40x128xf32, #tpu.memory_space<vmem>>, vector<1x16xf32>,
        %get3A_323 = vector.shape_cast %get3A_322 : vector<1x16xf32> to vector<16xf32>
        %get3A_324 = arith.index_cast %add3A_277 : i32 to index
        %get3A_325 = arith.constant 48 : index
        %get3A_326 = tpu.vector_load %arg18[%get3A_324, %get3A_325] {strides = array<i32>} : memref<40x128xf32, #tpu.memory_space<vmem>>, vector<1x16xf32>,
        %get3A_327 = vector.shape_cast %get3A_326 : vector<1x16xf32> to vector<16xf32>
        %mul3A_328 = arith.mulf %get3A_323, %get3A_327 : vector<16xf32>
        %swap3A_329 = arith.index_cast %add3A_277 : i32 to index
        %swap3A_330 = arith.constant 48 : index
        %swap3A_331 = tpu.vector_load %arg20[%swap3A_329, %swap3A_330] {strides = array<i32>} : memref<40x128xf32, #tpu.memory_space<vmem>>, vector<1x16xf32>,
        %swap3A_332 = vector.shape_cast %swap3A_331 : vector<1x16xf32> to vector<16xf32>
        %swap3A_333 = vector.shape_cast %mul3A_328 : vector<16xf32> to vector<1x16xf32>
        tpu.vector_store %arg20[%swap3A_329, %swap3A_330], %swap3A_333 {strides = array<i32>} : memref<40x128xf32, #tpu.memory_space<vmem>>, vector<1x16xf32>,
        %get3A_334 = arith.index_cast %add3A_277 : i32 to index
        %get3A_335 = arith.constant 64 : index
        %get3A_336 = tpu.vector_load %arg16[%get3A_334, %get3A_335] {strides = array<i32>} : memref<40x128xf32, #tpu.memory_space<vmem>>, vector<1x16xf32>,
        %get3A_337 = vector.shape_cast %get3A_336 : vector<1x16xf32> to vector<16xf32>
        %get3A_338 = arith.index_cast %add3A_277 : i32 to index
        %get3A_339 = arith.constant 64 : index
        %get3A_340 = tpu.vector_load %arg18[%get3A_338, %get3A_339] {strides = array<i32>} : memref<40x128xf32, #tpu.memory_space<vmem>>, vector<1x16xf32>,
        %get3A_341 = vector.shape_cast %get3A_340 : vector<1x16xf32> to vector<16xf32>
        %mul3A_342 = arith.mulf %get3A_337, %get3A_341 : vector<16xf32>
        %swap3A_343 = arith.index_cast %add3A_277 : i32 to index
        %swap3A_344 = arith.constant 64 : index
        %swap3A_345 = tpu.vector_load %arg20[%swap3A_343, %swap3A_344] {strides = array<i32>} : memref<40x128xf32, #tpu.memory_space<vmem>>, vector<1x16xf32>,
        %swap3A_346 = vector.shape_cast %swap3A_345 : vector<1x16xf32> to vector<16xf32>
        %swap3A_347 = vector.shape_cast %mul3A_342 : vector<16xf32> to vector<1x16xf32>
        tpu.vector_store %arg20[%swap3A_343, %swap3A_344], %swap3A_347 {strides = array<i32>} : memref<40x128xf32, #tpu.memory_space<vmem>>, vector<1x16xf32>,
        %get3A_348 = arith.index_cast %add3A_277 : i32 to index
        %get3A_349 = arith.constant 80 : index
        %get3A_350 = tpu.vector_load %arg16[%get3A_348, %get3A_349] {strides = array<i32>} : memref<40x128xf32, #tpu.memory_space<vmem>>, vector<1x16xf32>,
        %get3A_351 = vector.shape_cast %get3A_350 : vector<1x16xf32> to vector<16xf32>
        %get3A_352 = arith.index_cast %add3A_277 : i32 to index
        %get3A_353 = arith.constant 80 : index
        %get3A_354 = tpu.vector_load %arg18[%get3A_352, %get3A_353] {strides = array<i32>} : memref<40x128xf32, #tpu.memory_space<vmem>>, vector<1x16xf32>,
        %get3A_355 = vector.shape_cast %get3A_354 : vector<1x16xf32> to vector<16xf32>
        %mul3A_356 = arith.mulf %get3A_351, %get3A_355 : vector<16xf32>
        %swap3A_357 = arith.index_cast %add3A_277 : i32 to index
        %swap3A_358 = arith.constant 80 : index
        %swap3A_359 = tpu.vector_load %arg20[%swap3A_357, %swap3A_358] {strides = array<i32>} : memref<40x128xf32, #tpu.memory_space<vmem>>, vector<1x16xf32>,
        %swap3A_360 = vector.shape_cast %swap3A_359 : vector<1x16xf32> to vector<16xf32>
        %swap3A_361 = vector.shape_cast %mul3A_356 : vector<16xf32> to vector<1x16xf32>
        tpu.vector_store %arg20[%swap3A_357, %swap3A_358], %swap3A_361 {strides = array<i32>} : memref<40x128xf32, #tpu.memory_space<vmem>>, vector<1x16xf32>,
        %get3A_362 = arith.index_cast %add3A_277 : i32 to index
        %get3A_363 = arith.constant 96 : index
        %get3A_364 = tpu.vector_load %arg16[%get3A_362, %get3A_363] {strides = array<i32>} : memref<40x128xf32, #tpu.memory_space<vmem>>, vector<1x16xf32>,
        %get3A_365 = vector.shape_cast %get3A_364 : vector<1x16xf32> to vector<16xf32>
        %get3A_366 = arith.index_cast %add3A_277 : i32 to index
        %get3A_367 = arith.constant 96 : index
        %get3A_368 = tpu.vector_load %arg18[%get3A_366, %get3A_367] {strides = array<i32>} : memref<40x128xf32, #tpu.memory_space<vmem>>, vector<1x16xf32>,
        %get3A_369 = vector.shape_cast %get3A_368 : vector<1x16xf32> to vector<16xf32>
        %mul3A_370 = arith.mulf %get3A_365, %get3A_369 : vector<16xf32>
        %swap3A_371 = arith.index_cast %add3A_277 : i32 to index
        %swap3A_372 = arith.constant 96 : index
        %swap3A_373 = tpu.vector_load %arg20[%swap3A_371, %swap3A_372] {strides = array<i32>} : memref<40x128xf32, #tpu.memory_space<vmem>>, vector<1x16xf32>,
        %swap3A_374 = vector.shape_cast %swap3A_373 : vector<1x16xf32> to vector<16xf32>
        %swap3A_375 = vector.shape_cast %mul3A_370 : vector<16xf32> to vector<1x16xf32>
        tpu.vector_store %arg20[%swap3A_371, %swap3A_372], %swap3A_375 {strides = array<i32>} : memref<40x128xf32, #tpu.memory_space<vmem>>, vector<1x16xf32>,
        %get3A_376 = arith.index_cast %add3A_277 : i32 to index
        %get3A_377 = arith.constant 112 : index
        %get3A_378 = tpu.vector_load %arg16[%get3A_376, %get3A_377] {strides = array<i32>} : memref<40x128xf32, #tpu.memory_space<vmem>>, vector<1x16xf32>,
        %get3A_379 = vector.shape_cast %get3A_378 : vector<1x16xf32> to vector<16xf32>
        %get3A_380 = arith.index_cast %add3A_277 : i32 to index
        %get3A_381 = arith.constant 112 : index
        %get3A_382 = tpu.vector_load %arg18[%get3A_380, %get3A_381] {strides = array<i32>} : memref<40x128xf32, #tpu.memory_space<vmem>>, vector<1x16xf32>,
        %get3A_383 = vector.shape_cast %get3A_382 : vector<1x16xf32> to vector<16xf32>
        %mul3A_384 = arith.mulf %get3A_379, %get3A_383 : vector<16xf32>
        %swap3A_385 = arith.index_cast %add3A_277 : i32 to index
        %swap3A_386 = arith.constant 112 : index
        %swap3A_387 = tpu.vector_load %arg20[%swap3A_385, %swap3A_386] {strides = array<i32>} : memref<40x128xf32, #tpu.memory_space<vmem>>, vector<1x16xf32>,
        %swap3A_388 = vector.shape_cast %swap3A_387 : vector<1x16xf32> to vector<16xf32>
        %swap3A_389 = vector.shape_cast %mul3A_384 : vector<16xf32> to vector<1x16xf32>
        tpu.vector_store %arg20[%swap3A_385, %swap3A_386], %swap3A_389 {strides = array<i32>} : memref<40x128xf32, #tpu.memory_space<vmem>>, vector<1x16xf32>,
        %scan3A_390 = arith.constant 2 : i32
        %scan3A_391 = arith.addi %scan3A_157, %scan3A_390 : i32
        %mul3A_392 = arith.constant 1 : i32
        %mul3A_393 = arith.muli %scan3A_391, %mul3A_392 : i32
        %add3A_394 = arith.constant 0 : i32
        %add3A_395 = arith.addi %add3A_394, %mul3A_393 : i32
        %get3A_396 = arith.index_cast %add3A_395 : i32 to index
        %get3A_397 = arith.constant 0 : index
        %get3A_398 = tpu.vector_load %arg16[%get3A_396, %get3A_397] {strides = array<i32>} : memref<40x128xf32, #tpu.memory_space<vmem>>, vector<1x16xf32>,
        %get3A_399 = vector.shape_cast %get3A_398 : vector<1x16xf32> to vector<16xf32>
        %get3A_400 = arith.index_cast %add3A_395 : i32 to index
        %get3A_401 = arith.constant 0 : index
        %get3A_402 = tpu.vector_load %arg18[%get3A_400, %get3A_401] {strides = array<i32>} : memref<40x128xf32, #tpu.memory_space<vmem>>, vector<1x16xf32>,
        %get3A_403 = vector.shape_cast %get3A_402 : vector<1x16xf32> to vector<16xf32>
        %mul3A_404 = arith.mulf %get3A_399, %get3A_403 : vector<16xf32>
        %swap3A_405 = arith.index_cast %add3A_395 : i32 to index
        %swap3A_406 = arith.constant 0 : index
        %swap3A_407 = tpu.vector_load %arg20[%swap3A_405, %swap3A_406] {strides = array<i32>} : memref<40x128xf32, #tpu.memory_space<vmem>>, vector<1x16xf32>,
        %swap3A_408 = vector.shape_cast %swap3A_407 : vector<1x16xf32> to vector<16xf32>
        %swap3A_409 = vector.shape_cast %mul3A_404 : vector<16xf32> to vector<1x16xf32>
        tpu.vector_store %arg20[%swap3A_405, %swap3A_406], %swap3A_409 {strides = array<i32>} : memref<40x128xf32, #tpu.memory_space<vmem>>, vector<1x16xf32>,
        %get3A_410 = arith.index_cast %add3A_395 : i32 to index
        %get3A_411 = arith.constant 16 : index
        %get3A_412 = tpu.vector_load %arg16[%get3A_410, %get3A_411] {strides = array<i32>} : memref<40x128xf32, #tpu.memory_space<vmem>>, vector<1x16xf32>,
        %get3A_413 = vector.shape_cast %get3A_412 : vector<1x16xf32> to vector<16xf32>
        %get3A_414 = arith.index_cast %add3A_395 : i32 to index
        %get3A_415 = arith.constant 16 : index
        %get3A_416 = tpu.vector_load %arg18[%get3A_414, %get3A_415] {strides = array<i32>} : memref<40x128xf32, #tpu.memory_space<vmem>>, vector<1x16xf32>,
        %get3A_417 = vector.shape_cast %get3A_416 : vector<1x16xf32> to vector<16xf32>
        %mul3A_418 = arith.mulf %get3A_413, %get3A_417 : vector<16xf32>
        %swap3A_419 = arith.index_cast %add3A_395 : i32 to index
        %swap3A_420 = arith.constant 16 : index
        %swap3A_421 = tpu.vector_load %arg20[%swap3A_419, %swap3A_420] {strides = array<i32>} : memref<40x128xf32, #tpu.memory_space<vmem>>, vector<1x16xf32>,
        %swap3A_422 = vector.shape_cast %swap3A_421 : vector<1x16xf32> to vector<16xf32>
        %swap3A_423 = vector.shape_cast %mul3A_418 : vector<16xf32> to vector<1x16xf32>
        tpu.vector_store %arg20[%swap3A_419, %swap3A_420], %swap3A_423 {strides = array<i32>} : memref<40x128xf32, #tpu.memory_space<vmem>>, vector<1x16xf32>,
        %get3A_424 = arith.index_cast %add3A_395 : i32 to index
        %get3A_425 = arith.constant 32 : index
        %get3A_426 = tpu.vector_load %arg16[%get3A_424, %get3A_425] {strides = array<i32>} : memref<40x128xf32, #tpu.memory_space<vmem>>, vector<1x16xf32>,
        %get3A_427 = vector.shape_cast %get3A_426 : vector<1x16xf32> to vector<16xf32>
        %get3A_428 = arith.index_cast %add3A_395 : i32 to index
        %get3A_429 = arith.constant 32 : index
        %get3A_430 = tpu.vector_load %arg18[%get3A_428, %get3A_429] {strides = array<i32>} : memref<40x128xf32, #tpu.memory_space<vmem>>, vector<1x16xf32>,
        %get3A_431 = vector.shape_cast %get3A_430 : vector<1x16xf32> to vector<16xf32>
        %mul3A_432 = arith.mulf %get3A_427, %get3A_431 : vector<16xf32>
        %swap3A_433 = arith.index_cast %add3A_395 : i32 to index
        %swap3A_434 = arith.constant 32 : index
        %swap3A_435 = tpu.vector_load %arg20[%swap3A_433, %swap3A_434] {strides = array<i32>} : memref<40x128xf32, #tpu.memory_space<vmem>>, vector<1x16xf32>,
        %swap3A_436 = vector.shape_cast %swap3A_435 : vector<1x16xf32> to vector<16xf32>
        %swap3A_437 = vector.shape_cast %mul3A_432 : vector<16xf32> to vector<1x16xf32>
        tpu.vector_store %arg20[%swap3A_433, %swap3A_434], %swap3A_437 {strides = array<i32>} : memref<40x128xf32, #tpu.memory_space<vmem>>, vector<1x16xf32>,
        %get3A_438 = arith.index_cast %add3A_395 : i32 to index
        %get3A_439 = arith.constant 48 : index
        %get3A_440 = tpu.vector_load %arg16[%get3A_438, %get3A_439] {strides = array<i32>} : memref<40x128xf32, #tpu.memory_space<vmem>>, vector<1x16xf32>,
        %get3A_441 = vector.shape_cast %get3A_440 : vector<1x16xf32> to vector<16xf32>
        %get3A_442 = arith.index_cast %add3A_395 : i32 to index
        %get3A_443 = arith.constant 48 : index
        %get3A_444 = tpu.vector_load %arg18[%get3A_442, %get3A_443] {strides = array<i32>} : memref<40x128xf32, #tpu.memory_space<vmem>>, vector<1x16xf32>,
        %get3A_445 = vector.shape_cast %get3A_444 : vector<1x16xf32> to vector<16xf32>
        %mul3A_446 = arith.mulf %get3A_441, %get3A_445 : vector<16xf32>
        %swap3A_447 = arith.index_cast %add3A_395 : i32 to index
        %swap3A_448 = arith.constant 48 : index
        %swap3A_449 = tpu.vector_load %arg20[%swap3A_447, %swap3A_448] {strides = array<i32>} : memref<40x128xf32, #tpu.memory_space<vmem>>, vector<1x16xf32>,
        %swap3A_450 = vector.shape_cast %swap3A_449 : vector<1x16xf32> to vector<16xf32>
        %swap3A_451 = vector.shape_cast %mul3A_446 : vector<16xf32> to vector<1x16xf32>
        tpu.vector_store %arg20[%swap3A_447, %swap3A_448], %swap3A_451 {strides = array<i32>} : memref<40x128xf32, #tpu.memory_space<vmem>>, vector<1x16xf32>,
        %get3A_452 = arith.index_cast %add3A_395 : i32 to index
        %get3A_453 = arith.constant 64 : index
        %get3A_454 = tpu.vector_load %arg16[%get3A_452, %get3A_453] {strides = array<i32>} : memref<40x128xf32, #tpu.memory_space<vmem>>, vector<1x16xf32>,
        %get3A_455 = vector.shape_cast %get3A_454 : vector<1x16xf32> to vector<16xf32>
        %get3A_456 = arith.index_cast %add3A_395 : i32 to index
        %get3A_457 = arith.constant 64 : index
        %get3A_458 = tpu.vector_load %arg18[%get3A_456, %get3A_457] {strides = array<i32>} : memref<40x128xf32, #tpu.memory_space<vmem>>, vector<1x16xf32>,
        %get3A_459 = vector.shape_cast %get3A_458 : vector<1x16xf32> to vector<16xf32>
        %mul3A_460 = arith.mulf %get3A_455, %get3A_459 : vector<16xf32>
        %swap3A_461 = arith.index_cast %add3A_395 : i32 to index
        %swap3A_462 = arith.constant 64 : index
        %swap3A_463 = tpu.vector_load %arg20[%swap3A_461, %swap3A_462] {strides = array<i32>} : memref<40x128xf32, #tpu.memory_space<vmem>>, vector<1x16xf32>,
        %swap3A_464 = vector.shape_cast %swap3A_463 : vector<1x16xf32> to vector<16xf32>
        %swap3A_465 = vector.shape_cast %mul3A_460 : vector<16xf32> to vector<1x16xf32>
        tpu.vector_store %arg20[%swap3A_461, %swap3A_462], %swap3A_465 {strides = array<i32>} : memref<40x128xf32, #tpu.memory_space<vmem>>, vector<1x16xf32>,
        %get3A_466 = arith.index_cast %add3A_395 : i32 to index
        %get3A_467 = arith.constant 80 : index
        %get3A_468 = tpu.vector_load %arg16[%get3A_466, %get3A_467] {strides = array<i32>} : memref<40x128xf32, #tpu.memory_space<vmem>>, vector<1x16xf32>,
        %get3A_469 = vector.shape_cast %get3A_468 : vector<1x16xf32> to vector<16xf32>
        %get3A_470 = arith.index_cast %add3A_395 : i32 to index
        %get3A_471 = arith.constant 80 : index
        %get3A_472 = tpu.vector_load %arg18[%get3A_470, %get3A_471] {strides = array<i32>} : memref<40x128xf32, #tpu.memory_space<vmem>>, vector<1x16xf32>,
        %get3A_473 = vector.shape_cast %get3A_472 : vector<1x16xf32> to vector<16xf32>
        %mul3A_474 = arith.mulf %get3A_469, %get3A_473 : vector<16xf32>
        %swap3A_475 = arith.index_cast %add3A_395 : i32 to index
        %swap3A_476 = arith.constant 80 : index
        %swap3A_477 = tpu.vector_load %arg20[%swap3A_475, %swap3A_476] {strides = array<i32>} : memref<40x128xf32, #tpu.memory_space<vmem>>, vector<1x16xf32>,
        %swap3A_478 = vector.shape_cast %swap3A_477 : vector<1x16xf32> to vector<16xf32>
        %swap3A_479 = vector.shape_cast %mul3A_474 : vector<16xf32> to vector<1x16xf32>
        tpu.vector_store %arg20[%swap3A_475, %swap3A_476], %swap3A_479 {strides = array<i32>} : memref<40x128xf32, #tpu.memory_space<vmem>>, vector<1x16xf32>,
        %get3A_480 = arith.index_cast %add3A_395 : i32 to index
        %get3A_481 = arith.constant 96 : index
        %get3A_482 = tpu.vector_load %arg16[%get3A_480, %get3A_481] {strides = array<i32>} : memref<40x128xf32, #tpu.memory_space<vmem>>, vector<1x16xf32>,
        %get3A_483 = vector.shape_cast %get3A_482 : vector<1x16xf32> to vector<16xf32>
        %get3A_484 = arith.index_cast %add3A_395 : i32 to index
        %get3A_485 = arith.constant 96 : index
        %get3A_486 = tpu.vector_load %arg18[%get3A_484, %get3A_485] {strides = array<i32>} : memref<40x128xf32, #tpu.memory_space<vmem>>, vector<1x16xf32>,
        %get3A_487 = vector.shape_cast %get3A_486 : vector<1x16xf32> to vector<16xf32>
        %mul3A_488 = arith.mulf %get3A_483, %get3A_487 : vector<16xf32>
        %swap3A_489 = arith.index_cast %add3A_395 : i32 to index
        %swap3A_490 = arith.constant 96 : index
        %swap3A_491 = tpu.vector_load %arg20[%swap3A_489, %swap3A_490] {strides = array<i32>} : memref<40x128xf32, #tpu.memory_space<vmem>>, vector<1x16xf32>,
        %swap3A_492 = vector.shape_cast %swap3A_491 : vector<1x16xf32> to vector<16xf32>
        %swap3A_493 = vector.shape_cast %mul3A_488 : vector<16xf32> to vector<1x16xf32>
        tpu.vector_store %arg20[%swap3A_489, %swap3A_490], %swap3A_493 {strides = array<i32>} : memref<40x128xf32, #tpu.memory_space<vmem>>, vector<1x16xf32>,
        %get3A_494 = arith.index_cast %add3A_395 : i32 to index
        %get3A_495 = arith.constant 112 : index
        %get3A_496 = tpu.vector_load %arg16[%get3A_494, %get3A_495] {strides = array<i32>} : memref<40x128xf32, #tpu.memory_space<vmem>>, vector<1x16xf32>,
        %get3A_497 = vector.shape_cast %get3A_496 : vector<1x16xf32> to vector<16xf32>
        %get3A_498 = arith.index_cast %add3A_395 : i32 to index
        %get3A_499 = arith.constant 112 : index
        %get3A_500 = tpu.vector_load %arg18[%get3A_498, %get3A_499] {strides = array<i32>} : memref<40x128xf32, #tpu.memory_space<vmem>>, vector<1x16xf32>,
        %get3A_501 = vector.shape_cast %get3A_500 : vector<1x16xf32> to vector<16xf32>
        %mul3A_502 = arith.mulf %get3A_497, %get3A_501 : vector<16xf32>
        %swap3A_503 = arith.index_cast %add3A_395 : i32 to index
        %swap3A_504 = arith.constant 112 : index
        %swap3A_505 = tpu.vector_load %arg20[%swap3A_503, %swap3A_504] {strides = array<i32>} : memref<40x128xf32, #tpu.memory_space<vmem>>, vector<1x16xf32>,
        %swap3A_506 = vector.shape_cast %swap3A_505 : vector<1x16xf32> to vector<16xf32>
        %swap3A_507 = vector.shape_cast %mul3A_502 : vector<16xf32> to vector<1x16xf32>
        tpu.vector_store %arg20[%swap3A_503, %swap3A_504], %swap3A_507 {strides = array<i32>} : memref<40x128xf32, #tpu.memory_space<vmem>>, vector<1x16xf32>,
        %scan3A_508 = arith.constant 3 : i32
        %scan3A_509 = arith.addi %scan3A_157, %scan3A_508 : i32
        %mul3A_510 = arith.constant 1 : i32
        %mul3A_511 = arith.muli %scan3A_509, %mul3A_510 : i32
        %add3A_512 = arith.constant 0 : i32
        %add3A_513 = arith.addi %add3A_512, %mul3A_511 : i32
        %get3A_514 = arith.index_cast %add3A_513 : i32 to index
        %get3A_515 = arith.constant 0 : index
        %get3A_516 = tpu.vector_load %arg16[%get3A_514, %get3A_515] {strides = array<i32>} : memref<40x128xf32, #tpu.memory_space<vmem>>, vector<1x16xf32>,
        %get3A_517 = vector.shape_cast %get3A_516 : vector<1x16xf32> to vector<16xf32>
        %get3A_518 = arith.index_cast %add3A_513 : i32 to index
        %get3A_519 = arith.constant 0 : index
        %get3A_520 = tpu.vector_load %arg18[%get3A_518, %get3A_519] {strides = array<i32>} : memref<40x128xf32, #tpu.memory_space<vmem>>, vector<1x16xf32>,
        %get3A_521 = vector.shape_cast %get3A_520 : vector<1x16xf32> to vector<16xf32>
        %mul3A_522 = arith.mulf %get3A_517, %get3A_521 : vector<16xf32>
        %swap3A_523 = arith.index_cast %add3A_513 : i32 to index
        %swap3A_524 = arith.constant 0 : index
        %swap3A_525 = tpu.vector_load %arg20[%swap3A_523, %swap3A_524] {strides = array<i32>} : memref<40x128xf32, #tpu.memory_space<vmem>>, vector<1x16xf32>,
        %swap3A_526 = vector.shape_cast %swap3A_525 : vector<1x16xf32> to vector<16xf32>
        %swap3A_527 = vector.shape_cast %mul3A_522 : vector<16xf32> to vector<1x16xf32>
        tpu.vector_store %arg20[%swap3A_523, %swap3A_524], %swap3A_527 {strides = array<i32>} : memref<40x128xf32, #tpu.memory_space<vmem>>, vector<1x16xf32>,
        %get3A_528 = arith.index_cast %add3A_513 : i32 to index
        %get3A_529 = arith.constant 16 : index
        %get3A_530 = tpu.vector_load %arg16[%get3A_528, %get3A_529] {strides = array<i32>} : memref<40x128xf32, #tpu.memory_space<vmem>>, vector<1x16xf32>,
        %get3A_531 = vector.shape_cast %get3A_530 : vector<1x16xf32> to vector<16xf32>
        %get3A_532 = arith.index_cast %add3A_513 : i32 to index
        %get3A_533 = arith.constant 16 : index
        %get3A_534 = tpu.vector_load %arg18[%get3A_532, %get3A_533] {strides = array<i32>} : memref<40x128xf32, #tpu.memory_space<vmem>>, vector<1x16xf32>,
        %get3A_535 = vector.shape_cast %get3A_534 : vector<1x16xf32> to vector<16xf32>
        %mul3A_536 = arith.mulf %get3A_531, %get3A_535 : vector<16xf32>
        %swap3A_537 = arith.index_cast %add3A_513 : i32 to index
        %swap3A_538 = arith.constant 16 : index
        %swap3A_539 = tpu.vector_load %arg20[%swap3A_537, %swap3A_538] {strides = array<i32>} : memref<40x128xf32, #tpu.memory_space<vmem>>, vector<1x16xf32>,
        %swap3A_540 = vector.shape_cast %swap3A_539 : vector<1x16xf32> to vector<16xf32>
        %swap3A_541 = vector.shape_cast %mul3A_536 : vector<16xf32> to vector<1x16xf32>
        tpu.vector_store %arg20[%swap3A_537, %swap3A_538], %swap3A_541 {strides = array<i32>} : memref<40x128xf32, #tpu.memory_space<vmem>>, vector<1x16xf32>,
        %get3A_542 = arith.index_cast %add3A_513 : i32 to index
        %get3A_543 = arith.constant 32 : index
        %get3A_544 = tpu.vector_load %arg16[%get3A_542, %get3A_543] {strides = array<i32>} : memref<40x128xf32, #tpu.memory_space<vmem>>, vector<1x16xf32>,
        %get3A_545 = vector.shape_cast %get3A_544 : vector<1x16xf32> to vector<16xf32>
        %get3A_546 = arith.index_cast %add3A_513 : i32 to index
        %get3A_547 = arith.constant 32 : index
        %get3A_548 = tpu.vector_load %arg18[%get3A_546, %get3A_547] {strides = array<i32>} : memref<40x128xf32, #tpu.memory_space<vmem>>, vector<1x16xf32>,
        %get3A_549 = vector.shape_cast %get3A_548 : vector<1x16xf32> to vector<16xf32>
        %mul3A_550 = arith.mulf %get3A_545, %get3A_549 : vector<16xf32>
        %swap3A_551 = arith.index_cast %add3A_513 : i32 to index
        %swap3A_552 = arith.constant 32 : index
        %swap3A_553 = tpu.vector_load %arg20[%swap3A_551, %swap3A_552] {strides = array<i32>} : memref<40x128xf32, #tpu.memory_space<vmem>>, vector<1x16xf32>,
        %swap3A_554 = vector.shape_cast %swap3A_553 : vector<1x16xf32> to vector<16xf32>
        %swap3A_555 = vector.shape_cast %mul3A_550 : vector<16xf32> to vector<1x16xf32>
        tpu.vector_store %arg20[%swap3A_551, %swap3A_552], %swap3A_555 {strides = array<i32>} : memref<40x128xf32, #tpu.memory_space<vmem>>, vector<1x16xf32>,
        %get3A_556 = arith.index_cast %add3A_513 : i32 to index
        %get3A_557 = arith.constant 48 : index
        %get3A_558 = tpu.vector_load %arg16[%get3A_556, %get3A_557] {strides = array<i32>} : memref<40x128xf32, #tpu.memory_space<vmem>>, vector<1x16xf32>,
        %get3A_559 = vector.shape_cast %get3A_558 : vector<1x16xf32> to vector<16xf32>
        %get3A_560 = arith.index_cast %add3A_513 : i32 to index
        %get3A_561 = arith.constant 48 : index
        %get3A_562 = tpu.vector_load %arg18[%get3A_560, %get3A_561] {strides = array<i32>} : memref<40x128xf32, #tpu.memory_space<vmem>>, vector<1x16xf32>,
        %get3A_563 = vector.shape_cast %get3A_562 : vector<1x16xf32> to vector<16xf32>
        %mul3A_564 = arith.mulf %get3A_559, %get3A_563 : vector<16xf32>
        %swap3A_565 = arith.index_cast %add3A_513 : i32 to index
        %swap3A_566 = arith.constant 48 : index
        %swap3A_567 = tpu.vector_load %arg20[%swap3A_565, %swap3A_566] {strides = array<i32>} : memref<40x128xf32, #tpu.memory_space<vmem>>, vector<1x16xf32>,
        %swap3A_568 = vector.shape_cast %swap3A_567 : vector<1x16xf32> to vector<16xf32>
        %swap3A_569 = vector.shape_cast %mul3A_564 : vector<16xf32> to vector<1x16xf32>
        tpu.vector_store %arg20[%swap3A_565, %swap3A_566], %swap3A_569 {strides = array<i32>} : memref<40x128xf32, #tpu.memory_space<vmem>>, vector<1x16xf32>,
        %get3A_570 = arith.index_cast %add3A_513 : i32 to index
        %get3A_571 = arith.constant 64 : index
        %get3A_572 = tpu.vector_load %arg16[%get3A_570, %get3A_571] {strides = array<i32>} : memref<40x128xf32, #tpu.memory_space<vmem>>, vector<1x16xf32>,
        %get3A_573 = vector.shape_cast %get3A_572 : vector<1x16xf32> to vector<16xf32>
        %get3A_574 = arith.index_cast %add3A_513 : i32 to index
        %get3A_575 = arith.constant 64 : index
        %get3A_576 = tpu.vector_load %arg18[%get3A_574, %get3A_575] {strides = array<i32>} : memref<40x128xf32, #tpu.memory_space<vmem>>, vector<1x16xf32>,
        %get3A_577 = vector.shape_cast %get3A_576 : vector<1x16xf32> to vector<16xf32>
        %mul3A_578 = arith.mulf %get3A_573, %get3A_577 : vector<16xf32>
        %swap3A_579 = arith.index_cast %add3A_513 : i32 to index
        %swap3A_580 = arith.constant 64 : index
        %swap3A_581 = tpu.vector_load %arg20[%swap3A_579, %swap3A_580] {strides = array<i32>} : memref<40x128xf32, #tpu.memory_space<vmem>>, vector<1x16xf32>,
        %swap3A_582 = vector.shape_cast %swap3A_581 : vector<1x16xf32> to vector<16xf32>
        %swap3A_583 = vector.shape_cast %mul3A_578 : vector<16xf32> to vector<1x16xf32>
        tpu.vector_store %arg20[%swap3A_579, %swap3A_580], %swap3A_583 {strides = array<i32>} : memref<40x128xf32, #tpu.memory_space<vmem>>, vector<1x16xf32>,
        %get3A_584 = arith.index_cast %add3A_513 : i32 to index
        %get3A_585 = arith.constant 80 : index
        %get3A_586 = tpu.vector_load %arg16[%get3A_584, %get3A_585] {strides = array<i32>} : memref<40x128xf32, #tpu.memory_space<vmem>>, vector<1x16xf32>,
        %get3A_587 = vector.shape_cast %get3A_586 : vector<1x16xf32> to vector<16xf32>
        %get3A_588 = arith.index_cast %add3A_513 : i32 to index
        %get3A_589 = arith.constant 80 : index
        %get3A_590 = tpu.vector_load %arg18[%get3A_588, %get3A_589] {strides = array<i32>} : memref<40x128xf32, #tpu.memory_space<vmem>>, vector<1x16xf32>,
        %get3A_591 = vector.shape_cast %get3A_590 : vector<1x16xf32> to vector<16xf32>
        %mul3A_592 = arith.mulf %get3A_587, %get3A_591 : vector<16xf32>
        %swap3A_593 = arith.index_cast %add3A_513 : i32 to index
        %swap3A_594 = arith.constant 80 : index
        %swap3A_595 = tpu.vector_load %arg20[%swap3A_593, %swap3A_594] {strides = array<i32>} : memref<40x128xf32, #tpu.memory_space<vmem>>, vector<1x16xf32>,
        %swap3A_596 = vector.shape_cast %swap3A_595 : vector<1x16xf32> to vector<16xf32>
        %swap3A_597 = vector.shape_cast %mul3A_592 : vector<16xf32> to vector<1x16xf32>
        tpu.vector_store %arg20[%swap3A_593, %swap3A_594], %swap3A_597 {strides = array<i32>} : memref<40x128xf32, #tpu.memory_space<vmem>>, vector<1x16xf32>,
        %get3A_598 = arith.index_cast %add3A_513 : i32 to index
        %get3A_599 = arith.constant 96 : index
        %get3A_600 = tpu.vector_load %arg16[%get3A_598, %get3A_599] {strides = array<i32>} : memref<40x128xf32, #tpu.memory_space<vmem>>, vector<1x16xf32>,
        %get3A_601 = vector.shape_cast %get3A_600 : vector<1x16xf32> to vector<16xf32>
        %get3A_602 = arith.index_cast %add3A_513 : i32 to index
        %get3A_603 = arith.constant 96 : index
        %get3A_604 = tpu.vector_load %arg18[%get3A_602, %get3A_603] {strides = array<i32>} : memref<40x128xf32, #tpu.memory_space<vmem>>, vector<1x16xf32>,
        %get3A_605 = vector.shape_cast %get3A_604 : vector<1x16xf32> to vector<16xf32>
        %mul3A_606 = arith.mulf %get3A_601, %get3A_605 : vector<16xf32>
        %swap3A_607 = arith.index_cast %add3A_513 : i32 to index
        %swap3A_608 = arith.constant 96 : index
        %swap3A_609 = tpu.vector_load %arg20[%swap3A_607, %swap3A_608] {strides = array<i32>} : memref<40x128xf32, #tpu.memory_space<vmem>>, vector<1x16xf32>,
        %swap3A_610 = vector.shape_cast %swap3A_609 : vector<1x16xf32> to vector<16xf32>
        %swap3A_611 = vector.shape_cast %mul3A_606 : vector<16xf32> to vector<1x16xf32>
        tpu.vector_store %arg20[%swap3A_607, %swap3A_608], %swap3A_611 {strides = array<i32>} : memref<40x128xf32, #tpu.memory_space<vmem>>, vector<1x16xf32>,
        %get3A_612 = arith.index_cast %add3A_513 : i32 to index
        %get3A_613 = arith.constant 112 : index
        %get3A_614 = tpu.vector_load %arg16[%get3A_612, %get3A_613] {strides = array<i32>} : memref<40x128xf32, #tpu.memory_space<vmem>>, vector<1x16xf32>,
        %get3A_615 = vector.shape_cast %get3A_614 : vector<1x16xf32> to vector<16xf32>
        %get3A_616 = arith.index_cast %add3A_513 : i32 to index
        %get3A_617 = arith.constant 112 : index
        %get3A_618 = tpu.vector_load %arg18[%get3A_616, %get3A_617] {strides = array<i32>} : memref<40x128xf32, #tpu.memory_space<vmem>>, vector<1x16xf32>,
        %get3A_619 = vector.shape_cast %get3A_618 : vector<1x16xf32> to vector<16xf32>
        %mul3A_620 = arith.mulf %get3A_615, %get3A_619 : vector<16xf32>
        %swap3A_621 = arith.index_cast %add3A_513 : i32 to index
        %swap3A_622 = arith.constant 112 : index
        %swap3A_623 = tpu.vector_load %arg20[%swap3A_621, %swap3A_622] {strides = array<i32>} : memref<40x128xf32, #tpu.memory_space<vmem>>, vector<1x16xf32>,
        %swap3A_624 = vector.shape_cast %swap3A_623 : vector<1x16xf32> to vector<16xf32>
        %swap3A_625 = vector.shape_cast %mul3A_620 : vector<16xf32> to vector<1x16xf32>
        tpu.vector_store %arg20[%swap3A_621, %swap3A_622], %swap3A_625 {strides = array<i32>} : memref<40x128xf32, #tpu.memory_space<vmem>>, vector<1x16xf32>,
        %scan3A_626 = arith.constant 4 : i32
        %scan3A_627 = arith.addi %scan3A_157, %scan3A_626 : i32
        %mul3A_628 = arith.constant 1 : i32
        %mul3A_629 = arith.muli %scan3A_627, %mul3A_628 : i32
        %add3A_630 = arith.constant 0 : i32
        %add3A_631 = arith.addi %add3A_630, %mul3A_629 : i32
        %get3A_632 = arith.index_cast %add3A_631 : i32 to index
        %get3A_633 = arith.constant 0 : index
        %get3A_634 = tpu.vector_load %arg16[%get3A_632, %get3A_633] {strides = array<i32>} : memref<40x128xf32, #tpu.memory_space<vmem>>, vector<1x16xf32>,
        %get3A_635 = vector.shape_cast %get3A_634 : vector<1x16xf32> to vector<16xf32>
        %get3A_636 = arith.index_cast %add3A_631 : i32 to index
        %get3A_637 = arith.constant 0 : index
        %get3A_638 = tpu.vector_load %arg18[%get3A_636, %get3A_637] {strides = array<i32>} : memref<40x128xf32, #tpu.memory_space<vmem>>, vector<1x16xf32>,
        %get3A_639 = vector.shape_cast %get3A_638 : vector<1x16xf32> to vector<16xf32>
        %mul3A_640 = arith.mulf %get3A_635, %get3A_639 : vector<16xf32>
        %swap3A_641 = arith.index_cast %add3A_631 : i32 to index
        %swap3A_642 = arith.constant 0 : index
        %swap3A_643 = tpu.vector_load %arg20[%swap3A_641, %swap3A_642] {strides = array<i32>} : memref<40x128xf32, #tpu.memory_space<vmem>>, vector<1x16xf32>,
        %swap3A_644 = vector.shape_cast %swap3A_643 : vector<1x16xf32> to vector<16xf32>
        %swap3A_645 = vector.shape_cast %mul3A_640 : vector<16xf32> to vector<1x16xf32>
        tpu.vector_store %arg20[%swap3A_641, %swap3A_642], %swap3A_645 {strides = array<i32>} : memref<40x128xf32, #tpu.memory_space<vmem>>, vector<1x16xf32>,
        %get3A_646 = arith.index_cast %add3A_631 : i32 to index
        %get3A_647 = arith.constant 16 : index
        %get3A_648 = tpu.vector_load %arg16[%get3A_646, %get3A_647] {strides = array<i32>} : memref<40x128xf32, #tpu.memory_space<vmem>>, vector<1x16xf32>,
        %get3A_649 = vector.shape_cast %get3A_648 : vector<1x16xf32> to vector<16xf32>
        %get3A_650 = arith.index_cast %add3A_631 : i32 to index
        %get3A_651 = arith.constant 16 : index
        %get3A_652 = tpu.vector_load %arg18[%get3A_650, %get3A_651] {strides = array<i32>} : memref<40x128xf32, #tpu.memory_space<vmem>>, vector<1x16xf32>,
        %get3A_653 = vector.shape_cast %get3A_652 : vector<1x16xf32> to vector<16xf32>
        %mul3A_654 = arith.mulf %get3A_649, %get3A_653 : vector<16xf32>
        %swap3A_655 = arith.index_cast %add3A_631 : i32 to index
        %swap3A_656 = arith.constant 16 : index
        %swap3A_657 = tpu.vector_load %arg20[%swap3A_655, %swap3A_656] {strides = array<i32>} : memref<40x128xf32, #tpu.memory_space<vmem>>, vector<1x16xf32>,
        %swap3A_658 = vector.shape_cast %swap3A_657 : vector<1x16xf32> to vector<16xf32>
        %swap3A_659 = vector.shape_cast %mul3A_654 : vector<16xf32> to vector<1x16xf32>
        tpu.vector_store %arg20[%swap3A_655, %swap3A_656], %swap3A_659 {strides = array<i32>} : memref<40x128xf32, #tpu.memory_space<vmem>>, vector<1x16xf32>,
        %get3A_660 = arith.index_cast %add3A_631 : i32 to index
        %get3A_661 = arith.constant 32 : index
        %get3A_662 = tpu.vector_load %arg16[%get3A_660, %get3A_661] {strides = array<i32>} : memref<40x128xf32, #tpu.memory_space<vmem>>, vector<1x16xf32>,
        %get3A_663 = vector.shape_cast %get3A_662 : vector<1x16xf32> to vector<16xf32>
        %get3A_664 = arith.index_cast %add3A_631 : i32 to index
        %get3A_665 = arith.constant 32 : index
        %get3A_666 = tpu.vector_load %arg18[%get3A_664, %get3A_665] {strides = array<i32>} : memref<40x128xf32, #tpu.memory_space<vmem>>, vector<1x16xf32>,
        %get3A_667 = vector.shape_cast %get3A_666 : vector<1x16xf32> to vector<16xf32>
        %mul3A_668 = arith.mulf %get3A_663, %get3A_667 : vector<16xf32>
        %swap3A_669 = arith.index_cast %add3A_631 : i32 to index
        %swap3A_670 = arith.constant 32 : index
        %swap3A_671 = tpu.vector_load %arg20[%swap3A_669, %swap3A_670] {strides = array<i32>} : memref<40x128xf32, #tpu.memory_space<vmem>>, vector<1x16xf32>,
        %swap3A_672 = vector.shape_cast %swap3A_671 : vector<1x16xf32> to vector<16xf32>
        %swap3A_673 = vector.shape_cast %mul3A_668 : vector<16xf32> to vector<1x16xf32>
        tpu.vector_store %arg20[%swap3A_669, %swap3A_670], %swap3A_673 {strides = array<i32>} : memref<40x128xf32, #tpu.memory_space<vmem>>, vector<1x16xf32>,
        %get3A_674 = arith.index_cast %add3A_631 : i32 to index
        %get3A_675 = arith.constant 48 : index
        %get3A_676 = tpu.vector_load %arg16[%get3A_674, %get3A_675] {strides = array<i32>} : memref<40x128xf32, #tpu.memory_space<vmem>>, vector<1x16xf32>,
        %get3A_677 = vector.shape_cast %get3A_676 : vector<1x16xf32> to vector<16xf32>
        %get3A_678 = arith.index_cast %add3A_631 : i32 to index
        %get3A_679 = arith.constant 48 : index
        %get3A_680 = tpu.vector_load %arg18[%get3A_678, %get3A_679] {strides = array<i32>} : memref<40x128xf32, #tpu.memory_space<vmem>>, vector<1x16xf32>,
        %get3A_681 = vector.shape_cast %get3A_680 : vector<1x16xf32> to vector<16xf32>
        %mul3A_682 = arith.mulf %get3A_677, %get3A_681 : vector<16xf32>
        %swap3A_683 = arith.index_cast %add3A_631 : i32 to index
        %swap3A_684 = arith.constant 48 : index
        %swap3A_685 = tpu.vector_load %arg20[%swap3A_683, %swap3A_684] {strides = array<i32>} : memref<40x128xf32, #tpu.memory_space<vmem>>, vector<1x16xf32>,
        %swap3A_686 = vector.shape_cast %swap3A_685 : vector<1x16xf32> to vector<16xf32>
        %swap3A_687 = vector.shape_cast %mul3A_682 : vector<16xf32> to vector<1x16xf32>
        tpu.vector_store %arg20[%swap3A_683, %swap3A_684], %swap3A_687 {strides = array<i32>} : memref<40x128xf32, #tpu.memory_space<vmem>>, vector<1x16xf32>,
        %get3A_688 = arith.index_cast %add3A_631 : i32 to index
        %get3A_689 = arith.constant 64 : index
        %get3A_690 = tpu.vector_load %arg16[%get3A_688, %get3A_689] {strides = array<i32>} : memref<40x128xf32, #tpu.memory_space<vmem>>, vector<1x16xf32>,
        %get3A_691 = vector.shape_cast %get3A_690 : vector<1x16xf32> to vector<16xf32>
        %get3A_692 = arith.index_cast %add3A_631 : i32 to index
        %get3A_693 = arith.constant 64 : index
        %get3A_694 = tpu.vector_load %arg18[%get3A_692, %get3A_693] {strides = array<i32>} : memref<40x128xf32, #tpu.memory_space<vmem>>, vector<1x16xf32>,
        %get3A_695 = vector.shape_cast %get3A_694 : vector<1x16xf32> to vector<16xf32>
        %mul3A_696 = arith.mulf %get3A_691, %get3A_695 : vector<16xf32>
        %swap3A_697 = arith.index_cast %add3A_631 : i32 to index
        %swap3A_698 = arith.constant 64 : index
        %swap3A_699 = tpu.vector_load %arg20[%swap3A_697, %swap3A_698] {strides = array<i32>} : memref<40x128xf32, #tpu.memory_space<vmem>>, vector<1x16xf32>,
        %swap3A_700 = vector.shape_cast %swap3A_699 : vector<1x16xf32> to vector<16xf32>
        %swap3A_701 = vector.shape_cast %mul3A_696 : vector<16xf32> to vector<1x16xf32>
        tpu.vector_store %arg20[%swap3A_697, %swap3A_698], %swap3A_701 {strides = array<i32>} : memref<40x128xf32, #tpu.memory_space<vmem>>, vector<1x16xf32>,
        %get3A_702 = arith.index_cast %add3A_631 : i32 to index
        %get3A_703 = arith.constant 80 : index
        %get3A_704 = tpu.vector_load %arg16[%get3A_702, %get3A_703] {strides = array<i32>} : memref<40x128xf32, #tpu.memory_space<vmem>>, vector<1x16xf32>,
        %get3A_705 = vector.shape_cast %get3A_704 : vector<1x16xf32> to vector<16xf32>
        %get3A_706 = arith.index_cast %add3A_631 : i32 to index
        %get3A_707 = arith.constant 80 : index
        %get3A_708 = tpu.vector_load %arg18[%get3A_706, %get3A_707] {strides = array<i32>} : memref<40x128xf32, #tpu.memory_space<vmem>>, vector<1x16xf32>,
        %get3A_709 = vector.shape_cast %get3A_708 : vector<1x16xf32> to vector<16xf32>
        %mul3A_710 = arith.mulf %get3A_705, %get3A_709 : vector<16xf32>
        %swap3A_711 = arith.index_cast %add3A_631 : i32 to index
        %swap3A_712 = arith.constant 80 : index
        %swap3A_713 = tpu.vector_load %arg20[%swap3A_711, %swap3A_712] {strides = array<i32>} : memref<40x128xf32, #tpu.memory_space<vmem>>, vector<1x16xf32>,
        %swap3A_714 = vector.shape_cast %swap3A_713 : vector<1x16xf32> to vector<16xf32>
        %swap3A_715 = vector.shape_cast %mul3A_710 : vector<16xf32> to vector<1x16xf32>
        tpu.vector_store %arg20[%swap3A_711, %swap3A_712], %swap3A_715 {strides = array<i32>} : memref<40x128xf32, #tpu.memory_space<vmem>>, vector<1x16xf32>,
        %get3A_716 = arith.index_cast %add3A_631 : i32 to index
        %get3A_717 = arith.constant 96 : index
        %get3A_718 = tpu.vector_load %arg16[%get3A_716, %get3A_717] {strides = array<i32>} : memref<40x128xf32, #tpu.memory_space<vmem>>, vector<1x16xf32>,
        %get3A_719 = vector.shape_cast %get3A_718 : vector<1x16xf32> to vector<16xf32>
        %get3A_720 = arith.index_cast %add3A_631 : i32 to index
        %get3A_721 = arith.constant 96 : index
        %get3A_722 = tpu.vector_load %arg18[%get3A_720, %get3A_721] {strides = array<i32>} : memref<40x128xf32, #tpu.memory_space<vmem>>, vector<1x16xf32>,
        %get3A_723 = vector.shape_cast %get3A_722 : vector<1x16xf32> to vector<16xf32>
        %mul3A_724 = arith.mulf %get3A_719, %get3A_723 : vector<16xf32>
        %swap3A_725 = arith.index_cast %add3A_631 : i32 to index
        %swap3A_726 = arith.constant 96 : index
        %swap3A_727 = tpu.vector_load %arg20[%swap3A_725, %swap3A_726] {strides = array<i32>} : memref<40x128xf32, #tpu.memory_space<vmem>>, vector<1x16xf32>,
        %swap3A_728 = vector.shape_cast %swap3A_727 : vector<1x16xf32> to vector<16xf32>
        %swap3A_729 = vector.shape_cast %mul3A_724 : vector<16xf32> to vector<1x16xf32>
        tpu.vector_store %arg20[%swap3A_725, %swap3A_726], %swap3A_729 {strides = array<i32>} : memref<40x128xf32, #tpu.memory_space<vmem>>, vector<1x16xf32>,
        %get3A_730 = arith.index_cast %add3A_631 : i32 to index
        %get3A_731 = arith.constant 112 : index
        %get3A_732 = tpu.vector_load %arg16[%get3A_730, %get3A_731] {strides = array<i32>} : memref<40x128xf32, #tpu.memory_space<vmem>>, vector<1x16xf32>,
        %get3A_733 = vector.shape_cast %get3A_732 : vector<1x16xf32> to vector<16xf32>
        %get3A_734 = arith.index_cast %add3A_631 : i32 to index
        %get3A_735 = arith.constant 112 : index
        %get3A_736 = tpu.vector_load %arg18[%get3A_734, %get3A_735] {strides = array<i32>} : memref<40x128xf32, #tpu.memory_space<vmem>>, vector<1x16xf32>,
        %get3A_737 = vector.shape_cast %get3A_736 : vector<1x16xf32> to vector<16xf32>
        %mul3A_738 = arith.mulf %get3A_733, %get3A_737 : vector<16xf32>
        %swap3A_739 = arith.index_cast %add3A_631 : i32 to index
        %swap3A_740 = arith.constant 112 : index
        %swap3A_741 = tpu.vector_load %arg20[%swap3A_739, %swap3A_740] {strides = array<i32>} : memref<40x128xf32, #tpu.memory_space<vmem>>, vector<1x16xf32>,
        %swap3A_742 = vector.shape_cast %swap3A_741 : vector<1x16xf32> to vector<16xf32>
        %swap3A_743 = vector.shape_cast %mul3A_738 : vector<16xf32> to vector<1x16xf32>
        tpu.vector_store %arg20[%swap3A_739, %swap3A_740], %swap3A_743 {strides = array<i32>} : memref<40x128xf32, #tpu.memory_space<vmem>>, vector<1x16xf32>,
        %scan3A_744 = arith.constant 5 : i32
        %scan3A_745 = arith.addi %scan3A_157, %scan3A_744 : i32
        %mul3A_746 = arith.constant 1 : i32
        %mul3A_747 = arith.muli %scan3A_745, %mul3A_746 : i32
        %add3A_748 = arith.constant 0 : i32
        %add3A_749 = arith.addi %add3A_748, %mul3A_747 : i32
        %get3A_750 = arith.index_cast %add3A_749 : i32 to index
        %get3A_751 = arith.constant 0 : index
        %get3A_752 = tpu.vector_load %arg16[%get3A_750, %get3A_751] {strides = array<i32>} : memref<40x128xf32, #tpu.memory_space<vmem>>, vector<1x16xf32>,
        %get3A_753 = vector.shape_cast %get3A_752 : vector<1x16xf32> to vector<16xf32>
        %get3A_754 = arith.index_cast %add3A_749 : i32 to index
        %get3A_755 = arith.constant 0 : index
        %get3A_756 = tpu.vector_load %arg18[%get3A_754, %get3A_755] {strides = array<i32>} : memref<40x128xf32, #tpu.memory_space<vmem>>, vector<1x16xf32>,
        %get3A_757 = vector.shape_cast %get3A_756 : vector<1x16xf32> to vector<16xf32>
        %mul3A_758 = arith.mulf %get3A_753, %get3A_757 : vector<16xf32>
        %swap3A_759 = arith.index_cast %add3A_749 : i32 to index
        %swap3A_760 = arith.constant 0 : index
        %swap3A_761 = tpu.vector_load %arg20[%swap3A_759, %swap3A_760] {strides = array<i32>} : memref<40x128xf32, #tpu.memory_space<vmem>>, vector<1x16xf32>,
        %swap3A_762 = vector.shape_cast %swap3A_761 : vector<1x16xf32> to vector<16xf32>
        %swap3A_763 = vector.shape_cast %mul3A_758 : vector<16xf32> to vector<1x16xf32>
        tpu.vector_store %arg20[%swap3A_759, %swap3A_760], %swap3A_763 {strides = array<i32>} : memref<40x128xf32, #tpu.memory_space<vmem>>, vector<1x16xf32>,
        %get3A_764 = arith.index_cast %add3A_749 : i32 to index
        %get3A_765 = arith.constant 16 : index
        %get3A_766 = tpu.vector_load %arg16[%get3A_764, %get3A_765] {strides = array<i32>} : memref<40x128xf32, #tpu.memory_space<vmem>>, vector<1x16xf32>,
        %get3A_767 = vector.shape_cast %get3A_766 : vector<1x16xf32> to vector<16xf32>
        %get3A_768 = arith.index_cast %add3A_749 : i32 to index
        %get3A_769 = arith.constant 16 : index
        %get3A_770 = tpu.vector_load %arg18[%get3A_768, %get3A_769] {strides = array<i32>} : memref<40x128xf32, #tpu.memory_space<vmem>>, vector<1x16xf32>,
        %get3A_771 = vector.shape_cast %get3A_770 : vector<1x16xf32> to vector<16xf32>
        %mul3A_772 = arith.mulf %get3A_767, %get3A_771 : vector<16xf32>
        %swap3A_773 = arith.index_cast %add3A_749 : i32 to index
        %swap3A_774 = arith.constant 16 : index
        %swap3A_775 = tpu.vector_load %arg20[%swap3A_773, %swap3A_774] {strides = array<i32>} : memref<40x128xf32, #tpu.memory_space<vmem>>, vector<1x16xf32>,
        %swap3A_776 = vector.shape_cast %swap3A_775 : vector<1x16xf32> to vector<16xf32>
        %swap3A_777 = vector.shape_cast %mul3A_772 : vector<16xf32> to vector<1x16xf32>
        tpu.vector_store %arg20[%swap3A_773, %swap3A_774], %swap3A_777 {strides = array<i32>} : memref<40x128xf32, #tpu.memory_space<vmem>>, vector<1x16xf32>,
        %get3A_778 = arith.index_cast %add3A_749 : i32 to index
        %get3A_779 = arith.constant 32 : index
        %get3A_780 = tpu.vector_load %arg16[%get3A_778, %get3A_779] {strides = array<i32>} : memref<40x128xf32, #tpu.memory_space<vmem>>, vector<1x16xf32>,
        %get3A_781 = vector.shape_cast %get3A_780 : vector<1x16xf32> to vector<16xf32>
        %get3A_782 = arith.index_cast %add3A_749 : i32 to index
        %get3A_783 = arith.constant 32 : index
        %get3A_784 = tpu.vector_load %arg18[%get3A_782, %get3A_783] {strides = array<i32>} : memref<40x128xf32, #tpu.memory_space<vmem>>, vector<1x16xf32>,
        %get3A_785 = vector.shape_cast %get3A_784 : vector<1x16xf32> to vector<16xf32>
        %mul3A_786 = arith.mulf %get3A_781, %get3A_785 : vector<16xf32>
        %swap3A_787 = arith.index_cast %add3A_749 : i32 to index
        %swap3A_788 = arith.constant 32 : index
        %swap3A_789 = tpu.vector_load %arg20[%swap3A_787, %swap3A_788] {strides = array<i32>} : memref<40x128xf32, #tpu.memory_space<vmem>>, vector<1x16xf32>,
        %swap3A_790 = vector.shape_cast %swap3A_789 : vector<1x16xf32> to vector<16xf32>
        %swap3A_791 = vector.shape_cast %mul3A_786 : vector<16xf32> to vector<1x16xf32>
        tpu.vector_store %arg20[%swap3A_787, %swap3A_788], %swap3A_791 {strides = array<i32>} : memref<40x128xf32, #tpu.memory_space<vmem>>, vector<1x16xf32>,
        %get3A_792 = arith.index_cast %add3A_749 : i32 to index
        %get3A_793 = arith.constant 48 : index
        %get3A_794 = tpu.vector_load %arg16[%get3A_792, %get3A_793] {strides = array<i32>} : memref<40x128xf32, #tpu.memory_space<vmem>>, vector<1x16xf32>,
        %get3A_795 = vector.shape_cast %get3A_794 : vector<1x16xf32> to vector<16xf32>
        %get3A_796 = arith.index_cast %add3A_749 : i32 to index
        %get3A_797 = arith.constant 48 : index
        %get3A_798 = tpu.vector_load %arg18[%get3A_796, %get3A_797] {strides = array<i32>} : memref<40x128xf32, #tpu.memory_space<vmem>>, vector<1x16xf32>,
        %get3A_799 = vector.shape_cast %get3A_798 : vector<1x16xf32> to vector<16xf32>
        %mul3A_800 = arith.mulf %get3A_795, %get3A_799 : vector<16xf32>
        %swap3A_801 = arith.index_cast %add3A_749 : i32 to index
        %swap3A_802 = arith.constant 48 : index
        %swap3A_803 = tpu.vector_load %arg20[%swap3A_801, %swap3A_802] {strides = array<i32>} : memref<40x128xf32, #tpu.memory_space<vmem>>, vector<1x16xf32>,
        %swap3A_804 = vector.shape_cast %swap3A_803 : vector<1x16xf32> to vector<16xf32>
        %swap3A_805 = vector.shape_cast %mul3A_800 : vector<16xf32> to vector<1x16xf32>
        tpu.vector_store %arg20[%swap3A_801, %swap3A_802], %swap3A_805 {strides = array<i32>} : memref<40x128xf32, #tpu.memory_space<vmem>>, vector<1x16xf32>,
        %get3A_806 = arith.index_cast %add3A_749 : i32 to index
        %get3A_807 = arith.constant 64 : index
        %get3A_808 = tpu.vector_load %arg16[%get3A_806, %get3A_807] {strides = array<i32>} : memref<40x128xf32, #tpu.memory_space<vmem>>, vector<1x16xf32>,
        %get3A_809 = vector.shape_cast %get3A_808 : vector<1x16xf32> to vector<16xf32>
        %get3A_810 = arith.index_cast %add3A_749 : i32 to index
        %get3A_811 = arith.constant 64 : index
        %get3A_812 = tpu.vector_load %arg18[%get3A_810, %get3A_811] {strides = array<i32>} : memref<40x128xf32, #tpu.memory_space<vmem>>, vector<1x16xf32>,
        %get3A_813 = vector.shape_cast %get3A_812 : vector<1x16xf32> to vector<16xf32>
        %mul3A_814 = arith.mulf %get3A_809, %get3A_813 : vector<16xf32>
        %swap3A_815 = arith.index_cast %add3A_749 : i32 to index
        %swap3A_816 = arith.constant 64 : index
        %swap3A_817 = tpu.vector_load %arg20[%swap3A_815, %swap3A_816] {strides = array<i32>} : memref<40x128xf32, #tpu.memory_space<vmem>>, vector<1x16xf32>,
        %swap3A_818 = vector.shape_cast %swap3A_817 : vector<1x16xf32> to vector<16xf32>
        %swap3A_819 = vector.shape_cast %mul3A_814 : vector<16xf32> to vector<1x16xf32>
        tpu.vector_store %arg20[%swap3A_815, %swap3A_816], %swap3A_819 {strides = array<i32>} : memref<40x128xf32, #tpu.memory_space<vmem>>, vector<1x16xf32>,
        %get3A_820 = arith.index_cast %add3A_749 : i32 to index
        %get3A_821 = arith.constant 80 : index
        %get3A_822 = tpu.vector_load %arg16[%get3A_820, %get3A_821] {strides = array<i32>} : memref<40x128xf32, #tpu.memory_space<vmem>>, vector<1x16xf32>,
        %get3A_823 = vector.shape_cast %get3A_822 : vector<1x16xf32> to vector<16xf32>
        %get3A_824 = arith.index_cast %add3A_749 : i32 to index
        %get3A_825 = arith.constant 80 : index
        %get3A_826 = tpu.vector_load %arg18[%get3A_824, %get3A_825] {strides = array<i32>} : memref<40x128xf32, #tpu.memory_space<vmem>>, vector<1x16xf32>,
        %get3A_827 = vector.shape_cast %get3A_826 : vector<1x16xf32> to vector<16xf32>
        %mul3A_828 = arith.mulf %get3A_823, %get3A_827 : vector<16xf32>
        %swap3A_829 = arith.index_cast %add3A_749 : i32 to index
        %swap3A_830 = arith.constant 80 : index
        %swap3A_831 = tpu.vector_load %arg20[%swap3A_829, %swap3A_830] {strides = array<i32>} : memref<40x128xf32, #tpu.memory_space<vmem>>, vector<1x16xf32>,
        %swap3A_832 = vector.shape_cast %swap3A_831 : vector<1x16xf32> to vector<16xf32>
        %swap3A_833 = vector.shape_cast %mul3A_828 : vector<16xf32> to vector<1x16xf32>
        tpu.vector_store %arg20[%swap3A_829, %swap3A_830], %swap3A_833 {strides = array<i32>} : memref<40x128xf32, #tpu.memory_space<vmem>>, vector<1x16xf32>,
        %get3A_834 = arith.index_cast %add3A_749 : i32 to index
        %get3A_835 = arith.constant 96 : index
        %get3A_836 = tpu.vector_load %arg16[%get3A_834, %get3A_835] {strides = array<i32>} : memref<40x128xf32, #tpu.memory_space<vmem>>, vector<1x16xf32>,
        %get3A_837 = vector.shape_cast %get3A_836 : vector<1x16xf32> to vector<16xf32>
        %get3A_838 = arith.index_cast %add3A_749 : i32 to index
        %get3A_839 = arith.constant 96 : index
        %get3A_840 = tpu.vector_load %arg18[%get3A_838, %get3A_839] {strides = array<i32>} : memref<40x128xf32, #tpu.memory_space<vmem>>, vector<1x16xf32>,
        %get3A_841 = vector.shape_cast %get3A_840 : vector<1x16xf32> to vector<16xf32>
        %mul3A_842 = arith.mulf %get3A_837, %get3A_841 : vector<16xf32>
        %swap3A_843 = arith.index_cast %add3A_749 : i32 to index
        %swap3A_844 = arith.constant 96 : index
        %swap3A_845 = tpu.vector_load %arg20[%swap3A_843, %swap3A_844] {strides = array<i32>} : memref<40x128xf32, #tpu.memory_space<vmem>>, vector<1x16xf32>,
        %swap3A_846 = vector.shape_cast %swap3A_845 : vector<1x16xf32> to vector<16xf32>
        %swap3A_847 = vector.shape_cast %mul3A_842 : vector<16xf32> to vector<1x16xf32>
        tpu.vector_store %arg20[%swap3A_843, %swap3A_844], %swap3A_847 {strides = array<i32>} : memref<40x128xf32, #tpu.memory_space<vmem>>, vector<1x16xf32>,
        %get3A_848 = arith.index_cast %add3A_749 : i32 to index
        %get3A_849 = arith.constant 112 : index
        %get3A_850 = tpu.vector_load %arg16[%get3A_848, %get3A_849] {strides = array<i32>} : memref<40x128xf32, #tpu.memory_space<vmem>>, vector<1x16xf32>,
        %get3A_851 = vector.shape_cast %get3A_850 : vector<1x16xf32> to vector<16xf32>
        %get3A_852 = arith.index_cast %add3A_749 : i32 to index
        %get3A_853 = arith.constant 112 : index
        %get3A_854 = tpu.vector_load %arg18[%get3A_852, %get3A_853] {strides = array<i32>} : memref<40x128xf32, #tpu.memory_space<vmem>>, vector<1x16xf32>,
        %get3A_855 = vector.shape_cast %get3A_854 : vector<1x16xf32> to vector<16xf32>
        %mul3A_856 = arith.mulf %get3A_851, %get3A_855 : vector<16xf32>
        %swap3A_857 = arith.index_cast %add3A_749 : i32 to index
        %swap3A_858 = arith.constant 112 : index
        %swap3A_859 = tpu.vector_load %arg20[%swap3A_857, %swap3A_858] {strides = array<i32>} : memref<40x128xf32, #tpu.memory_space<vmem>>, vector<1x16xf32>,
        %swap3A_860 = vector.shape_cast %swap3A_859 : vector<1x16xf32> to vector<16xf32>
        %swap3A_861 = vector.shape_cast %mul3A_856 : vector<16xf32> to vector<1x16xf32>
        tpu.vector_store %arg20[%swap3A_857, %swap3A_858], %swap3A_861 {strides = array<i32>} : memref<40x128xf32, #tpu.memory_space<vmem>>, vector<1x16xf32>,
        %scan3A_862 = arith.constant 6 : i32
        %scan3A_863 = arith.addi %scan3A_157, %scan3A_862 : i32
        %mul3A_864 = arith.constant 1 : i32
        %mul3A_865 = arith.muli %scan3A_863, %mul3A_864 : i32
        %add3A_866 = arith.constant 0 : i32
        %add3A_867 = arith.addi %add3A_866, %mul3A_865 : i32
        %get3A_868 = arith.index_cast %add3A_867 : i32 to index
        %get3A_869 = arith.constant 0 : index
        %get3A_870 = tpu.vector_load %arg16[%get3A_868, %get3A_869] {strides = array<i32>} : memref<40x128xf32, #tpu.memory_space<vmem>>, vector<1x16xf32>,
        %get3A_871 = vector.shape_cast %get3A_870 : vector<1x16xf32> to vector<16xf32>
        %get3A_872 = arith.index_cast %add3A_867 : i32 to index
        %get3A_873 = arith.constant 0 : index
        %get3A_874 = tpu.vector_load %arg18[%get3A_872, %get3A_873] {strides = array<i32>} : memref<40x128xf32, #tpu.memory_space<vmem>>, vector<1x16xf32>,
        %get3A_875 = vector.shape_cast %get3A_874 : vector<1x16xf32> to vector<16xf32>
        %mul3A_876 = arith.mulf %get3A_871, %get3A_875 : vector<16xf32>
        %swap3A_877 = arith.index_cast %add3A_867 : i32 to index
        %swap3A_878 = arith.constant 0 : index
        %swap3A_879 = tpu.vector_load %arg20[%swap3A_877, %swap3A_878] {strides = array<i32>} : memref<40x128xf32, #tpu.memory_space<vmem>>, vector<1x16xf32>,
        %swap3A_880 = vector.shape_cast %swap3A_879 : vector<1x16xf32> to vector<16xf32>
        %swap3A_881 = vector.shape_cast %mul3A_876 : vector<16xf32> to vector<1x16xf32>
        tpu.vector_store %arg20[%swap3A_877, %swap3A_878], %swap3A_881 {strides = array<i32>} : memref<40x128xf32, #tpu.memory_space<vmem>>, vector<1x16xf32>,
        %get3A_882 = arith.index_cast %add3A_867 : i32 to index
        %get3A_883 = arith.constant 16 : index
        %get3A_884 = tpu.vector_load %arg16[%get3A_882, %get3A_883] {strides = array<i32>} : memref<40x128xf32, #tpu.memory_space<vmem>>, vector<1x16xf32>,
        %get3A_885 = vector.shape_cast %get3A_884 : vector<1x16xf32> to vector<16xf32>
        %get3A_886 = arith.index_cast %add3A_867 : i32 to index
        %get3A_887 = arith.constant 16 : index
        %get3A_888 = tpu.vector_load %arg18[%get3A_886, %get3A_887] {strides = array<i32>} : memref<40x128xf32, #tpu.memory_space<vmem>>, vector<1x16xf32>,
        %get3A_889 = vector.shape_cast %get3A_888 : vector<1x16xf32> to vector<16xf32>
        %mul3A_890 = arith.mulf %get3A_885, %get3A_889 : vector<16xf32>
        %swap3A_891 = arith.index_cast %add3A_867 : i32 to index
        %swap3A_892 = arith.constant 16 : index
        %swap3A_893 = tpu.vector_load %arg20[%swap3A_891, %swap3A_892] {strides = array<i32>} : memref<40x128xf32, #tpu.memory_space<vmem>>, vector<1x16xf32>,
        %swap3A_894 = vector.shape_cast %swap3A_893 : vector<1x16xf32> to vector<16xf32>
        %swap3A_895 = vector.shape_cast %mul3A_890 : vector<16xf32> to vector<1x16xf32>
        tpu.vector_store %arg20[%swap3A_891, %swap3A_892], %swap3A_895 {strides = array<i32>} : memref<40x128xf32, #tpu.memory_space<vmem>>, vector<1x16xf32>,
        %get3A_896 = arith.index_cast %add3A_867 : i32 to index
        %get3A_897 = arith.constant 32 : index
        %get3A_898 = tpu.vector_load %arg16[%get3A_896, %get3A_897] {strides = array<i32>} : memref<40x128xf32, #tpu.memory_space<vmem>>, vector<1x16xf32>,
        %get3A_899 = vector.shape_cast %get3A_898 : vector<1x16xf32> to vector<16xf32>
        %get3A_900 = arith.index_cast %add3A_867 : i32 to index
        %get3A_901 = arith.constant 32 : index
        %get3A_902 = tpu.vector_load %arg18[%get3A_900, %get3A_901] {strides = array<i32>} : memref<40x128xf32, #tpu.memory_space<vmem>>, vector<1x16xf32>,
        %get3A_903 = vector.shape_cast %get3A_902 : vector<1x16xf32> to vector<16xf32>
        %mul3A_904 = arith.mulf %get3A_899, %get3A_903 : vector<16xf32>
        %swap3A_905 = arith.index_cast %add3A_867 : i32 to index
        %swap3A_906 = arith.constant 32 : index
        %swap3A_907 = tpu.vector_load %arg20[%swap3A_905, %swap3A_906] {strides = array<i32>} : memref<40x128xf32, #tpu.memory_space<vmem>>, vector<1x16xf32>,
        %swap3A_908 = vector.shape_cast %swap3A_907 : vector<1x16xf32> to vector<16xf32>
        %swap3A_909 = vector.shape_cast %mul3A_904 : vector<16xf32> to vector<1x16xf32>
        tpu.vector_store %arg20[%swap3A_905, %swap3A_906], %swap3A_909 {strides = array<i32>} : memref<40x128xf32, #tpu.memory_space<vmem>>, vector<1x16xf32>,
        %get3A_910 = arith.index_cast %add3A_867 : i32 to index
        %get3A_911 = arith.constant 48 : index
        %get3A_912 = tpu.vector_load %arg16[%get3A_910, %get3A_911] {strides = array<i32>} : memref<40x128xf32, #tpu.memory_space<vmem>>, vector<1x16xf32>,
        %get3A_913 = vector.shape_cast %get3A_912 : vector<1x16xf32> to vector<16xf32>
        %get3A_914 = arith.index_cast %add3A_867 : i32 to index
        %get3A_915 = arith.constant 48 : index
        %get3A_916 = tpu.vector_load %arg18[%get3A_914, %get3A_915] {strides = array<i32>} : memref<40x128xf32, #tpu.memory_space<vmem>>, vector<1x16xf32>,
        %get3A_917 = vector.shape_cast %get3A_916 : vector<1x16xf32> to vector<16xf32>
        %mul3A_918 = arith.mulf %get3A_913, %get3A_917 : vector<16xf32>
        %swap3A_919 = arith.index_cast %add3A_867 : i32 to index
        %swap3A_920 = arith.constant 48 : index
        %swap3A_921 = tpu.vector_load %arg20[%swap3A_919, %swap3A_920] {strides = array<i32>} : memref<40x128xf32, #tpu.memory_space<vmem>>, vector<1x16xf32>,
        %swap3A_922 = vector.shape_cast %swap3A_921 : vector<1x16xf32> to vector<16xf32>
        %swap3A_923 = vector.shape_cast %mul3A_918 : vector<16xf32> to vector<1x16xf32>
        tpu.vector_store %arg20[%swap3A_919, %swap3A_920], %swap3A_923 {strides = array<i32>} : memref<40x128xf32, #tpu.memory_space<vmem>>, vector<1x16xf32>,
        %get3A_924 = arith.index_cast %add3A_867 : i32 to index
        %get3A_925 = arith.constant 64 : index
        %get3A_926 = tpu.vector_load %arg16[%get3A_924, %get3A_925] {strides = array<i32>} : memref<40x128xf32, #tpu.memory_space<vmem>>, vector<1x16xf32>,
        %get3A_927 = vector.shape_cast %get3A_926 : vector<1x16xf32> to vector<16xf32>
        %get3A_928 = arith.index_cast %add3A_867 : i32 to index
        %get3A_929 = arith.constant 64 : index
        %get3A_930 = tpu.vector_load %arg18[%get3A_928, %get3A_929] {strides = array<i32>} : memref<40x128xf32, #tpu.memory_space<vmem>>, vector<1x16xf32>,
        %get3A_931 = vector.shape_cast %get3A_930 : vector<1x16xf32> to vector<16xf32>
        %mul3A_932 = arith.mulf %get3A_927, %get3A_931 : vector<16xf32>
        %swap3A_933 = arith.index_cast %add3A_867 : i32 to index
        %swap3A_934 = arith.constant 64 : index
        %swap3A_935 = tpu.vector_load %arg20[%swap3A_933, %swap3A_934] {strides = array<i32>} : memref<40x128xf32, #tpu.memory_space<vmem>>, vector<1x16xf32>,
        %swap3A_936 = vector.shape_cast %swap3A_935 : vector<1x16xf32> to vector<16xf32>
        %swap3A_937 = vector.shape_cast %mul3A_932 : vector<16xf32> to vector<1x16xf32>
        tpu.vector_store %arg20[%swap3A_933, %swap3A_934], %swap3A_937 {strides = array<i32>} : memref<40x128xf32, #tpu.memory_space<vmem>>, vector<1x16xf32>,
        %get3A_938 = arith.index_cast %add3A_867 : i32 to index
        %get3A_939 = arith.constant 80 : index
        %get3A_940 = tpu.vector_load %arg16[%get3A_938, %get3A_939] {strides = array<i32>} : memref<40x128xf32, #tpu.memory_space<vmem>>, vector<1x16xf32>,
        %get3A_941 = vector.shape_cast %get3A_940 : vector<1x16xf32> to vector<16xf32>
        %get3A_942 = arith.index_cast %add3A_867 : i32 to index
        %get3A_943 = arith.constant 80 : index
        %get3A_944 = tpu.vector_load %arg18[%get3A_942, %get3A_943] {strides = array<i32>} : memref<40x128xf32, #tpu.memory_space<vmem>>, vector<1x16xf32>,
        %get3A_945 = vector.shape_cast %get3A_944 : vector<1x16xf32> to vector<16xf32>
        %mul3A_946 = arith.mulf %get3A_941, %get3A_945 : vector<16xf32>
        %swap3A_947 = arith.index_cast %add3A_867 : i32 to index
        %swap3A_948 = arith.constant 80 : index
        %swap3A_949 = tpu.vector_load %arg20[%swap3A_947, %swap3A_948] {strides = array<i32>} : memref<40x128xf32, #tpu.memory_space<vmem>>, vector<1x16xf32>,
        %swap3A_950 = vector.shape_cast %swap3A_949 : vector<1x16xf32> to vector<16xf32>
        %swap3A_951 = vector.shape_cast %mul3A_946 : vector<16xf32> to vector<1x16xf32>
        tpu.vector_store %arg20[%swap3A_947, %swap3A_948], %swap3A_951 {strides = array<i32>} : memref<40x128xf32, #tpu.memory_space<vmem>>, vector<1x16xf32>,
        %get3A_952 = arith.index_cast %add3A_867 : i32 to index
        %get3A_953 = arith.constant 96 : index
        %get3A_954 = tpu.vector_load %arg16[%get3A_952, %get3A_953] {strides = array<i32>} : memref<40x128xf32, #tpu.memory_space<vmem>>, vector<1x16xf32>,
        %get3A_955 = vector.shape_cast %get3A_954 : vector<1x16xf32> to vector<16xf32>
        %get3A_956 = arith.index_cast %add3A_867 : i32 to index
        %get3A_957 = arith.constant 96 : index
        %get3A_958 = tpu.vector_load %arg18[%get3A_956, %get3A_957] {strides = array<i32>} : memref<40x128xf32, #tpu.memory_space<vmem>>, vector<1x16xf32>,
        %get3A_959 = vector.shape_cast %get3A_958 : vector<1x16xf32> to vector<16xf32>
        %mul3A_960 = arith.mulf %get3A_955, %get3A_959 : vector<16xf32>
        %swap3A_961 = arith.index_cast %add3A_867 : i32 to index
        %swap3A_962 = arith.constant 96 : index
        %swap3A_963 = tpu.vector_load %arg20[%swap3A_961, %swap3A_962] {strides = array<i32>} : memref<40x128xf32, #tpu.memory_space<vmem>>, vector<1x16xf32>,
        %swap3A_964 = vector.shape_cast %swap3A_963 : vector<1x16xf32> to vector<16xf32>
        %swap3A_965 = vector.shape_cast %mul3A_960 : vector<16xf32> to vector<1x16xf32>
        tpu.vector_store %arg20[%swap3A_961, %swap3A_962], %swap3A_965 {strides = array<i32>} : memref<40x128xf32, #tpu.memory_space<vmem>>, vector<1x16xf32>,
        %get3A_966 = arith.index_cast %add3A_867 : i32 to index
        %get3A_967 = arith.constant 112 : index
        %get3A_968 = tpu.vector_load %arg16[%get3A_966, %get3A_967] {strides = array<i32>} : memref<40x128xf32, #tpu.memory_space<vmem>>, vector<1x16xf32>,
        %get3A_969 = vector.shape_cast %get3A_968 : vector<1x16xf32> to vector<16xf32>
        %get3A_970 = arith.index_cast %add3A_867 : i32 to index
        %get3A_971 = arith.constant 112 : index
        %get3A_972 = tpu.vector_load %arg18[%get3A_970, %get3A_971] {strides = array<i32>} : memref<40x128xf32, #tpu.memory_space<vmem>>, vector<1x16xf32>,
        %get3A_973 = vector.shape_cast %get3A_972 : vector<1x16xf32> to vector<16xf32>
        %mul3A_974 = arith.mulf %get3A_969, %get3A_973 : vector<16xf32>
        %swap3A_975 = arith.index_cast %add3A_867 : i32 to index
        %swap3A_976 = arith.constant 112 : index
        %swap3A_977 = tpu.vector_load %arg20[%swap3A_975, %swap3A_976] {strides = array<i32>} : memref<40x128xf32, #tpu.memory_space<vmem>>, vector<1x16xf32>,
        %swap3A_978 = vector.shape_cast %swap3A_977 : vector<1x16xf32> to vector<16xf32>
        %swap3A_979 = vector.shape_cast %mul3A_974 : vector<16xf32> to vector<1x16xf32>
        tpu.vector_store %arg20[%swap3A_975, %swap3A_976], %swap3A_979 {strides = array<i32>} : memref<40x128xf32, #tpu.memory_space<vmem>>, vector<1x16xf32>,
        %scan3A_980 = arith.constant 7 : i32
        %scan3A_981 = arith.addi %scan3A_157, %scan3A_980 : i32
        %mul3A_982 = arith.constant 1 : i32
        %mul3A_983 = arith.muli %scan3A_981, %mul3A_982 : i32
        %add3A_984 = arith.constant 0 : i32
        %add3A_985 = arith.addi %add3A_984, %mul3A_983 : i32
        %get3A_986 = arith.index_cast %add3A_985 : i32 to index
        %get3A_987 = arith.constant 0 : index
        %get3A_988 = tpu.vector_load %arg16[%get3A_986, %get3A_987] {strides = array<i32>} : memref<40x128xf32, #tpu.memory_space<vmem>>, vector<1x16xf32>,
        %get3A_989 = vector.shape_cast %get3A_988 : vector<1x16xf32> to vector<16xf32>
        %get3A_990 = arith.index_cast %add3A_985 : i32 to index
        %get3A_991 = arith.constant 0 : index
        %get3A_992 = tpu.vector_load %arg18[%get3A_990, %get3A_991] {strides = array<i32>} : memref<40x128xf32, #tpu.memory_space<vmem>>, vector<1x16xf32>,
        %get3A_993 = vector.shape_cast %get3A_992 : vector<1x16xf32> to vector<16xf32>
        %mul3A_994 = arith.mulf %get3A_989, %get3A_993 : vector<16xf32>
        %swap3A_995 = arith.index_cast %add3A_985 : i32 to index
        %swap3A_996 = arith.constant 0 : index
        %swap3A_997 = tpu.vector_load %arg20[%swap3A_995, %swap3A_996] {strides = array<i32>} : memref<40x128xf32, #tpu.memory_space<vmem>>, vector<1x16xf32>,
        %swap3A_998 = vector.shape_cast %swap3A_997 : vector<1x16xf32> to vector<16xf32>
        %swap3A_999 = vector.shape_cast %mul3A_994 : vector<16xf32> to vector<1x16xf32>
        tpu.vector_store %arg20[%swap3A_995, %swap3A_996], %swap3A_999 {strides = array<i32>} : memref<40x128xf32, #tpu.memory_space<vmem>>, vector<1x16xf32>,
        %get3A_1000 = arith.index_cast %add3A_985 : i32 to index
        %get3A_1001 = arith.constant 16 : index
        %get3A_1002 = tpu.vector_load %arg16[%get3A_1000, %get3A_1001] {strides = array<i32>} : memref<40x128xf32, #tpu.memory_space<vmem>>, vector<1x16xf32>,
        %get3A_1003 = vector.shape_cast %get3A_1002 : vector<1x16xf32> to vector<16xf32>
        %get3A_1004 = arith.index_cast %add3A_985 : i32 to index
        %get3A_1005 = arith.constant 16 : index
        %get3A_1006 = tpu.vector_load %arg18[%get3A_1004, %get3A_1005] {strides = array<i32>} : memref<40x128xf32, #tpu.memory_space<vmem>>, vector<1x16xf32>,
        %get3A_1007 = vector.shape_cast %get3A_1006 : vector<1x16xf32> to vector<16xf32>
        %mul3A_1008 = arith.mulf %get3A_1003, %get3A_1007 : vector<16xf32>
        %swap3A_1009 = arith.index_cast %add3A_985 : i32 to index
        %swap3A_1010 = arith.constant 16 : index
        %swap3A_1011 = tpu.vector_load %arg20[%swap3A_1009, %swap3A_1010] {strides = array<i32>} : memref<40x128xf32, #tpu.memory_space<vmem>>, vector<1x16xf32>,
        %swap3A_1012 = vector.shape_cast %swap3A_1011 : vector<1x16xf32> to vector<16xf32>
        %swap3A_1013 = vector.shape_cast %mul3A_1008 : vector<16xf32> to vector<1x16xf32>
        tpu.vector_store %arg20[%swap3A_1009, %swap3A_1010], %swap3A_1013 {strides = array<i32>} : memref<40x128xf32, #tpu.memory_space<vmem>>, vector<1x16xf32>,
        %get3A_1014 = arith.index_cast %add3A_985 : i32 to index
        %get3A_1015 = arith.constant 32 : index
        %get3A_1016 = tpu.vector_load %arg16[%get3A_1014, %get3A_1015] {strides = array<i32>} : memref<40x128xf32, #tpu.memory_space<vmem>>, vector<1x16xf32>,
        %get3A_1017 = vector.shape_cast %get3A_1016 : vector<1x16xf32> to vector<16xf32>
        %get3A_1018 = arith.index_cast %add3A_985 : i32 to index
        %get3A_1019 = arith.constant 32 : index
        %get3A_1020 = tpu.vector_load %arg18[%get3A_1018, %get3A_1019] {strides = array<i32>} : memref<40x128xf32, #tpu.memory_space<vmem>>, vector<1x16xf32>,
        %get3A_1021 = vector.shape_cast %get3A_1020 : vector<1x16xf32> to vector<16xf32>
        %mul3A_1022 = arith.mulf %get3A_1017, %get3A_1021 : vector<16xf32>
        %swap3A_1023 = arith.index_cast %add3A_985 : i32 to index
        %swap3A_1024 = arith.constant 32 : index
        %swap3A_1025 = tpu.vector_load %arg20[%swap3A_1023, %swap3A_1024] {strides = array<i32>} : memref<40x128xf32, #tpu.memory_space<vmem>>, vector<1x16xf32>,
        %swap3A_1026 = vector.shape_cast %swap3A_1025 : vector<1x16xf32> to vector<16xf32>
        %swap3A_1027 = vector.shape_cast %mul3A_1022 : vector<16xf32> to vector<1x16xf32>
        tpu.vector_store %arg20[%swap3A_1023, %swap3A_1024], %swap3A_1027 {strides = array<i32>} : memref<40x128xf32, #tpu.memory_space<vmem>>, vector<1x16xf32>,
        %get3A_1028 = arith.index_cast %add3A_985 : i32 to index
        %get3A_1029 = arith.constant 48 : index
        %get3A_1030 = tpu.vector_load %arg16[%get3A_1028, %get3A_1029] {strides = array<i32>} : memref<40x128xf32, #tpu.memory_space<vmem>>, vector<1x16xf32>,
        %get3A_1031 = vector.shape_cast %get3A_1030 : vector<1x16xf32> to vector<16xf32>
        %get3A_1032 = arith.index_cast %add3A_985 : i32 to index
        %get3A_1033 = arith.constant 48 : index
        %get3A_1034 = tpu.vector_load %arg18[%get3A_1032, %get3A_1033] {strides = array<i32>} : memref<40x128xf32, #tpu.memory_space<vmem>>, vector<1x16xf32>,
        %get3A_1035 = vector.shape_cast %get3A_1034 : vector<1x16xf32> to vector<16xf32>
        %mul3A_1036 = arith.mulf %get3A_1031, %get3A_1035 : vector<16xf32>
        %swap3A_1037 = arith.index_cast %add3A_985 : i32 to index
        %swap3A_1038 = arith.constant 48 : index
        %swap3A_1039 = tpu.vector_load %arg20[%swap3A_1037, %swap3A_1038] {strides = array<i32>} : memref<40x128xf32, #tpu.memory_space<vmem>>, vector<1x16xf32>,
        %swap3A_1040 = vector.shape_cast %swap3A_1039 : vector<1x16xf32> to vector<16xf32>
        %swap3A_1041 = vector.shape_cast %mul3A_1036 : vector<16xf32> to vector<1x16xf32>
        tpu.vector_store %arg20[%swap3A_1037, %swap3A_1038], %swap3A_1041 {strides = array<i32>} : memref<40x128xf32, #tpu.memory_space<vmem>>, vector<1x16xf32>,
        %get3A_1042 = arith.index_cast %add3A_985 : i32 to index
        %get3A_1043 = arith.constant 64 : index
        %get3A_1044 = tpu.vector_load %arg16[%get3A_1042, %get3A_1043] {strides = array<i32>} : memref<40x128xf32, #tpu.memory_space<vmem>>, vector<1x16xf32>,
        %get3A_1045 = vector.shape_cast %get3A_1044 : vector<1x16xf32> to vector<16xf32>
        %get3A_1046 = arith.index_cast %add3A_985 : i32 to index
        %get3A_1047 = arith.constant 64 : index
        %get3A_1048 = tpu.vector_load %arg18[%get3A_1046, %get3A_1047] {strides = array<i32>} : memref<40x128xf32, #tpu.memory_space<vmem>>, vector<1x16xf32>,
        %get3A_1049 = vector.shape_cast %get3A_1048 : vector<1x16xf32> to vector<16xf32>
        %mul3A_1050 = arith.mulf %get3A_1045, %get3A_1049 : vector<16xf32>
        %swap3A_1051 = arith.index_cast %add3A_985 : i32 to index
        %swap3A_1052 = arith.constant 64 : index
        %swap3A_1053 = tpu.vector_load %arg20[%swap3A_1051, %swap3A_1052] {strides = array<i32>} : memref<40x128xf32, #tpu.memory_space<vmem>>, vector<1x16xf32>,
        %swap3A_1054 = vector.shape_cast %swap3A_1053 : vector<1x16xf32> to vector<16xf32>
        %swap3A_1055 = vector.shape_cast %mul3A_1050 : vector<16xf32> to vector<1x16xf32>
        tpu.vector_store %arg20[%swap3A_1051, %swap3A_1052], %swap3A_1055 {strides = array<i32>} : memref<40x128xf32, #tpu.memory_space<vmem>>, vector<1x16xf32>,
        %get3A_1056 = arith.index_cast %add3A_985 : i32 to index
        %get3A_1057 = arith.constant 80 : index
        %get3A_1058 = tpu.vector_load %arg16[%get3A_1056, %get3A_1057] {strides = array<i32>} : memref<40x128xf32, #tpu.memory_space<vmem>>, vector<1x16xf32>,
        %get3A_1059 = vector.shape_cast %get3A_1058 : vector<1x16xf32> to vector<16xf32>
        %get3A_1060 = arith.index_cast %add3A_985 : i32 to index
        %get3A_1061 = arith.constant 80 : index
        %get3A_1062 = tpu.vector_load %arg18[%get3A_1060, %get3A_1061] {strides = array<i32>} : memref<40x128xf32, #tpu.memory_space<vmem>>, vector<1x16xf32>,
        %get3A_1063 = vector.shape_cast %get3A_1062 : vector<1x16xf32> to vector<16xf32>
        %mul3A_1064 = arith.mulf %get3A_1059, %get3A_1063 : vector<16xf32>
        %swap3A_1065 = arith.index_cast %add3A_985 : i32 to index
        %swap3A_1066 = arith.constant 80 : index
        %swap3A_1067 = tpu.vector_load %arg20[%swap3A_1065, %swap3A_1066] {strides = array<i32>} : memref<40x128xf32, #tpu.memory_space<vmem>>, vector<1x16xf32>,
        %swap3A_1068 = vector.shape_cast %swap3A_1067 : vector<1x16xf32> to vector<16xf32>
        %swap3A_1069 = vector.shape_cast %mul3A_1064 : vector<16xf32> to vector<1x16xf32>
        tpu.vector_store %arg20[%swap3A_1065, %swap3A_1066], %swap3A_1069 {strides = array<i32>} : memref<40x128xf32, #tpu.memory_space<vmem>>, vector<1x16xf32>,
        %get3A_1070 = arith.index_cast %add3A_985 : i32 to index
        %get3A_1071 = arith.constant 96 : index
        %get3A_1072 = tpu.vector_load %arg16[%get3A_1070, %get3A_1071] {strides = array<i32>} : memref<40x128xf32, #tpu.memory_space<vmem>>, vector<1x16xf32>,
        %get3A_1073 = vector.shape_cast %get3A_1072 : vector<1x16xf32> to vector<16xf32>
        %get3A_1074 = arith.index_cast %add3A_985 : i32 to index
        %get3A_1075 = arith.constant 96 : index
        %get3A_1076 = tpu.vector_load %arg18[%get3A_1074, %get3A_1075] {strides = array<i32>} : memref<40x128xf32, #tpu.memory_space<vmem>>, vector<1x16xf32>,
        %get3A_1077 = vector.shape_cast %get3A_1076 : vector<1x16xf32> to vector<16xf32>
        %mul3A_1078 = arith.mulf %get3A_1073, %get3A_1077 : vector<16xf32>
        %swap3A_1079 = arith.index_cast %add3A_985 : i32 to index
        %swap3A_1080 = arith.constant 96 : index
        %swap3A_1081 = tpu.vector_load %arg20[%swap3A_1079, %swap3A_1080] {strides = array<i32>} : memref<40x128xf32, #tpu.memory_space<vmem>>, vector<1x16xf32>,
        %swap3A_1082 = vector.shape_cast %swap3A_1081 : vector<1x16xf32> to vector<16xf32>
        %swap3A_1083 = vector.shape_cast %mul3A_1078 : vector<16xf32> to vector<1x16xf32>
        tpu.vector_store %arg20[%swap3A_1079, %swap3A_1080], %swap3A_1083 {strides = array<i32>} : memref<40x128xf32, #tpu.memory_space<vmem>>, vector<1x16xf32>,
        %get3A_1084 = arith.index_cast %add3A_985 : i32 to index
        %get3A_1085 = arith.constant 112 : index
        %get3A_1086 = tpu.vector_load %arg16[%get3A_1084, %get3A_1085] {strides = array<i32>} : memref<40x128xf32, #tpu.memory_space<vmem>>, vector<1x16xf32>,
        %get3A_1087 = vector.shape_cast %get3A_1086 : vector<1x16xf32> to vector<16xf32>
        %get3A_1088 = arith.index_cast %add3A_985 : i32 to index
        %get3A_1089 = arith.constant 112 : index
        %get3A_1090 = tpu.vector_load %arg18[%get3A_1088, %get3A_1089] {strides = array<i32>} : memref<40x128xf32, #tpu.memory_space<vmem>>, vector<1x16xf32>,
        %get3A_1091 = vector.shape_cast %get3A_1090 : vector<1x16xf32> to vector<16xf32>
        %mul3A_1092 = arith.mulf %get3A_1087, %get3A_1091 : vector<16xf32>
        %swap3A_1093 = arith.index_cast %add3A_985 : i32 to index
        %swap3A_1094 = arith.constant 112 : index
        %swap3A_1095 = tpu.vector_load %arg20[%swap3A_1093, %swap3A_1094] {strides = array<i32>} : memref<40x128xf32, #tpu.memory_space<vmem>>, vector<1x16xf32>,
        %swap3A_1096 = vector.shape_cast %swap3A_1095 : vector<1x16xf32> to vector<16xf32>
        %swap3A_1097 = vector.shape_cast %mul3A_1092 : vector<16xf32> to vector<1x16xf32>
        tpu.vector_store %arg20[%swap3A_1093, %swap3A_1094], %swap3A_1097 {strides = array<i32>} : memref<40x128xf32, #tpu.memory_space<vmem>>, vector<1x16xf32>,
      }
      %scan3A_92 = arith.constant 40 : i32
      %mul3A_93 = arith.constant 40 : i32
      %mul3A_94 = arith.muli %add3A_56, %mul3A_93 : i32
      %add3A_95 = arith.addi %mul3A_4, %mul3A_94 : i32
      %dma_wait3A_96 = tpu.memref_slice %arg4[%add3A_95] : memref<320000xi32, #tpu.memory_space<hbm>> -> memref<40xi32, #tpu.memory_space<hbm>>
      %dma_wait3A_97 = tpu.memref_slice %arg4[%add3A_95] : memref<320000xi32, #tpu.memory_space<hbm>> -> memref<40xi32, #tpu.memory_space<hbm>>
      tpu.wait_dma2 semaphore(%arg28 : memref<!tpu.dma_semaphore, #tpu.memory_space<semaphore_mem>>) src(%dma_wait3A_97 : memref<40xi32, #tpu.memory_space<hbm>>) dst(%arg14 : memref<40xi32, #tpu.memory_space<vmem>>)
      %gt3A = arith.constant 0 : i32
      %gt3A_98 = arith.cmpi sgt, %add3A_56, %gt3A : i32
      %convert_element_type3A_99 = arith.extui %gt3A_98 : i1 to i32
      %cond3A_100 = arith.constant 0 : i32
      %cond3A_101 = arith.cmpi ne, %convert_element_type3A_99, %cond3A_100 : i32
      scf.if %cond3A_101 {
        %dma_wait3A_157 = arith.constant 0 : i32
        %dma_wait3A_158 = arith.constant 0 : i32
        %dma_wait3A_159 = tpu.memref_slice %arg9[%dma_wait3A_157, %dma_wait3A_158] : memref<10000x128xf32, #tpu.memory_space<vmem_shared>> -> memref<10000x128xf32, #tpu.memory_space<vmem_shared>>
        tpu.wait_indirect_dma semaphore(%arg25 : memref<!tpu.dma_semaphore, #tpu.memory_space<semaphore_mem>>) src(%arg21 : memref<40x128xf32, #tpu.memory_space<vmem>>) dst(%dma_wait3A_159 : memref<10000x128xf32, #tpu.memory_space<vmem_shared>>)
      } else {
      }
      %dma_start3A_102 = arith.constant 0 : i32
      %dma_start3A_103 = arith.constant 0 : i32
      %dma_start3A_104 = tpu.memref_slice %arg9[%dma_start3A_102, %dma_start3A_103] : memref<10000x128xf32, #tpu.memory_space<vmem_shared>> -> memref<10000x128xf32, #tpu.memory_space<vmem_shared>>
      tpu.enqueue_indirect_dma source(%arg20 : memref<40x128xf32, #tpu.memory_space<vmem>>) target(%dma_start3A_104 : memref<10000x128xf32, #tpu.memory_space<vmem_shared>>) offsets(%arg14 : memref<40xi32, #tpu.memory_space<vmem>>) semaphore(%arg24 : memref<!tpu.dma_semaphore, #tpu.memory_space<semaphore_mem>>) {add = true}
      %add3A_105 = arith.constant 1 : i32
      %add3A_106 = arith.addi %add3A_56, %add3A_105 : i32
      %mul3A_107 = arith.constant 40 : i32
      %mul3A_108 = arith.muli %add3A_106, %mul3A_107 : i32
      %add3A_109 = arith.addi %mul3A_4, %mul3A_108 : i32
      %dma_start3A_110 = tpu.memref_slice %arg4[%add3A_109] : memref<320000xi32, #tpu.memory_space<hbm>> -> memref<40xi32, #tpu.memory_space<hbm>>
      %dma_start3A_111 = tpu.memref_slice %arg4[%add3A_109] : memref<320000xi32, #tpu.memory_space<hbm>> -> memref<40xi32, #tpu.memory_space<hbm>>
      tpu.enqueue_dma source(%dma_start3A_111 : memref<40xi32, #tpu.memory_space<hbm>>) target(%arg15 : memref<40xi32, #tpu.memory_space<vmem>>) target_semaphore(%arg29 : memref<!tpu.dma_semaphore, #tpu.memory_space<semaphore_mem>>)
      %add3A_112 = arith.constant 2 : i32
      %add3A_113 = arith.addi %add3A_56, %add3A_112 : i32
      %lt3A_114 = arith.constant 250 : i32
      %lt3A_115 = arith.cmpi slt, %add3A_113, %lt3A_114 : i32
      %convert_element_type3A_116 = arith.extui %lt3A_115 : i1 to i32
      %cond3A_117 = arith.constant 0 : i32
      %cond3A_118 = arith.cmpi ne, %convert_element_type3A_116, %cond3A_117 : i32
      scf.if %cond3A_118 {
        %add3A_157 = arith.constant 2 : i32
        %add3A_158 = arith.addi %add3A_56, %add3A_157 : i32
        %mul3A_159 = arith.constant 40 : i32
        %mul3A_160 = arith.muli %add3A_158, %mul3A_159 : i32
        %add3A_161 = arith.addi %mul3A_4, %mul3A_160 : i32
        %dma_wait3A_162 = tpu.memref_slice %arg3[%add3A_161] : memref<320000xi32, #tpu.memory_space<hbm>> -> memref<40xi32, #tpu.memory_space<hbm>>
        %dma_wait3A_163 = tpu.memref_slice %arg3[%add3A_161] : memref<320000xi32, #tpu.memory_space<hbm>> -> memref<40xi32, #tpu.memory_space<hbm>>
        tpu.wait_dma2 semaphore(%arg26 : memref<!tpu.dma_semaphore, #tpu.memory_space<semaphore_mem>>) src(%dma_wait3A_163 : memref<40xi32, #tpu.memory_space<hbm>>) dst(%arg10 : memref<40xi32, #tpu.memory_space<vmem>>)
        %mul3A_164 = arith.constant 40 : i32
        %mul3A_165 = arith.muli %add3A_158, %mul3A_164 : i32
        %add3A_166 = arith.addi %mul3A_4, %mul3A_165 : i32
        %dma_wait3A_167 = tpu.memref_slice %arg5[%add3A_166] : memref<320000xi32, #tpu.memory_space<hbm>> -> memref<40xi32, #tpu.memory_space<hbm>>
        %dma_wait3A_168 = tpu.memref_slice %arg5[%add3A_166] : memref<320000xi32, #tpu.memory_space<hbm>> -> memref<40xi32, #tpu.memory_space<hbm>>
        tpu.wait_dma2 semaphore(%arg26 : memref<!tpu.dma_semaphore, #tpu.memory_space<semaphore_mem>>) src(%dma_wait3A_168 : memref<40xi32, #tpu.memory_space<hbm>>) dst(%arg12 : memref<40xi32, #tpu.memory_space<vmem>>)
        %dma_start3A_169 = arith.constant 0 : i32
        %dma_start3A_170 = arith.constant 0 : i32
        %dma_start3A_171 = tpu.memref_slice %arg2[%dma_start3A_169, %dma_start3A_170] : memref<10000x128xf32, #tpu.memory_space<hbm>> -> memref<10000x128xf32, #tpu.memory_space<hbm>>
        tpu.enqueue_indirect_dma source(%dma_start3A_171 : memref<10000x128xf32, #tpu.memory_space<hbm>>) target(%arg16 : memref<40x128xf32, #tpu.memory_space<vmem>>) offsets(%arg10 : memref<40xi32, #tpu.memory_space<vmem>>) semaphore(%arg22 : memref<!tpu.dma_semaphore, #tpu.memory_space<semaphore_mem>>)
        %dma_start3A_172 = arith.constant 0 : i32
        %dma_start3A_173 = arith.constant 0 : i32
        %dma_start3A_174 = tpu.memref_slice %arg6[%dma_start3A_172, %dma_start3A_173] : memref<1568x128xf32, #tpu.memory_space<hbm>> -> memref<1568x128xf32, #tpu.memory_space<hbm>>
        tpu.enqueue_indirect_dma source(%dma_start3A_174 : memref<1568x128xf32, #tpu.memory_space<hbm>>) target(%arg18 : memref<40x128xf32, #tpu.memory_space<vmem>>) offsets(%arg12 : memref<40xi32, #tpu.memory_space<vmem>>) semaphore(%arg22 : memref<!tpu.dma_semaphore, #tpu.memory_space<semaphore_mem>>)
      } else {
      }
      %dma_wait3A_119 = arith.constant 0 : i32
      %dma_wait3A_120 = arith.constant 0 : i32
      %dma_wait3A_121 = tpu.memref_slice %arg2[%dma_wait3A_119, %dma_wait3A_120] : memref<10000x128xf32, #tpu.memory_space<hbm>> -> memref<10000x128xf32, #tpu.memory_space<hbm>>
      tpu.wait_indirect_dma semaphore(%arg23 : memref<!tpu.dma_semaphore, #tpu.memory_space<semaphore_mem>>) src(%dma_wait3A_121 : memref<10000x128xf32, #tpu.memory_space<hbm>>) dst(%arg17 : memref<40x128xf32, #tpu.memory_space<vmem>>)
      %dma_wait3A_122 = arith.constant 0 : i32
      %dma_wait3A_123 = arith.constant 0 : i32
      %dma_wait3A_124 = tpu.memref_slice %arg6[%dma_wait3A_122, %dma_wait3A_123] : memref<1568x128xf32, #tpu.memory_space<hbm>> -> memref<1568x128xf32, #tpu.memory_space<hbm>>
      tpu.wait_indirect_dma semaphore(%arg23 : memref<!tpu.dma_semaphore, #tpu.memory_space<semaphore_mem>>) src(%dma_wait3A_124 : memref<1568x128xf32, #tpu.memory_space<hbm>>) dst(%arg19 : memref<40x128xf32, #tpu.memory_space<vmem>>)
      %add3A_125 = arith.constant 3 : i32
      %add3A_126 = arith.addi %add3A_56, %add3A_125 : i32
      %lt3A_127 = arith.constant 250 : i32
      %lt3A_128 = arith.cmpi slt, %add3A_126, %lt3A_127 : i32
      %convert_element_type3A_129 = arith.extui %lt3A_128 : i1 to i32
      %cond3A_130 = arith.constant 0 : i32
      %cond3A_131 = arith.cmpi ne, %convert_element_type3A_129, %cond3A_130 : i32
      scf.if %cond3A_131 {
        %add3A_157 = arith.constant 3 : i32
        %add3A_158 = arith.addi %add3A_56, %add3A_157 : i32
        %mul3A_159 = arith.constant 40 : i32
        %mul3A_160 = arith.muli %add3A_158, %mul3A_159 : i32
        %add3A_161 = arith.addi %mul3A_4, %mul3A_160 : i32
        %dma_start3A_162 = tpu.memref_slice %arg3[%add3A_161] : memref<320000xi32, #tpu.memory_space<hbm>> -> memref<40xi32, #tpu.memory_space<hbm>>
        %dma_start3A_163 = tpu.memref_slice %arg3[%add3A_161] : memref<320000xi32, #tpu.memory_space<hbm>> -> memref<40xi32, #tpu.memory_space<hbm>>
        tpu.enqueue_dma source(%dma_start3A_163 : memref<40xi32, #tpu.memory_space<hbm>>) target(%arg11 : memref<40xi32, #tpu.memory_space<vmem>>) target_semaphore(%arg27 : memref<!tpu.dma_semaphore, #tpu.memory_space<semaphore_mem>>)
        %mul3A_164 = arith.constant 40 : i32
        %mul3A_165 = arith.muli %add3A_158, %mul3A_164 : i32
        %add3A_166 = arith.addi %mul3A_4, %mul3A_165 : i32
        %dma_start3A_167 = tpu.memref_slice %arg5[%add3A_166] : memref<320000xi32, #tpu.memory_space<hbm>> -> memref<40xi32, #tpu.memory_space<hbm>>
        %dma_start3A_168 = tpu.memref_slice %arg5[%add3A_166] : memref<320000xi32, #tpu.memory_space<hbm>> -> memref<40xi32, #tpu.memory_space<hbm>>
        tpu.enqueue_dma source(%dma_start3A_168 : memref<40xi32, #tpu.memory_space<hbm>>) target(%arg13 : memref<40xi32, #tpu.memory_space<vmem>>) target_semaphore(%arg27 : memref<!tpu.dma_semaphore, #tpu.memory_space<semaphore_mem>>)
      } else {
      }
      %scan3A_132 = arith.constant 0 : i32
      %scan3A_133 = arith.constant 40 : i32
      %scan3A_134 = arith.addi %scan3A_132, %scan3A_133 : i32
      %scan3A_135 = arith.constant 8 : i32
      scf.for %scan3A_157 = %scan3A_132 to %scan3A_134 step %scan3A_135  : i32 {
        %mul3A_158 = arith.constant 1 : i32
        %mul3A_159 = arith.muli %scan3A_157, %mul3A_158 : i32
        %add3A_160 = arith.constant 0 : i32
        %add3A_161 = arith.addi %add3A_160, %mul3A_159 : i32
        %get3A = arith.index_cast %add3A_161 : i32 to index
        %get3A_162 = arith.constant 0 : index
        %get3A_163 = tpu.vector_load %arg17[%get3A, %get3A_162] {strides = array<i32>} : memref<40x128xf32, #tpu.memory_space<vmem>>, vector<1x16xf32>,
        %get3A_164 = vector.shape_cast %get3A_163 : vector<1x16xf32> to vector<16xf32>
        %get3A_165 = arith.index_cast %add3A_161 : i32 to index
        %get3A_166 = arith.constant 0 : index
        %get3A_167 = tpu.vector_load %arg19[%get3A_165, %get3A_166] {strides = array<i32>} : memref<40x128xf32, #tpu.memory_space<vmem>>, vector<1x16xf32>,
        %get3A_168 = vector.shape_cast %get3A_167 : vector<1x16xf32> to vector<16xf32>
        %mul3A_169 = arith.mulf %get3A_164, %get3A_168 : vector<16xf32>
        %swap3A = arith.index_cast %add3A_161 : i32 to index
        %swap3A_170 = arith.constant 0 : index
        %swap3A_171 = tpu.vector_load %arg21[%swap3A, %swap3A_170] {strides = array<i32>} : memref<40x128xf32, #tpu.memory_space<vmem>>, vector<1x16xf32>,
        %swap3A_172 = vector.shape_cast %swap3A_171 : vector<1x16xf32> to vector<16xf32>
        %swap3A_173 = vector.shape_cast %mul3A_169 : vector<16xf32> to vector<1x16xf32>
        tpu.vector_store %arg21[%swap3A, %swap3A_170], %swap3A_173 {strides = array<i32>} : memref<40x128xf32, #tpu.memory_space<vmem>>, vector<1x16xf32>,
        %get3A_174 = arith.index_cast %add3A_161 : i32 to index
        %get3A_175 = arith.constant 16 : index
        %get3A_176 = tpu.vector_load %arg17[%get3A_174, %get3A_175] {strides = array<i32>} : memref<40x128xf32, #tpu.memory_space<vmem>>, vector<1x16xf32>,
        %get3A_177 = vector.shape_cast %get3A_176 : vector<1x16xf32> to vector<16xf32>
        %get3A_178 = arith.index_cast %add3A_161 : i32 to index
        %get3A_179 = arith.constant 16 : index
        %get3A_180 = tpu.vector_load %arg19[%get3A_178, %get3A_179] {strides = array<i32>} : memref<40x128xf32, #tpu.memory_space<vmem>>, vector<1x16xf32>,
        %get3A_181 = vector.shape_cast %get3A_180 : vector<1x16xf32> to vector<16xf32>
        %mul3A_182 = arith.mulf %get3A_177, %get3A_181 : vector<16xf32>
        %swap3A_183 = arith.index_cast %add3A_161 : i32 to index
        %swap3A_184 = arith.constant 16 : index
        %swap3A_185 = tpu.vector_load %arg21[%swap3A_183, %swap3A_184] {strides = array<i32>} : memref<40x128xf32, #tpu.memory_space<vmem>>, vector<1x16xf32>,
        %swap3A_186 = vector.shape_cast %swap3A_185 : vector<1x16xf32> to vector<16xf32>
        %swap3A_187 = vector.shape_cast %mul3A_182 : vector<16xf32> to vector<1x16xf32>
        tpu.vector_store %arg21[%swap3A_183, %swap3A_184], %swap3A_187 {strides = array<i32>} : memref<40x128xf32, #tpu.memory_space<vmem>>, vector<1x16xf32>,
        %get3A_188 = arith.index_cast %add3A_161 : i32 to index
        %get3A_189 = arith.constant 32 : index
        %get3A_190 = tpu.vector_load %arg17[%get3A_188, %get3A_189] {strides = array<i32>} : memref<40x128xf32, #tpu.memory_space<vmem>>, vector<1x16xf32>,
        %get3A_191 = vector.shape_cast %get3A_190 : vector<1x16xf32> to vector<16xf32>
        %get3A_192 = arith.index_cast %add3A_161 : i32 to index
        %get3A_193 = arith.constant 32 : index
        %get3A_194 = tpu.vector_load %arg19[%get3A_192, %get3A_193] {strides = array<i32>} : memref<40x128xf32, #tpu.memory_space<vmem>>, vector<1x16xf32>,
        %get3A_195 = vector.shape_cast %get3A_194 : vector<1x16xf32> to vector<16xf32>
        %mul3A_196 = arith.mulf %get3A_191, %get3A_195 : vector<16xf32>
        %swap3A_197 = arith.index_cast %add3A_161 : i32 to index
        %swap3A_198 = arith.constant 32 : index
        %swap3A_199 = tpu.vector_load %arg21[%swap3A_197, %swap3A_198] {strides = array<i32>} : memref<40x128xf32, #tpu.memory_space<vmem>>, vector<1x16xf32>,
        %swap3A_200 = vector.shape_cast %swap3A_199 : vector<1x16xf32> to vector<16xf32>
        %swap3A_201 = vector.shape_cast %mul3A_196 : vector<16xf32> to vector<1x16xf32>
        tpu.vector_store %arg21[%swap3A_197, %swap3A_198], %swap3A_201 {strides = array<i32>} : memref<40x128xf32, #tpu.memory_space<vmem>>, vector<1x16xf32>,
        %get3A_202 = arith.index_cast %add3A_161 : i32 to index
        %get3A_203 = arith.constant 48 : index
        %get3A_204 = tpu.vector_load %arg17[%get3A_202, %get3A_203] {strides = array<i32>} : memref<40x128xf32, #tpu.memory_space<vmem>>, vector<1x16xf32>,
        %get3A_205 = vector.shape_cast %get3A_204 : vector<1x16xf32> to vector<16xf32>
        %get3A_206 = arith.index_cast %add3A_161 : i32 to index
        %get3A_207 = arith.constant 48 : index
        %get3A_208 = tpu.vector_load %arg19[%get3A_206, %get3A_207] {strides = array<i32>} : memref<40x128xf32, #tpu.memory_space<vmem>>, vector<1x16xf32>,
        %get3A_209 = vector.shape_cast %get3A_208 : vector<1x16xf32> to vector<16xf32>
        %mul3A_210 = arith.mulf %get3A_205, %get3A_209 : vector<16xf32>
        %swap3A_211 = arith.index_cast %add3A_161 : i32 to index
        %swap3A_212 = arith.constant 48 : index
        %swap3A_213 = tpu.vector_load %arg21[%swap3A_211, %swap3A_212] {strides = array<i32>} : memref<40x128xf32, #tpu.memory_space<vmem>>, vector<1x16xf32>,
        %swap3A_214 = vector.shape_cast %swap3A_213 : vector<1x16xf32> to vector<16xf32>
        %swap3A_215 = vector.shape_cast %mul3A_210 : vector<16xf32> to vector<1x16xf32>
        tpu.vector_store %arg21[%swap3A_211, %swap3A_212], %swap3A_215 {strides = array<i32>} : memref<40x128xf32, #tpu.memory_space<vmem>>, vector<1x16xf32>,
        %get3A_216 = arith.index_cast %add3A_161 : i32 to index
        %get3A_217 = arith.constant 64 : index
        %get3A_218 = tpu.vector_load %arg17[%get3A_216, %get3A_217] {strides = array<i32>} : memref<40x128xf32, #tpu.memory_space<vmem>>, vector<1x16xf32>,
        %get3A_219 = vector.shape_cast %get3A_218 : vector<1x16xf32> to vector<16xf32>
        %get3A_220 = arith.index_cast %add3A_161 : i32 to index
        %get3A_221 = arith.constant 64 : index
        %get3A_222 = tpu.vector_load %arg19[%get3A_220, %get3A_221] {strides = array<i32>} : memref<40x128xf32, #tpu.memory_space<vmem>>, vector<1x16xf32>,
        %get3A_223 = vector.shape_cast %get3A_222 : vector<1x16xf32> to vector<16xf32>
        %mul3A_224 = arith.mulf %get3A_219, %get3A_223 : vector<16xf32>
        %swap3A_225 = arith.index_cast %add3A_161 : i32 to index
        %swap3A_226 = arith.constant 64 : index
        %swap3A_227 = tpu.vector_load %arg21[%swap3A_225, %swap3A_226] {strides = array<i32>} : memref<40x128xf32, #tpu.memory_space<vmem>>, vector<1x16xf32>,
        %swap3A_228 = vector.shape_cast %swap3A_227 : vector<1x16xf32> to vector<16xf32>
        %swap3A_229 = vector.shape_cast %mul3A_224 : vector<16xf32> to vector<1x16xf32>
        tpu.vector_store %arg21[%swap3A_225, %swap3A_226], %swap3A_229 {strides = array<i32>} : memref<40x128xf32, #tpu.memory_space<vmem>>, vector<1x16xf32>,
        %get3A_230 = arith.index_cast %add3A_161 : i32 to index
        %get3A_231 = arith.constant 80 : index
        %get3A_232 = tpu.vector_load %arg17[%get3A_230, %get3A_231] {strides = array<i32>} : memref<40x128xf32, #tpu.memory_space<vmem>>, vector<1x16xf32>,
        %get3A_233 = vector.shape_cast %get3A_232 : vector<1x16xf32> to vector<16xf32>
        %get3A_234 = arith.index_cast %add3A_161 : i32 to index
        %get3A_235 = arith.constant 80 : index
        %get3A_236 = tpu.vector_load %arg19[%get3A_234, %get3A_235] {strides = array<i32>} : memref<40x128xf32, #tpu.memory_space<vmem>>, vector<1x16xf32>,
        %get3A_237 = vector.shape_cast %get3A_236 : vector<1x16xf32> to vector<16xf32>
        %mul3A_238 = arith.mulf %get3A_233, %get3A_237 : vector<16xf32>
        %swap3A_239 = arith.index_cast %add3A_161 : i32 to index
        %swap3A_240 = arith.constant 80 : index
        %swap3A_241 = tpu.vector_load %arg21[%swap3A_239, %swap3A_240] {strides = array<i32>} : memref<40x128xf32, #tpu.memory_space<vmem>>, vector<1x16xf32>,
        %swap3A_242 = vector.shape_cast %swap3A_241 : vector<1x16xf32> to vector<16xf32>
        %swap3A_243 = vector.shape_cast %mul3A_238 : vector<16xf32> to vector<1x16xf32>
        tpu.vector_store %arg21[%swap3A_239, %swap3A_240], %swap3A_243 {strides = array<i32>} : memref<40x128xf32, #tpu.memory_space<vmem>>, vector<1x16xf32>,
        %get3A_244 = arith.index_cast %add3A_161 : i32 to index
        %get3A_245 = arith.constant 96 : index
        %get3A_246 = tpu.vector_load %arg17[%get3A_244, %get3A_245] {strides = array<i32>} : memref<40x128xf32, #tpu.memory_space<vmem>>, vector<1x16xf32>,
        %get3A_247 = vector.shape_cast %get3A_246 : vector<1x16xf32> to vector<16xf32>
        %get3A_248 = arith.index_cast %add3A_161 : i32 to index
        %get3A_249 = arith.constant 96 : index
        %get3A_250 = tpu.vector_load %arg19[%get3A_248, %get3A_249] {strides = array<i32>} : memref<40x128xf32, #tpu.memory_space<vmem>>, vector<1x16xf32>,
        %get3A_251 = vector.shape_cast %get3A_250 : vector<1x16xf32> to vector<16xf32>
        %mul3A_252 = arith.mulf %get3A_247, %get3A_251 : vector<16xf32>
        %swap3A_253 = arith.index_cast %add3A_161 : i32 to index
        %swap3A_254 = arith.constant 96 : index
        %swap3A_255 = tpu.vector_load %arg21[%swap3A_253, %swap3A_254] {strides = array<i32>} : memref<40x128xf32, #tpu.memory_space<vmem>>, vector<1x16xf32>,
        %swap3A_256 = vector.shape_cast %swap3A_255 : vector<1x16xf32> to vector<16xf32>
        %swap3A_257 = vector.shape_cast %mul3A_252 : vector<16xf32> to vector<1x16xf32>
        tpu.vector_store %arg21[%swap3A_253, %swap3A_254], %swap3A_257 {strides = array<i32>} : memref<40x128xf32, #tpu.memory_space<vmem>>, vector<1x16xf32>,
        %get3A_258 = arith.index_cast %add3A_161 : i32 to index
        %get3A_259 = arith.constant 112 : index
        %get3A_260 = tpu.vector_load %arg17[%get3A_258, %get3A_259] {strides = array<i32>} : memref<40x128xf32, #tpu.memory_space<vmem>>, vector<1x16xf32>,
        %get3A_261 = vector.shape_cast %get3A_260 : vector<1x16xf32> to vector<16xf32>
        %get3A_262 = arith.index_cast %add3A_161 : i32 to index
        %get3A_263 = arith.constant 112 : index
        %get3A_264 = tpu.vector_load %arg19[%get3A_262, %get3A_263] {strides = array<i32>} : memref<40x128xf32, #tpu.memory_space<vmem>>, vector<1x16xf32>,
        %get3A_265 = vector.shape_cast %get3A_264 : vector<1x16xf32> to vector<16xf32>
        %mul3A_266 = arith.mulf %get3A_261, %get3A_265 : vector<16xf32>
        %swap3A_267 = arith.index_cast %add3A_161 : i32 to index
        %swap3A_268 = arith.constant 112 : index
        %swap3A_269 = tpu.vector_load %arg21[%swap3A_267, %swap3A_268] {strides = array<i32>} : memref<40x128xf32, #tpu.memory_space<vmem>>, vector<1x16xf32>,
        %swap3A_270 = vector.shape_cast %swap3A_269 : vector<1x16xf32> to vector<16xf32>
        %swap3A_271 = vector.shape_cast %mul3A_266 : vector<16xf32> to vector<1x16xf32>
        tpu.vector_store %arg21[%swap3A_267, %swap3A_268], %swap3A_271 {strides = array<i32>} : memref<40x128xf32, #tpu.memory_space<vmem>>, vector<1x16xf32>,
        %scan3A_272 = arith.constant 1 : i32
        %scan3A_273 = arith.addi %scan3A_157, %scan3A_272 : i32
        %mul3A_274 = arith.constant 1 : i32
        %mul3A_275 = arith.muli %scan3A_273, %mul3A_274 : i32
        %add3A_276 = arith.constant 0 : i32
        %add3A_277 = arith.addi %add3A_276, %mul3A_275 : i32
        %get3A_278 = arith.index_cast %add3A_277 : i32 to index
        %get3A_279 = arith.constant 0 : index
        %get3A_280 = tpu.vector_load %arg17[%get3A_278, %get3A_279] {strides = array<i32>} : memref<40x128xf32, #tpu.memory_space<vmem>>, vector<1x16xf32>,
        %get3A_281 = vector.shape_cast %get3A_280 : vector<1x16xf32> to vector<16xf32>
        %get3A_282 = arith.index_cast %add3A_277 : i32 to index
        %get3A_283 = arith.constant 0 : index
        %get3A_284 = tpu.vector_load %arg19[%get3A_282, %get3A_283] {strides = array<i32>} : memref<40x128xf32, #tpu.memory_space<vmem>>, vector<1x16xf32>,
        %get3A_285 = vector.shape_cast %get3A_284 : vector<1x16xf32> to vector<16xf32>
        %mul3A_286 = arith.mulf %get3A_281, %get3A_285 : vector<16xf32>
        %swap3A_287 = arith.index_cast %add3A_277 : i32 to index
        %swap3A_288 = arith.constant 0 : index
        %swap3A_289 = tpu.vector_load %arg21[%swap3A_287, %swap3A_288] {strides = array<i32>} : memref<40x128xf32, #tpu.memory_space<vmem>>, vector<1x16xf32>,
        %swap3A_290 = vector.shape_cast %swap3A_289 : vector<1x16xf32> to vector<16xf32>
        %swap3A_291 = vector.shape_cast %mul3A_286 : vector<16xf32> to vector<1x16xf32>
        tpu.vector_store %arg21[%swap3A_287, %swap3A_288], %swap3A_291 {strides = array<i32>} : memref<40x128xf32, #tpu.memory_space<vmem>>, vector<1x16xf32>,
        %get3A_292 = arith.index_cast %add3A_277 : i32 to index
        %get3A_293 = arith.constant 16 : index
        %get3A_294 = tpu.vector_load %arg17[%get3A_292, %get3A_293] {strides = array<i32>} : memref<40x128xf32, #tpu.memory_space<vmem>>, vector<1x16xf32>,
        %get3A_295 = vector.shape_cast %get3A_294 : vector<1x16xf32> to vector<16xf32>
        %get3A_296 = arith.index_cast %add3A_277 : i32 to index
        %get3A_297 = arith.constant 16 : index
        %get3A_298 = tpu.vector_load %arg19[%get3A_296, %get3A_297] {strides = array<i32>} : memref<40x128xf32, #tpu.memory_space<vmem>>, vector<1x16xf32>,
        %get3A_299 = vector.shape_cast %get3A_298 : vector<1x16xf32> to vector<16xf32>
        %mul3A_300 = arith.mulf %get3A_295, %get3A_299 : vector<16xf32>
        %swap3A_301 = arith.index_cast %add3A_277 : i32 to index
        %swap3A_302 = arith.constant 16 : index
        %swap3A_303 = tpu.vector_load %arg21[%swap3A_301, %swap3A_302] {strides = array<i32>} : memref<40x128xf32, #tpu.memory_space<vmem>>, vector<1x16xf32>,
        %swap3A_304 = vector.shape_cast %swap3A_303 : vector<1x16xf32> to vector<16xf32>
        %swap3A_305 = vector.shape_cast %mul3A_300 : vector<16xf32> to vector<1x16xf32>
        tpu.vector_store %arg21[%swap3A_301, %swap3A_302], %swap3A_305 {strides = array<i32>} : memref<40x128xf32, #tpu.memory_space<vmem>>, vector<1x16xf32>,
        %get3A_306 = arith.index_cast %add3A_277 : i32 to index
        %get3A_307 = arith.constant 32 : index
        %get3A_308 = tpu.vector_load %arg17[%get3A_306, %get3A_307] {strides = array<i32>} : memref<40x128xf32, #tpu.memory_space<vmem>>, vector<1x16xf32>,
        %get3A_309 = vector.shape_cast %get3A_308 : vector<1x16xf32> to vector<16xf32>
        %get3A_310 = arith.index_cast %add3A_277 : i32 to index
        %get3A_311 = arith.constant 32 : index
        %get3A_312 = tpu.vector_load %arg19[%get3A_310, %get3A_311] {strides = array<i32>} : memref<40x128xf32, #tpu.memory_space<vmem>>, vector<1x16xf32>,
        %get3A_313 = vector.shape_cast %get3A_312 : vector<1x16xf32> to vector<16xf32>
        %mul3A_314 = arith.mulf %get3A_309, %get3A_313 : vector<16xf32>
        %swap3A_315 = arith.index_cast %add3A_277 : i32 to index
        %swap3A_316 = arith.constant 32 : index
        %swap3A_317 = tpu.vector_load %arg21[%swap3A_315, %swap3A_316] {strides = array<i32>} : memref<40x128xf32, #tpu.memory_space<vmem>>, vector<1x16xf32>,
        %swap3A_318 = vector.shape_cast %swap3A_317 : vector<1x16xf32> to vector<16xf32>
        %swap3A_319 = vector.shape_cast %mul3A_314 : vector<16xf32> to vector<1x16xf32>
        tpu.vector_store %arg21[%swap3A_315, %swap3A_316], %swap3A_319 {strides = array<i32>} : memref<40x128xf32, #tpu.memory_space<vmem>>, vector<1x16xf32>,
        %get3A_320 = arith.index_cast %add3A_277 : i32 to index
        %get3A_321 = arith.constant 48 : index
        %get3A_322 = tpu.vector_load %arg17[%get3A_320, %get3A_321] {strides = array<i32>} : memref<40x128xf32, #tpu.memory_space<vmem>>, vector<1x16xf32>,
        %get3A_323 = vector.shape_cast %get3A_322 : vector<1x16xf32> to vector<16xf32>
        %get3A_324 = arith.index_cast %add3A_277 : i32 to index
        %get3A_325 = arith.constant 48 : index
        %get3A_326 = tpu.vector_load %arg19[%get3A_324, %get3A_325] {strides = array<i32>} : memref<40x128xf32, #tpu.memory_space<vmem>>, vector<1x16xf32>,
        %get3A_327 = vector.shape_cast %get3A_326 : vector<1x16xf32> to vector<16xf32>
        %mul3A_328 = arith.mulf %get3A_323, %get3A_327 : vector<16xf32>
        %swap3A_329 = arith.index_cast %add3A_277 : i32 to index
        %swap3A_330 = arith.constant 48 : index
        %swap3A_331 = tpu.vector_load %arg21[%swap3A_329, %swap3A_330] {strides = array<i32>} : memref<40x128xf32, #tpu.memory_space<vmem>>, vector<1x16xf32>,
        %swap3A_332 = vector.shape_cast %swap3A_331 : vector<1x16xf32> to vector<16xf32>
        %swap3A_333 = vector.shape_cast %mul3A_328 : vector<16xf32> to vector<1x16xf32>
        tpu.vector_store %arg21[%swap3A_329, %swap3A_330], %swap3A_333 {strides = array<i32>} : memref<40x128xf32, #tpu.memory_space<vmem>>, vector<1x16xf32>,
        %get3A_334 = arith.index_cast %add3A_277 : i32 to index
        %get3A_335 = arith.constant 64 : index
        %get3A_336 = tpu.vector_load %arg17[%get3A_334, %get3A_335] {strides = array<i32>} : memref<40x128xf32, #tpu.memory_space<vmem>>, vector<1x16xf32>,
        %get3A_337 = vector.shape_cast %get3A_336 : vector<1x16xf32> to vector<16xf32>
        %get3A_338 = arith.index_cast %add3A_277 : i32 to index
        %get3A_339 = arith.constant 64 : index
        %get3A_340 = tpu.vector_load %arg19[%get3A_338, %get3A_339] {strides = array<i32>} : memref<40x128xf32, #tpu.memory_space<vmem>>, vector<1x16xf32>,
        %get3A_341 = vector.shape_cast %get3A_340 : vector<1x16xf32> to vector<16xf32>
        %mul3A_342 = arith.mulf %get3A_337, %get3A_341 : vector<16xf32>
        %swap3A_343 = arith.index_cast %add3A_277 : i32 to index
        %swap3A_344 = arith.constant 64 : index
        %swap3A_345 = tpu.vector_load %arg21[%swap3A_343, %swap3A_344] {strides = array<i32>} : memref<40x128xf32, #tpu.memory_space<vmem>>, vector<1x16xf32>,
        %swap3A_346 = vector.shape_cast %swap3A_345 : vector<1x16xf32> to vector<16xf32>
        %swap3A_347 = vector.shape_cast %mul3A_342 : vector<16xf32> to vector<1x16xf32>
        tpu.vector_store %arg21[%swap3A_343, %swap3A_344], %swap3A_347 {strides = array<i32>} : memref<40x128xf32, #tpu.memory_space<vmem>>, vector<1x16xf32>,
        %get3A_348 = arith.index_cast %add3A_277 : i32 to index
        %get3A_349 = arith.constant 80 : index
        %get3A_350 = tpu.vector_load %arg17[%get3A_348, %get3A_349] {strides = array<i32>} : memref<40x128xf32, #tpu.memory_space<vmem>>, vector<1x16xf32>,
        %get3A_351 = vector.shape_cast %get3A_350 : vector<1x16xf32> to vector<16xf32>
        %get3A_352 = arith.index_cast %add3A_277 : i32 to index
        %get3A_353 = arith.constant 80 : index
        %get3A_354 = tpu.vector_load %arg19[%get3A_352, %get3A_353] {strides = array<i32>} : memref<40x128xf32, #tpu.memory_space<vmem>>, vector<1x16xf32>,
        %get3A_355 = vector.shape_cast %get3A_354 : vector<1x16xf32> to vector<16xf32>
        %mul3A_356 = arith.mulf %get3A_351, %get3A_355 : vector<16xf32>
        %swap3A_357 = arith.index_cast %add3A_277 : i32 to index
        %swap3A_358 = arith.constant 80 : index
        %swap3A_359 = tpu.vector_load %arg21[%swap3A_357, %swap3A_358] {strides = array<i32>} : memref<40x128xf32, #tpu.memory_space<vmem>>, vector<1x16xf32>,
        %swap3A_360 = vector.shape_cast %swap3A_359 : vector<1x16xf32> to vector<16xf32>
        %swap3A_361 = vector.shape_cast %mul3A_356 : vector<16xf32> to vector<1x16xf32>
        tpu.vector_store %arg21[%swap3A_357, %swap3A_358], %swap3A_361 {strides = array<i32>} : memref<40x128xf32, #tpu.memory_space<vmem>>, vector<1x16xf32>,
        %get3A_362 = arith.index_cast %add3A_277 : i32 to index
        %get3A_363 = arith.constant 96 : index
        %get3A_364 = tpu.vector_load %arg17[%get3A_362, %get3A_363] {strides = array<i32>} : memref<40x128xf32, #tpu.memory_space<vmem>>, vector<1x16xf32>,
        %get3A_365 = vector.shape_cast %get3A_364 : vector<1x16xf32> to vector<16xf32>
        %get3A_366 = arith.index_cast %add3A_277 : i32 to index
        %get3A_367 = arith.constant 96 : index
        %get3A_368 = tpu.vector_load %arg19[%get3A_366, %get3A_367] {strides = array<i32>} : memref<40x128xf32, #tpu.memory_space<vmem>>, vector<1x16xf32>,
        %get3A_369 = vector.shape_cast %get3A_368 : vector<1x16xf32> to vector<16xf32>
        %mul3A_370 = arith.mulf %get3A_365, %get3A_369 : vector<16xf32>
        %swap3A_371 = arith.index_cast %add3A_277 : i32 to index
        %swap3A_372 = arith.constant 96 : index
        %swap3A_373 = tpu.vector_load %arg21[%swap3A_371, %swap3A_372] {strides = array<i32>} : memref<40x128xf32, #tpu.memory_space<vmem>>, vector<1x16xf32>,
        %swap3A_374 = vector.shape_cast %swap3A_373 : vector<1x16xf32> to vector<16xf32>
        %swap3A_375 = vector.shape_cast %mul3A_370 : vector<16xf32> to vector<1x16xf32>
        tpu.vector_store %arg21[%swap3A_371, %swap3A_372], %swap3A_375 {strides = array<i32>} : memref<40x128xf32, #tpu.memory_space<vmem>>, vector<1x16xf32>,
        %get3A_376 = arith.index_cast %add3A_277 : i32 to index
        %get3A_377 = arith.constant 112 : index
        %get3A_378 = tpu.vector_load %arg17[%get3A_376, %get3A_377] {strides = array<i32>} : memref<40x128xf32, #tpu.memory_space<vmem>>, vector<1x16xf32>,
        %get3A_379 = vector.shape_cast %get3A_378 : vector<1x16xf32> to vector<16xf32>
        %get3A_380 = arith.index_cast %add3A_277 : i32 to index
        %get3A_381 = arith.constant 112 : index
        %get3A_382 = tpu.vector_load %arg19[%get3A_380, %get3A_381] {strides = array<i32>} : memref<40x128xf32, #tpu.memory_space<vmem>>, vector<1x16xf32>,
        %get3A_383 = vector.shape_cast %get3A_382 : vector<1x16xf32> to vector<16xf32>
        %mul3A_384 = arith.mulf %get3A_379, %get3A_383 : vector<16xf32>
        %swap3A_385 = arith.index_cast %add3A_277 : i32 to index
        %swap3A_386 = arith.constant 112 : index
        %swap3A_387 = tpu.vector_load %arg21[%swap3A_385, %swap3A_386] {strides = array<i32>} : memref<40x128xf32, #tpu.memory_space<vmem>>, vector<1x16xf32>,
        %swap3A_388 = vector.shape_cast %swap3A_387 : vector<1x16xf32> to vector<16xf32>
        %swap3A_389 = vector.shape_cast %mul3A_384 : vector<16xf32> to vector<1x16xf32>
        tpu.vector_store %arg21[%swap3A_385, %swap3A_386], %swap3A_389 {strides = array<i32>} : memref<40x128xf32, #tpu.memory_space<vmem>>, vector<1x16xf32>,
        %scan3A_390 = arith.constant 2 : i32
        %scan3A_391 = arith.addi %scan3A_157, %scan3A_390 : i32
        %mul3A_392 = arith.constant 1 : i32
        %mul3A_393 = arith.muli %scan3A_391, %mul3A_392 : i32
        %add3A_394 = arith.constant 0 : i32
        %add3A_395 = arith.addi %add3A_394, %mul3A_393 : i32
        %get3A_396 = arith.index_cast %add3A_395 : i32 to index
        %get3A_397 = arith.constant 0 : index
        %get3A_398 = tpu.vector_load %arg17[%get3A_396, %get3A_397] {strides = array<i32>} : memref<40x128xf32, #tpu.memory_space<vmem>>, vector<1x16xf32>,
        %get3A_399 = vector.shape_cast %get3A_398 : vector<1x16xf32> to vector<16xf32>
        %get3A_400 = arith.index_cast %add3A_395 : i32 to index
        %get3A_401 = arith.constant 0 : index
        %get3A_402 = tpu.vector_load %arg19[%get3A_400, %get3A_401] {strides = array<i32>} : memref<40x128xf32, #tpu.memory_space<vmem>>, vector<1x16xf32>,
        %get3A_403 = vector.shape_cast %get3A_402 : vector<1x16xf32> to vector<16xf32>
        %mul3A_404 = arith.mulf %get3A_399, %get3A_403 : vector<16xf32>
        %swap3A_405 = arith.index_cast %add3A_395 : i32 to index
        %swap3A_406 = arith.constant 0 : index
        %swap3A_407 = tpu.vector_load %arg21[%swap3A_405, %swap3A_406] {strides = array<i32>} : memref<40x128xf32, #tpu.memory_space<vmem>>, vector<1x16xf32>,
        %swap3A_408 = vector.shape_cast %swap3A_407 : vector<1x16xf32> to vector<16xf32>
        %swap3A_409 = vector.shape_cast %mul3A_404 : vector<16xf32> to vector<1x16xf32>
        tpu.vector_store %arg21[%swap3A_405, %swap3A_406], %swap3A_409 {strides = array<i32>} : memref<40x128xf32, #tpu.memory_space<vmem>>, vector<1x16xf32>,
        %get3A_410 = arith.index_cast %add3A_395 : i32 to index
        %get3A_411 = arith.constant 16 : index
        %get3A_412 = tpu.vector_load %arg17[%get3A_410, %get3A_411] {strides = array<i32>} : memref<40x128xf32, #tpu.memory_space<vmem>>, vector<1x16xf32>,
        %get3A_413 = vector.shape_cast %get3A_412 : vector<1x16xf32> to vector<16xf32>
        %get3A_414 = arith.index_cast %add3A_395 : i32 to index
        %get3A_415 = arith.constant 16 : index
        %get3A_416 = tpu.vector_load %arg19[%get3A_414, %get3A_415] {strides = array<i32>} : memref<40x128xf32, #tpu.memory_space<vmem>>, vector<1x16xf32>,
        %get3A_417 = vector.shape_cast %get3A_416 : vector<1x16xf32> to vector<16xf32>
        %mul3A_418 = arith.mulf %get3A_413, %get3A_417 : vector<16xf32>
        %swap3A_419 = arith.index_cast %add3A_395 : i32 to index
        %swap3A_420 = arith.constant 16 : index
        %swap3A_421 = tpu.vector_load %arg21[%swap3A_419, %swap3A_420] {strides = array<i32>} : memref<40x128xf32, #tpu.memory_space<vmem>>, vector<1x16xf32>,
        %swap3A_422 = vector.shape_cast %swap3A_421 : vector<1x16xf32> to vector<16xf32>
        %swap3A_423 = vector.shape_cast %mul3A_418 : vector<16xf32> to vector<1x16xf32>
        tpu.vector_store %arg21[%swap3A_419, %swap3A_420], %swap3A_423 {strides = array<i32>} : memref<40x128xf32, #tpu.memory_space<vmem>>, vector<1x16xf32>,
        %get3A_424 = arith.index_cast %add3A_395 : i32 to index
        %get3A_425 = arith.constant 32 : index
        %get3A_426 = tpu.vector_load %arg17[%get3A_424, %get3A_425] {strides = array<i32>} : memref<40x128xf32, #tpu.memory_space<vmem>>, vector<1x16xf32>,
        %get3A_427 = vector.shape_cast %get3A_426 : vector<1x16xf32> to vector<16xf32>
        %get3A_428 = arith.index_cast %add3A_395 : i32 to index
        %get3A_429 = arith.constant 32 : index
        %get3A_430 = tpu.vector_load %arg19[%get3A_428, %get3A_429] {strides = array<i32>} : memref<40x128xf32, #tpu.memory_space<vmem>>, vector<1x16xf32>,
        %get3A_431 = vector.shape_cast %get3A_430 : vector<1x16xf32> to vector<16xf32>
        %mul3A_432 = arith.mulf %get3A_427, %get3A_431 : vector<16xf32>
        %swap3A_433 = arith.index_cast %add3A_395 : i32 to index
        %swap3A_434 = arith.constant 32 : index
        %swap3A_435 = tpu.vector_load %arg21[%swap3A_433, %swap3A_434] {strides = array<i32>} : memref<40x128xf32, #tpu.memory_space<vmem>>, vector<1x16xf32>,
        %swap3A_436 = vector.shape_cast %swap3A_435 : vector<1x16xf32> to vector<16xf32>
        %swap3A_437 = vector.shape_cast %mul3A_432 : vector<16xf32> to vector<1x16xf32>
        tpu.vector_store %arg21[%swap3A_433, %swap3A_434], %swap3A_437 {strides = array<i32>} : memref<40x128xf32, #tpu.memory_space<vmem>>, vector<1x16xf32>,
        %get3A_438 = arith.index_cast %add3A_395 : i32 to index
        %get3A_439 = arith.constant 48 : index
        %get3A_440 = tpu.vector_load %arg17[%get3A_438, %get3A_439] {strides = array<i32>} : memref<40x128xf32, #tpu.memory_space<vmem>>, vector<1x16xf32>,
        %get3A_441 = vector.shape_cast %get3A_440 : vector<1x16xf32> to vector<16xf32>
        %get3A_442 = arith.index_cast %add3A_395 : i32 to index
        %get3A_443 = arith.constant 48 : index
        %get3A_444 = tpu.vector_load %arg19[%get3A_442, %get3A_443] {strides = array<i32>} : memref<40x128xf32, #tpu.memory_space<vmem>>, vector<1x16xf32>,
        %get3A_445 = vector.shape_cast %get3A_444 : vector<1x16xf32> to vector<16xf32>
        %mul3A_446 = arith.mulf %get3A_441, %get3A_445 : vector<16xf32>
        %swap3A_447 = arith.index_cast %add3A_395 : i32 to index
        %swap3A_448 = arith.constant 48 : index
        %swap3A_449 = tpu.vector_load %arg21[%swap3A_447, %swap3A_448] {strides = array<i32>} : memref<40x128xf32, #tpu.memory_space<vmem>>, vector<1x16xf32>,
        %swap3A_450 = vector.shape_cast %swap3A_449 : vector<1x16xf32> to vector<16xf32>
        %swap3A_451 = vector.shape_cast %mul3A_446 : vector<16xf32> to vector<1x16xf32>
        tpu.vector_store %arg21[%swap3A_447, %swap3A_448], %swap3A_451 {strides = array<i32>} : memref<40x128xf32, #tpu.memory_space<vmem>>, vector<1x16xf32>,
        %get3A_452 = arith.index_cast %add3A_395 : i32 to index
        %get3A_453 = arith.constant 64 : index
        %get3A_454 = tpu.vector_load %arg17[%get3A_452, %get3A_453] {strides = array<i32>} : memref<40x128xf32, #tpu.memory_space<vmem>>, vector<1x16xf32>,
        %get3A_455 = vector.shape_cast %get3A_454 : vector<1x16xf32> to vector<16xf32>
        %get3A_456 = arith.index_cast %add3A_395 : i32 to index
        %get3A_457 = arith.constant 64 : index
        %get3A_458 = tpu.vector_load %arg19[%get3A_456, %get3A_457] {strides = array<i32>} : memref<40x128xf32, #tpu.memory_space<vmem>>, vector<1x16xf32>,
        %get3A_459 = vector.shape_cast %get3A_458 : vector<1x16xf32> to vector<16xf32>
        %mul3A_460 = arith.mulf %get3A_455, %get3A_459 : vector<16xf32>
        %swap3A_461 = arith.index_cast %add3A_395 : i32 to index
        %swap3A_462 = arith.constant 64 : index
        %swap3A_463 = tpu.vector_load %arg21[%swap3A_461, %swap3A_462] {strides = array<i32>} : memref<40x128xf32, #tpu.memory_space<vmem>>, vector<1x16xf32>,
        %swap3A_464 = vector.shape_cast %swap3A_463 : vector<1x16xf32> to vector<16xf32>
        %swap3A_465 = vector.shape_cast %mul3A_460 : vector<16xf32> to vector<1x16xf32>
        tpu.vector_store %arg21[%swap3A_461, %swap3A_462], %swap3A_465 {strides = array<i32>} : memref<40x128xf32, #tpu.memory_space<vmem>>, vector<1x16xf32>,
        %get3A_466 = arith.index_cast %add3A_395 : i32 to index
        %get3A_467 = arith.constant 80 : index
        %get3A_468 = tpu.vector_load %arg17[%get3A_466, %get3A_467] {strides = array<i32>} : memref<40x128xf32, #tpu.memory_space<vmem>>, vector<1x16xf32>,
        %get3A_469 = vector.shape_cast %get3A_468 : vector<1x16xf32> to vector<16xf32>
        %get3A_470 = arith.index_cast %add3A_395 : i32 to index
        %get3A_471 = arith.constant 80 : index
        %get3A_472 = tpu.vector_load %arg19[%get3A_470, %get3A_471] {strides = array<i32>} : memref<40x128xf32, #tpu.memory_space<vmem>>, vector<1x16xf32>,
        %get3A_473 = vector.shape_cast %get3A_472 : vector<1x16xf32> to vector<16xf32>
        %mul3A_474 = arith.mulf %get3A_469, %get3A_473 : vector<16xf32>
        %swap3A_475 = arith.index_cast %add3A_395 : i32 to index
        %swap3A_476 = arith.constant 80 : index
        %swap3A_477 = tpu.vector_load %arg21[%swap3A_475, %swap3A_476] {strides = array<i32>} : memref<40x128xf32, #tpu.memory_space<vmem>>, vector<1x16xf32>,
        %swap3A_478 = vector.shape_cast %swap3A_477 : vector<1x16xf32> to vector<16xf32>
        %swap3A_479 = vector.shape_cast %mul3A_474 : vector<16xf32> to vector<1x16xf32>
        tpu.vector_store %arg21[%swap3A_475, %swap3A_476], %swap3A_479 {strides = array<i32>} : memref<40x128xf32, #tpu.memory_space<vmem>>, vector<1x16xf32>,
        %get3A_480 = arith.index_cast %add3A_395 : i32 to index
        %get3A_481 = arith.constant 96 : index
        %get3A_482 = tpu.vector_load %arg17[%get3A_480, %get3A_481] {strides = array<i32>} : memref<40x128xf32, #tpu.memory_space<vmem>>, vector<1x16xf32>,
        %get3A_483 = vector.shape_cast %get3A_482 : vector<1x16xf32> to vector<16xf32>
        %get3A_484 = arith.index_cast %add3A_395 : i32 to index
        %get3A_485 = arith.constant 96 : index
        %get3A_486 = tpu.vector_load %arg19[%get3A_484, %get3A_485] {strides = array<i32>} : memref<40x128xf32, #tpu.memory_space<vmem>>, vector<1x16xf32>,
        %get3A_487 = vector.shape_cast %get3A_486 : vector<1x16xf32> to vector<16xf32>
        %mul3A_488 = arith.mulf %get3A_483, %get3A_487 : vector<16xf32>
        %swap3A_489 = arith.index_cast %add3A_395 : i32 to index
        %swap3A_490 = arith.constant 96 : index
        %swap3A_491 = tpu.vector_load %arg21[%swap3A_489, %swap3A_490] {strides = array<i32>} : memref<40x128xf32, #tpu.memory_space<vmem>>, vector<1x16xf32>,
        %swap3A_492 = vector.shape_cast %swap3A_491 : vector<1x16xf32> to vector<16xf32>
        %swap3A_493 = vector.shape_cast %mul3A_488 : vector<16xf32> to vector<1x16xf32>
        tpu.vector_store %arg21[%swap3A_489, %swap3A_490], %swap3A_493 {strides = array<i32>} : memref<40x128xf32, #tpu.memory_space<vmem>>, vector<1x16xf32>,
        %get3A_494 = arith.index_cast %add3A_395 : i32 to index
        %get3A_495 = arith.constant 112 : index
        %get3A_496 = tpu.vector_load %arg17[%get3A_494, %get3A_495] {strides = array<i32>} : memref<40x128xf32, #tpu.memory_space<vmem>>, vector<1x16xf32>,
        %get3A_497 = vector.shape_cast %get3A_496 : vector<1x16xf32> to vector<16xf32>
        %get3A_498 = arith.index_cast %add3A_395 : i32 to index
        %get3A_499 = arith.constant 112 : index
        %get3A_500 = tpu.vector_load %arg19[%get3A_498, %get3A_499] {strides = array<i32>} : memref<40x128xf32, #tpu.memory_space<vmem>>, vector<1x16xf32>,
        %get3A_501 = vector.shape_cast %get3A_500 : vector<1x16xf32> to vector<16xf32>
        %mul3A_502 = arith.mulf %get3A_497, %get3A_501 : vector<16xf32>
        %swap3A_503 = arith.index_cast %add3A_395 : i32 to index
        %swap3A_504 = arith.constant 112 : index
        %swap3A_505 = tpu.vector_load %arg21[%swap3A_503, %swap3A_504] {strides = array<i32>} : memref<40x128xf32, #tpu.memory_space<vmem>>, vector<1x16xf32>,
        %swap3A_506 = vector.shape_cast %swap3A_505 : vector<1x16xf32> to vector<16xf32>
        %swap3A_507 = vector.shape_cast %mul3A_502 : vector<16xf32> to vector<1x16xf32>
        tpu.vector_store %arg21[%swap3A_503, %swap3A_504], %swap3A_507 {strides = array<i32>} : memref<40x128xf32, #tpu.memory_space<vmem>>, vector<1x16xf32>,
        %scan3A_508 = arith.constant 3 : i32
        %scan3A_509 = arith.addi %scan3A_157, %scan3A_508 : i32
        %mul3A_510 = arith.constant 1 : i32
        %mul3A_511 = arith.muli %scan3A_509, %mul3A_510 : i32
        %add3A_512 = arith.constant 0 : i32
        %add3A_513 = arith.addi %add3A_512, %mul3A_511 : i32
        %get3A_514 = arith.index_cast %add3A_513 : i32 to index
        %get3A_515 = arith.constant 0 : index
        %get3A_516 = tpu.vector_load %arg17[%get3A_514, %get3A_515] {strides = array<i32>} : memref<40x128xf32, #tpu.memory_space<vmem>>, vector<1x16xf32>,
        %get3A_517 = vector.shape_cast %get3A_516 : vector<1x16xf32> to vector<16xf32>
        %get3A_518 = arith.index_cast %add3A_513 : i32 to index
        %get3A_519 = arith.constant 0 : index
        %get3A_520 = tpu.vector_load %arg19[%get3A_518, %get3A_519] {strides = array<i32>} : memref<40x128xf32, #tpu.memory_space<vmem>>, vector<1x16xf32>,
        %get3A_521 = vector.shape_cast %get3A_520 : vector<1x16xf32> to vector<16xf32>
        %mul3A_522 = arith.mulf %get3A_517, %get3A_521 : vector<16xf32>
        %swap3A_523 = arith.index_cast %add3A_513 : i32 to index
        %swap3A_524 = arith.constant 0 : index
        %swap3A_525 = tpu.vector_load %arg21[%swap3A_523, %swap3A_524] {strides = array<i32>} : memref<40x128xf32, #tpu.memory_space<vmem>>, vector<1x16xf32>,
        %swap3A_526 = vector.shape_cast %swap3A_525 : vector<1x16xf32> to vector<16xf32>
        %swap3A_527 = vector.shape_cast %mul3A_522 : vector<16xf32> to vector<1x16xf32>
        tpu.vector_store %arg21[%swap3A_523, %swap3A_524], %swap3A_527 {strides = array<i32>} : memref<40x128xf32, #tpu.memory_space<vmem>>, vector<1x16xf32>,
        %get3A_528 = arith.index_cast %add3A_513 : i32 to index
        %get3A_529 = arith.constant 16 : index
        %get3A_530 = tpu.vector_load %arg17[%get3A_528, %get3A_529] {strides = array<i32>} : memref<40x128xf32, #tpu.memory_space<vmem>>, vector<1x16xf32>,
        %get3A_531 = vector.shape_cast %get3A_530 : vector<1x16xf32> to vector<16xf32>
        %get3A_532 = arith.index_cast %add3A_513 : i32 to index
        %get3A_533 = arith.constant 16 : index
        %get3A_534 = tpu.vector_load %arg19[%get3A_532, %get3A_533] {strides = array<i32>} : memref<40x128xf32, #tpu.memory_space<vmem>>, vector<1x16xf32>,
        %get3A_535 = vector.shape_cast %get3A_534 : vector<1x16xf32> to vector<16xf32>
        %mul3A_536 = arith.mulf %get3A_531, %get3A_535 : vector<16xf32>
        %swap3A_537 = arith.index_cast %add3A_513 : i32 to index
        %swap3A_538 = arith.constant 16 : index
        %swap3A_539 = tpu.vector_load %arg21[%swap3A_537, %swap3A_538] {strides = array<i32>} : memref<40x128xf32, #tpu.memory_space<vmem>>, vector<1x16xf32>,
        %swap3A_540 = vector.shape_cast %swap3A_539 : vector<1x16xf32> to vector<16xf32>
        %swap3A_541 = vector.shape_cast %mul3A_536 : vector<16xf32> to vector<1x16xf32>
        tpu.vector_store %arg21[%swap3A_537, %swap3A_538], %swap3A_541 {strides = array<i32>} : memref<40x128xf32, #tpu.memory_space<vmem>>, vector<1x16xf32>,
        %get3A_542 = arith.index_cast %add3A_513 : i32 to index
        %get3A_543 = arith.constant 32 : index
        %get3A_544 = tpu.vector_load %arg17[%get3A_542, %get3A_543] {strides = array<i32>} : memref<40x128xf32, #tpu.memory_space<vmem>>, vector<1x16xf32>,
        %get3A_545 = vector.shape_cast %get3A_544 : vector<1x16xf32> to vector<16xf32>
        %get3A_546 = arith.index_cast %add3A_513 : i32 to index
        %get3A_547 = arith.constant 32 : index
        %get3A_548 = tpu.vector_load %arg19[%get3A_546, %get3A_547] {strides = array<i32>} : memref<40x128xf32, #tpu.memory_space<vmem>>, vector<1x16xf32>,
        %get3A_549 = vector.shape_cast %get3A_548 : vector<1x16xf32> to vector<16xf32>
        %mul3A_550 = arith.mulf %get3A_545, %get3A_549 : vector<16xf32>
        %swap3A_551 = arith.index_cast %add3A_513 : i32 to index
        %swap3A_552 = arith.constant 32 : index
        %swap3A_553 = tpu.vector_load %arg21[%swap3A_551, %swap3A_552] {strides = array<i32>} : memref<40x128xf32, #tpu.memory_space<vmem>>, vector<1x16xf32>,
        %swap3A_554 = vector.shape_cast %swap3A_553 : vector<1x16xf32> to vector<16xf32>
        %swap3A_555 = vector.shape_cast %mul3A_550 : vector<16xf32> to vector<1x16xf32>
        tpu.vector_store %arg21[%swap3A_551, %swap3A_552], %swap3A_555 {strides = array<i32>} : memref<40x128xf32, #tpu.memory_space<vmem>>, vector<1x16xf32>,
        %get3A_556 = arith.index_cast %add3A_513 : i32 to index
        %get3A_557 = arith.constant 48 : index
        %get3A_558 = tpu.vector_load %arg17[%get3A_556, %get3A_557] {strides = array<i32>} : memref<40x128xf32, #tpu.memory_space<vmem>>, vector<1x16xf32>,
        %get3A_559 = vector.shape_cast %get3A_558 : vector<1x16xf32> to vector<16xf32>
        %get3A_560 = arith.index_cast %add3A_513 : i32 to index
        %get3A_561 = arith.constant 48 : index
        %get3A_562 = tpu.vector_load %arg19[%get3A_560, %get3A_561] {strides = array<i32>} : memref<40x128xf32, #tpu.memory_space<vmem>>, vector<1x16xf32>,
        %get3A_563 = vector.shape_cast %get3A_562 : vector<1x16xf32> to vector<16xf32>
        %mul3A_564 = arith.mulf %get3A_559, %get3A_563 : vector<16xf32>
        %swap3A_565 = arith.index_cast %add3A_513 : i32 to index
        %swap3A_566 = arith.constant 48 : index
        %swap3A_567 = tpu.vector_load %arg21[%swap3A_565, %swap3A_566] {strides = array<i32>} : memref<40x128xf32, #tpu.memory_space<vmem>>, vector<1x16xf32>,
        %swap3A_568 = vector.shape_cast %swap3A_567 : vector<1x16xf32> to vector<16xf32>
        %swap3A_569 = vector.shape_cast %mul3A_564 : vector<16xf32> to vector<1x16xf32>
        tpu.vector_store %arg21[%swap3A_565, %swap3A_566], %swap3A_569 {strides = array<i32>} : memref<40x128xf32, #tpu.memory_space<vmem>>, vector<1x16xf32>,
        %get3A_570 = arith.index_cast %add3A_513 : i32 to index
        %get3A_571 = arith.constant 64 : index
        %get3A_572 = tpu.vector_load %arg17[%get3A_570, %get3A_571] {strides = array<i32>} : memref<40x128xf32, #tpu.memory_space<vmem>>, vector<1x16xf32>,
        %get3A_573 = vector.shape_cast %get3A_572 : vector<1x16xf32> to vector<16xf32>
        %get3A_574 = arith.index_cast %add3A_513 : i32 to index
        %get3A_575 = arith.constant 64 : index
        %get3A_576 = tpu.vector_load %arg19[%get3A_574, %get3A_575] {strides = array<i32>} : memref<40x128xf32, #tpu.memory_space<vmem>>, vector<1x16xf32>,
        %get3A_577 = vector.shape_cast %get3A_576 : vector<1x16xf32> to vector<16xf32>
        %mul3A_578 = arith.mulf %get3A_573, %get3A_577 : vector<16xf32>
        %swap3A_579 = arith.index_cast %add3A_513 : i32 to index
        %swap3A_580 = arith.constant 64 : index
        %swap3A_581 = tpu.vector_load %arg21[%swap3A_579, %swap3A_580] {strides = array<i32>} : memref<40x128xf32, #tpu.memory_space<vmem>>, vector<1x16xf32>,
        %swap3A_582 = vector.shape_cast %swap3A_581 : vector<1x16xf32> to vector<16xf32>
        %swap3A_583 = vector.shape_cast %mul3A_578 : vector<16xf32> to vector<1x16xf32>
        tpu.vector_store %arg21[%swap3A_579, %swap3A_580], %swap3A_583 {strides = array<i32>} : memref<40x128xf32, #tpu.memory_space<vmem>>, vector<1x16xf32>,
        %get3A_584 = arith.index_cast %add3A_513 : i32 to index
        %get3A_585 = arith.constant 80 : index
        %get3A_586 = tpu.vector_load %arg17[%get3A_584, %get3A_585] {strides = array<i32>} : memref<40x128xf32, #tpu.memory_space<vmem>>, vector<1x16xf32>,
        %get3A_587 = vector.shape_cast %get3A_586 : vector<1x16xf32> to vector<16xf32>
        %get3A_588 = arith.index_cast %add3A_513 : i32 to index
        %get3A_589 = arith.constant 80 : index
        %get3A_590 = tpu.vector_load %arg19[%get3A_588, %get3A_589] {strides = array<i32>} : memref<40x128xf32, #tpu.memory_space<vmem>>, vector<1x16xf32>,
        %get3A_591 = vector.shape_cast %get3A_590 : vector<1x16xf32> to vector<16xf32>
        %mul3A_592 = arith.mulf %get3A_587, %get3A_591 : vector<16xf32>
        %swap3A_593 = arith.index_cast %add3A_513 : i32 to index
        %swap3A_594 = arith.constant 80 : index
        %swap3A_595 = tpu.vector_load %arg21[%swap3A_593, %swap3A_594] {strides = array<i32>} : memref<40x128xf32, #tpu.memory_space<vmem>>, vector<1x16xf32>,
        %swap3A_596 = vector.shape_cast %swap3A_595 : vector<1x16xf32> to vector<16xf32>
        %swap3A_597 = vector.shape_cast %mul3A_592 : vector<16xf32> to vector<1x16xf32>
        tpu.vector_store %arg21[%swap3A_593, %swap3A_594], %swap3A_597 {strides = array<i32>} : memref<40x128xf32, #tpu.memory_space<vmem>>, vector<1x16xf32>,
        %get3A_598 = arith.index_cast %add3A_513 : i32 to index
        %get3A_599 = arith.constant 96 : index
        %get3A_600 = tpu.vector_load %arg17[%get3A_598, %get3A_599] {strides = array<i32>} : memref<40x128xf32, #tpu.memory_space<vmem>>, vector<1x16xf32>,
        %get3A_601 = vector.shape_cast %get3A_600 : vector<1x16xf32> to vector<16xf32>
        %get3A_602 = arith.index_cast %add3A_513 : i32 to index
        %get3A_603 = arith.constant 96 : index
        %get3A_604 = tpu.vector_load %arg19[%get3A_602, %get3A_603] {strides = array<i32>} : memref<40x128xf32, #tpu.memory_space<vmem>>, vector<1x16xf32>,
        %get3A_605 = vector.shape_cast %get3A_604 : vector<1x16xf32> to vector<16xf32>
        %mul3A_606 = arith.mulf %get3A_601, %get3A_605 : vector<16xf32>
        %swap3A_607 = arith.index_cast %add3A_513 : i32 to index
        %swap3A_608 = arith.constant 96 : index
        %swap3A_609 = tpu.vector_load %arg21[%swap3A_607, %swap3A_608] {strides = array<i32>} : memref<40x128xf32, #tpu.memory_space<vmem>>, vector<1x16xf32>,
        %swap3A_610 = vector.shape_cast %swap3A_609 : vector<1x16xf32> to vector<16xf32>
        %swap3A_611 = vector.shape_cast %mul3A_606 : vector<16xf32> to vector<1x16xf32>
        tpu.vector_store %arg21[%swap3A_607, %swap3A_608], %swap3A_611 {strides = array<i32>} : memref<40x128xf32, #tpu.memory_space<vmem>>, vector<1x16xf32>,
        %get3A_612 = arith.index_cast %add3A_513 : i32 to index
        %get3A_613 = arith.constant 112 : index
        %get3A_614 = tpu.vector_load %arg17[%get3A_612, %get3A_613] {strides = array<i32>} : memref<40x128xf32, #tpu.memory_space<vmem>>, vector<1x16xf32>,
        %get3A_615 = vector.shape_cast %get3A_614 : vector<1x16xf32> to vector<16xf32>
        %get3A_616 = arith.index_cast %add3A_513 : i32 to index
        %get3A_617 = arith.constant 112 : index
        %get3A_618 = tpu.vector_load %arg19[%get3A_616, %get3A_617] {strides = array<i32>} : memref<40x128xf32, #tpu.memory_space<vmem>>, vector<1x16xf32>,
        %get3A_619 = vector.shape_cast %get3A_618 : vector<1x16xf32> to vector<16xf32>
        %mul3A_620 = arith.mulf %get3A_615, %get3A_619 : vector<16xf32>
        %swap3A_621 = arith.index_cast %add3A_513 : i32 to index
        %swap3A_622 = arith.constant 112 : index
        %swap3A_623 = tpu.vector_load %arg21[%swap3A_621, %swap3A_622] {strides = array<i32>} : memref<40x128xf32, #tpu.memory_space<vmem>>, vector<1x16xf32>,
        %swap3A_624 = vector.shape_cast %swap3A_623 : vector<1x16xf32> to vector<16xf32>
        %swap3A_625 = vector.shape_cast %mul3A_620 : vector<16xf32> to vector<1x16xf32>
        tpu.vector_store %arg21[%swap3A_621, %swap3A_622], %swap3A_625 {strides = array<i32>} : memref<40x128xf32, #tpu.memory_space<vmem>>, vector<1x16xf32>,
        %scan3A_626 = arith.constant 4 : i32
        %scan3A_627 = arith.addi %scan3A_157, %scan3A_626 : i32
        %mul3A_628 = arith.constant 1 : i32
        %mul3A_629 = arith.muli %scan3A_627, %mul3A_628 : i32
        %add3A_630 = arith.constant 0 : i32
        %add3A_631 = arith.addi %add3A_630, %mul3A_629 : i32
        %get3A_632 = arith.index_cast %add3A_631 : i32 to index
        %get3A_633 = arith.constant 0 : index
        %get3A_634 = tpu.vector_load %arg17[%get3A_632, %get3A_633] {strides = array<i32>} : memref<40x128xf32, #tpu.memory_space<vmem>>, vector<1x16xf32>,
        %get3A_635 = vector.shape_cast %get3A_634 : vector<1x16xf32> to vector<16xf32>
        %get3A_636 = arith.index_cast %add3A_631 : i32 to index
        %get3A_637 = arith.constant 0 : index
        %get3A_638 = tpu.vector_load %arg19[%get3A_636, %get3A_637] {strides = array<i32>} : memref<40x128xf32, #tpu.memory_space<vmem>>, vector<1x16xf32>,
        %get3A_639 = vector.shape_cast %get3A_638 : vector<1x16xf32> to vector<16xf32>
        %mul3A_640 = arith.mulf %get3A_635, %get3A_639 : vector<16xf32>
        %swap3A_641 = arith.index_cast %add3A_631 : i32 to index
        %swap3A_642 = arith.constant 0 : index
        %swap3A_643 = tpu.vector_load %arg21[%swap3A_641, %swap3A_642] {strides = array<i32>} : memref<40x128xf32, #tpu.memory_space<vmem>>, vector<1x16xf32>,
        %swap3A_644 = vector.shape_cast %swap3A_643 : vector<1x16xf32> to vector<16xf32>
        %swap3A_645 = vector.shape_cast %mul3A_640 : vector<16xf32> to vector<1x16xf32>
        tpu.vector_store %arg21[%swap3A_641, %swap3A_642], %swap3A_645 {strides = array<i32>} : memref<40x128xf32, #tpu.memory_space<vmem>>, vector<1x16xf32>,
        %get3A_646 = arith.index_cast %add3A_631 : i32 to index
        %get3A_647 = arith.constant 16 : index
        %get3A_648 = tpu.vector_load %arg17[%get3A_646, %get3A_647] {strides = array<i32>} : memref<40x128xf32, #tpu.memory_space<vmem>>, vector<1x16xf32>,
        %get3A_649 = vector.shape_cast %get3A_648 : vector<1x16xf32> to vector<16xf32>
        %get3A_650 = arith.index_cast %add3A_631 : i32 to index
        %get3A_651 = arith.constant 16 : index
        %get3A_652 = tpu.vector_load %arg19[%get3A_650, %get3A_651] {strides = array<i32>} : memref<40x128xf32, #tpu.memory_space<vmem>>, vector<1x16xf32>,
        %get3A_653 = vector.shape_cast %get3A_652 : vector<1x16xf32> to vector<16xf32>
        %mul3A_654 = arith.mulf %get3A_649, %get3A_653 : vector<16xf32>
        %swap3A_655 = arith.index_cast %add3A_631 : i32 to index
        %swap3A_656 = arith.constant 16 : index
        %swap3A_657 = tpu.vector_load %arg21[%swap3A_655, %swap3A_656] {strides = array<i32>} : memref<40x128xf32, #tpu.memory_space<vmem>>, vector<1x16xf32>,
        %swap3A_658 = vector.shape_cast %swap3A_657 : vector<1x16xf32> to vector<16xf32>
        %swap3A_659 = vector.shape_cast %mul3A_654 : vector<16xf32> to vector<1x16xf32>
        tpu.vector_store %arg21[%swap3A_655, %swap3A_656], %swap3A_659 {strides = array<i32>} : memref<40x128xf32, #tpu.memory_space<vmem>>, vector<1x16xf32>,
        %get3A_660 = arith.index_cast %add3A_631 : i32 to index
        %get3A_661 = arith.constant 32 : index
        %get3A_662 = tpu.vector_load %arg17[%get3A_660, %get3A_661] {strides = array<i32>} : memref<40x128xf32, #tpu.memory_space<vmem>>, vector<1x16xf32>,
        %get3A_663 = vector.shape_cast %get3A_662 : vector<1x16xf32> to vector<16xf32>
        %get3A_664 = arith.index_cast %add3A_631 : i32 to index
        %get3A_665 = arith.constant 32 : index
        %get3A_666 = tpu.vector_load %arg19[%get3A_664, %get3A_665] {strides = array<i32>} : memref<40x128xf32, #tpu.memory_space<vmem>>, vector<1x16xf32>,
        %get3A_667 = vector.shape_cast %get3A_666 : vector<1x16xf32> to vector<16xf32>
        %mul3A_668 = arith.mulf %get3A_663, %get3A_667 : vector<16xf32>
        %swap3A_669 = arith.index_cast %add3A_631 : i32 to index
        %swap3A_670 = arith.constant 32 : index
        %swap3A_671 = tpu.vector_load %arg21[%swap3A_669, %swap3A_670] {strides = array<i32>} : memref<40x128xf32, #tpu.memory_space<vmem>>, vector<1x16xf32>,
        %swap3A_672 = vector.shape_cast %swap3A_671 : vector<1x16xf32> to vector<16xf32>
        %swap3A_673 = vector.shape_cast %mul3A_668 : vector<16xf32> to vector<1x16xf32>
        tpu.vector_store %arg21[%swap3A_669, %swap3A_670], %swap3A_673 {strides = array<i32>} : memref<40x128xf32, #tpu.memory_space<vmem>>, vector<1x16xf32>,
        %get3A_674 = arith.index_cast %add3A_631 : i32 to index
        %get3A_675 = arith.constant 48 : index
        %get3A_676 = tpu.vector_load %arg17[%get3A_674, %get3A_675] {strides = array<i32>} : memref<40x128xf32, #tpu.memory_space<vmem>>, vector<1x16xf32>,
        %get3A_677 = vector.shape_cast %get3A_676 : vector<1x16xf32> to vector<16xf32>
        %get3A_678 = arith.index_cast %add3A_631 : i32 to index
        %get3A_679 = arith.constant 48 : index
        %get3A_680 = tpu.vector_load %arg19[%get3A_678, %get3A_679] {strides = array<i32>} : memref<40x128xf32, #tpu.memory_space<vmem>>, vector<1x16xf32>,
        %get3A_681 = vector.shape_cast %get3A_680 : vector<1x16xf32> to vector<16xf32>
        %mul3A_682 = arith.mulf %get3A_677, %get3A_681 : vector<16xf32>
        %swap3A_683 = arith.index_cast %add3A_631 : i32 to index
        %swap3A_684 = arith.constant 48 : index
        %swap3A_685 = tpu.vector_load %arg21[%swap3A_683, %swap3A_684] {strides = array<i32>} : memref<40x128xf32, #tpu.memory_space<vmem>>, vector<1x16xf32>,
        %swap3A_686 = vector.shape_cast %swap3A_685 : vector<1x16xf32> to vector<16xf32>
        %swap3A_687 = vector.shape_cast %mul3A_682 : vector<16xf32> to vector<1x16xf32>
        tpu.vector_store %arg21[%swap3A_683, %swap3A_684], %swap3A_687 {strides = array<i32>} : memref<40x128xf32, #tpu.memory_space<vmem>>, vector<1x16xf32>,
        %get3A_688 = arith.index_cast %add3A_631 : i32 to index
        %get3A_689 = arith.constant 64 : index
        %get3A_690 = tpu.vector_load %arg17[%get3A_688, %get3A_689] {strides = array<i32>} : memref<40x128xf32, #tpu.memory_space<vmem>>, vector<1x16xf32>,
        %get3A_691 = vector.shape_cast %get3A_690 : vector<1x16xf32> to vector<16xf32>
        %get3A_692 = arith.index_cast %add3A_631 : i32 to index
        %get3A_693 = arith.constant 64 : index
        %get3A_694 = tpu.vector_load %arg19[%get3A_692, %get3A_693] {strides = array<i32>} : memref<40x128xf32, #tpu.memory_space<vmem>>, vector<1x16xf32>,
        %get3A_695 = vector.shape_cast %get3A_694 : vector<1x16xf32> to vector<16xf32>
        %mul3A_696 = arith.mulf %get3A_691, %get3A_695 : vector<16xf32>
        %swap3A_697 = arith.index_cast %add3A_631 : i32 to index
        %swap3A_698 = arith.constant 64 : index
        %swap3A_699 = tpu.vector_load %arg21[%swap3A_697, %swap3A_698] {strides = array<i32>} : memref<40x128xf32, #tpu.memory_space<vmem>>, vector<1x16xf32>,
        %swap3A_700 = vector.shape_cast %swap3A_699 : vector<1x16xf32> to vector<16xf32>
        %swap3A_701 = vector.shape_cast %mul3A_696 : vector<16xf32> to vector<1x16xf32>
        tpu.vector_store %arg21[%swap3A_697, %swap3A_698], %swap3A_701 {strides = array<i32>} : memref<40x128xf32, #tpu.memory_space<vmem>>, vector<1x16xf32>,
        %get3A_702 = arith.index_cast %add3A_631 : i32 to index
        %get3A_703 = arith.constant 80 : index
        %get3A_704 = tpu.vector_load %arg17[%get3A_702, %get3A_703] {strides = array<i32>} : memref<40x128xf32, #tpu.memory_space<vmem>>, vector<1x16xf32>,
        %get3A_705 = vector.shape_cast %get3A_704 : vector<1x16xf32> to vector<16xf32>
        %get3A_706 = arith.index_cast %add3A_631 : i32 to index
        %get3A_707 = arith.constant 80 : index
        %get3A_708 = tpu.vector_load %arg19[%get3A_706, %get3A_707] {strides = array<i32>} : memref<40x128xf32, #tpu.memory_space<vmem>>, vector<1x16xf32>,
        %get3A_709 = vector.shape_cast %get3A_708 : vector<1x16xf32> to vector<16xf32>
        %mul3A_710 = arith.mulf %get3A_705, %get3A_709 : vector<16xf32>
        %swap3A_711 = arith.index_cast %add3A_631 : i32 to index
        %swap3A_712 = arith.constant 80 : index
        %swap3A_713 = tpu.vector_load %arg21[%swap3A_711, %swap3A_712] {strides = array<i32>} : memref<40x128xf32, #tpu.memory_space<vmem>>, vector<1x16xf32>,
        %swap3A_714 = vector.shape_cast %swap3A_713 : vector<1x16xf32> to vector<16xf32>
        %swap3A_715 = vector.shape_cast %mul3A_710 : vector<16xf32> to vector<1x16xf32>
        tpu.vector_store %arg21[%swap3A_711, %swap3A_712], %swap3A_715 {strides = array<i32>} : memref<40x128xf32, #tpu.memory_space<vmem>>, vector<1x16xf32>,
        %get3A_716 = arith.index_cast %add3A_631 : i32 to index
        %get3A_717 = arith.constant 96 : index
        %get3A_718 = tpu.vector_load %arg17[%get3A_716, %get3A_717] {strides = array<i32>} : memref<40x128xf32, #tpu.memory_space<vmem>>, vector<1x16xf32>,
        %get3A_719 = vector.shape_cast %get3A_718 : vector<1x16xf32> to vector<16xf32>
        %get3A_720 = arith.index_cast %add3A_631 : i32 to index
        %get3A_721 = arith.constant 96 : index
        %get3A_722 = tpu.vector_load %arg19[%get3A_720, %get3A_721] {strides = array<i32>} : memref<40x128xf32, #tpu.memory_space<vmem>>, vector<1x16xf32>,
        %get3A_723 = vector.shape_cast %get3A_722 : vector<1x16xf32> to vector<16xf32>
        %mul3A_724 = arith.mulf %get3A_719, %get3A_723 : vector<16xf32>
        %swap3A_725 = arith.index_cast %add3A_631 : i32 to index
        %swap3A_726 = arith.constant 96 : index
        %swap3A_727 = tpu.vector_load %arg21[%swap3A_725, %swap3A_726] {strides = array<i32>} : memref<40x128xf32, #tpu.memory_space<vmem>>, vector<1x16xf32>,
        %swap3A_728 = vector.shape_cast %swap3A_727 : vector<1x16xf32> to vector<16xf32>
        %swap3A_729 = vector.shape_cast %mul3A_724 : vector<16xf32> to vector<1x16xf32>
        tpu.vector_store %arg21[%swap3A_725, %swap3A_726], %swap3A_729 {strides = array<i32>} : memref<40x128xf32, #tpu.memory_space<vmem>>, vector<1x16xf32>,
        %get3A_730 = arith.index_cast %add3A_631 : i32 to index
        %get3A_731 = arith.constant 112 : index
        %get3A_732 = tpu.vector_load %arg17[%get3A_730, %get3A_731] {strides = array<i32>} : memref<40x128xf32, #tpu.memory_space<vmem>>, vector<1x16xf32>,
        %get3A_733 = vector.shape_cast %get3A_732 : vector<1x16xf32> to vector<16xf32>
        %get3A_734 = arith.index_cast %add3A_631 : i32 to index
        %get3A_735 = arith.constant 112 : index
        %get3A_736 = tpu.vector_load %arg19[%get3A_734, %get3A_735] {strides = array<i32>} : memref<40x128xf32, #tpu.memory_space<vmem>>, vector<1x16xf32>,
        %get3A_737 = vector.shape_cast %get3A_736 : vector<1x16xf32> to vector<16xf32>
        %mul3A_738 = arith.mulf %get3A_733, %get3A_737 : vector<16xf32>
        %swap3A_739 = arith.index_cast %add3A_631 : i32 to index
        %swap3A_740 = arith.constant 112 : index
        %swap3A_741 = tpu.vector_load %arg21[%swap3A_739, %swap3A_740] {strides = array<i32>} : memref<40x128xf32, #tpu.memory_space<vmem>>, vector<1x16xf32>,
        %swap3A_742 = vector.shape_cast %swap3A_741 : vector<1x16xf32> to vector<16xf32>
        %swap3A_743 = vector.shape_cast %mul3A_738 : vector<16xf32> to vector<1x16xf32>
        tpu.vector_store %arg21[%swap3A_739, %swap3A_740], %swap3A_743 {strides = array<i32>} : memref<40x128xf32, #tpu.memory_space<vmem>>, vector<1x16xf32>,
        %scan3A_744 = arith.constant 5 : i32
        %scan3A_745 = arith.addi %scan3A_157, %scan3A_744 : i32
        %mul3A_746 = arith.constant 1 : i32
        %mul3A_747 = arith.muli %scan3A_745, %mul3A_746 : i32
        %add3A_748 = arith.constant 0 : i32
        %add3A_749 = arith.addi %add3A_748, %mul3A_747 : i32
        %get3A_750 = arith.index_cast %add3A_749 : i32 to index
        %get3A_751 = arith.constant 0 : index
        %get3A_752 = tpu.vector_load %arg17[%get3A_750, %get3A_751] {strides = array<i32>} : memref<40x128xf32, #tpu.memory_space<vmem>>, vector<1x16xf32>,
        %get3A_753 = vector.shape_cast %get3A_752 : vector<1x16xf32> to vector<16xf32>
        %get3A_754 = arith.index_cast %add3A_749 : i32 to index
        %get3A_755 = arith.constant 0 : index
        %get3A_756 = tpu.vector_load %arg19[%get3A_754, %get3A_755] {strides = array<i32>} : memref<40x128xf32, #tpu.memory_space<vmem>>, vector<1x16xf32>,
        %get3A_757 = vector.shape_cast %get3A_756 : vector<1x16xf32> to vector<16xf32>
        %mul3A_758 = arith.mulf %get3A_753, %get3A_757 : vector<16xf32>
        %swap3A_759 = arith.index_cast %add3A_749 : i32 to index
        %swap3A_760 = arith.constant 0 : index
        %swap3A_761 = tpu.vector_load %arg21[%swap3A_759, %swap3A_760] {strides = array<i32>} : memref<40x128xf32, #tpu.memory_space<vmem>>, vector<1x16xf32>,
        %swap3A_762 = vector.shape_cast %swap3A_761 : vector<1x16xf32> to vector<16xf32>
        %swap3A_763 = vector.shape_cast %mul3A_758 : vector<16xf32> to vector<1x16xf32>
        tpu.vector_store %arg21[%swap3A_759, %swap3A_760], %swap3A_763 {strides = array<i32>} : memref<40x128xf32, #tpu.memory_space<vmem>>, vector<1x16xf32>,
        %get3A_764 = arith.index_cast %add3A_749 : i32 to index
        %get3A_765 = arith.constant 16 : index
        %get3A_766 = tpu.vector_load %arg17[%get3A_764, %get3A_765] {strides = array<i32>} : memref<40x128xf32, #tpu.memory_space<vmem>>, vector<1x16xf32>,
        %get3A_767 = vector.shape_cast %get3A_766 : vector<1x16xf32> to vector<16xf32>
        %get3A_768 = arith.index_cast %add3A_749 : i32 to index
        %get3A_769 = arith.constant 16 : index
        %get3A_770 = tpu.vector_load %arg19[%get3A_768, %get3A_769] {strides = array<i32>} : memref<40x128xf32, #tpu.memory_space<vmem>>, vector<1x16xf32>,
        %get3A_771 = vector.shape_cast %get3A_770 : vector<1x16xf32> to vector<16xf32>
        %mul3A_772 = arith.mulf %get3A_767, %get3A_771 : vector<16xf32>
        %swap3A_773 = arith.index_cast %add3A_749 : i32 to index
        %swap3A_774 = arith.constant 16 : index
        %swap3A_775 = tpu.vector_load %arg21[%swap3A_773, %swap3A_774] {strides = array<i32>} : memref<40x128xf32, #tpu.memory_space<vmem>>, vector<1x16xf32>,
        %swap3A_776 = vector.shape_cast %swap3A_775 : vector<1x16xf32> to vector<16xf32>
        %swap3A_777 = vector.shape_cast %mul3A_772 : vector<16xf32> to vector<1x16xf32>
        tpu.vector_store %arg21[%swap3A_773, %swap3A_774], %swap3A_777 {strides = array<i32>} : memref<40x128xf32, #tpu.memory_space<vmem>>, vector<1x16xf32>,
        %get3A_778 = arith.index_cast %add3A_749 : i32 to index
        %get3A_779 = arith.constant 32 : index
        %get3A_780 = tpu.vector_load %arg17[%get3A_778, %get3A_779] {strides = array<i32>} : memref<40x128xf32, #tpu.memory_space<vmem>>, vector<1x16xf32>,
        %get3A_781 = vector.shape_cast %get3A_780 : vector<1x16xf32> to vector<16xf32>
        %get3A_782 = arith.index_cast %add3A_749 : i32 to index
        %get3A_783 = arith.constant 32 : index
        %get3A_784 = tpu.vector_load %arg19[%get3A_782, %get3A_783] {strides = array<i32>} : memref<40x128xf32, #tpu.memory_space<vmem>>, vector<1x16xf32>,
        %get3A_785 = vector.shape_cast %get3A_784 : vector<1x16xf32> to vector<16xf32>
        %mul3A_786 = arith.mulf %get3A_781, %get3A_785 : vector<16xf32>
        %swap3A_787 = arith.index_cast %add3A_749 : i32 to index
        %swap3A_788 = arith.constant 32 : index
        %swap3A_789 = tpu.vector_load %arg21[%swap3A_787, %swap3A_788] {strides = array<i32>} : memref<40x128xf32, #tpu.memory_space<vmem>>, vector<1x16xf32>,
        %swap3A_790 = vector.shape_cast %swap3A_789 : vector<1x16xf32> to vector<16xf32>
        %swap3A_791 = vector.shape_cast %mul3A_786 : vector<16xf32> to vector<1x16xf32>
        tpu.vector_store %arg21[%swap3A_787, %swap3A_788], %swap3A_791 {strides = array<i32>} : memref<40x128xf32, #tpu.memory_space<vmem>>, vector<1x16xf32>,
        %get3A_792 = arith.index_cast %add3A_749 : i32 to index
        %get3A_793 = arith.constant 48 : index
        %get3A_794 = tpu.vector_load %arg17[%get3A_792, %get3A_793] {strides = array<i32>} : memref<40x128xf32, #tpu.memory_space<vmem>>, vector<1x16xf32>,
        %get3A_795 = vector.shape_cast %get3A_794 : vector<1x16xf32> to vector<16xf32>
        %get3A_796 = arith.index_cast %add3A_749 : i32 to index
        %get3A_797 = arith.constant 48 : index
        %get3A_798 = tpu.vector_load %arg19[%get3A_796, %get3A_797] {strides = array<i32>} : memref<40x128xf32, #tpu.memory_space<vmem>>, vector<1x16xf32>,
        %get3A_799 = vector.shape_cast %get3A_798 : vector<1x16xf32> to vector<16xf32>
        %mul3A_800 = arith.mulf %get3A_795, %get3A_799 : vector<16xf32>
        %swap3A_801 = arith.index_cast %add3A_749 : i32 to index
        %swap3A_802 = arith.constant 48 : index
        %swap3A_803 = tpu.vector_load %arg21[%swap3A_801, %swap3A_802] {strides = array<i32>} : memref<40x128xf32, #tpu.memory_space<vmem>>, vector<1x16xf32>,
        %swap3A_804 = vector.shape_cast %swap3A_803 : vector<1x16xf32> to vector<16xf32>
        %swap3A_805 = vector.shape_cast %mul3A_800 : vector<16xf32> to vector<1x16xf32>
        tpu.vector_store %arg21[%swap3A_801, %swap3A_802], %swap3A_805 {strides = array<i32>} : memref<40x128xf32, #tpu.memory_space<vmem>>, vector<1x16xf32>,
        %get3A_806 = arith.index_cast %add3A_749 : i32 to index
        %get3A_807 = arith.constant 64 : index
        %get3A_808 = tpu.vector_load %arg17[%get3A_806, %get3A_807] {strides = array<i32>} : memref<40x128xf32, #tpu.memory_space<vmem>>, vector<1x16xf32>,
        %get3A_809 = vector.shape_cast %get3A_808 : vector<1x16xf32> to vector<16xf32>
        %get3A_810 = arith.index_cast %add3A_749 : i32 to index
        %get3A_811 = arith.constant 64 : index
        %get3A_812 = tpu.vector_load %arg19[%get3A_810, %get3A_811] {strides = array<i32>} : memref<40x128xf32, #tpu.memory_space<vmem>>, vector<1x16xf32>,
        %get3A_813 = vector.shape_cast %get3A_812 : vector<1x16xf32> to vector<16xf32>
        %mul3A_814 = arith.mulf %get3A_809, %get3A_813 : vector<16xf32>
        %swap3A_815 = arith.index_cast %add3A_749 : i32 to index
        %swap3A_816 = arith.constant 64 : index
        %swap3A_817 = tpu.vector_load %arg21[%swap3A_815, %swap3A_816] {strides = array<i32>} : memref<40x128xf32, #tpu.memory_space<vmem>>, vector<1x16xf32>,
        %swap3A_818 = vector.shape_cast %swap3A_817 : vector<1x16xf32> to vector<16xf32>
        %swap3A_819 = vector.shape_cast %mul3A_814 : vector<16xf32> to vector<1x16xf32>
        tpu.vector_store %arg21[%swap3A_815, %swap3A_816], %swap3A_819 {strides = array<i32>} : memref<40x128xf32, #tpu.memory_space<vmem>>, vector<1x16xf32>,
        %get3A_820 = arith.index_cast %add3A_749 : i32 to index
        %get3A_821 = arith.constant 80 : index
        %get3A_822 = tpu.vector_load %arg17[%get3A_820, %get3A_821] {strides = array<i32>} : memref<40x128xf32, #tpu.memory_space<vmem>>, vector<1x16xf32>,
        %get3A_823 = vector.shape_cast %get3A_822 : vector<1x16xf32> to vector<16xf32>
        %get3A_824 = arith.index_cast %add3A_749 : i32 to index
        %get3A_825 = arith.constant 80 : index
        %get3A_826 = tpu.vector_load %arg19[%get3A_824, %get3A_825] {strides = array<i32>} : memref<40x128xf32, #tpu.memory_space<vmem>>, vector<1x16xf32>,
        %get3A_827 = vector.shape_cast %get3A_826 : vector<1x16xf32> to vector<16xf32>
        %mul3A_828 = arith.mulf %get3A_823, %get3A_827 : vector<16xf32>
        %swap3A_829 = arith.index_cast %add3A_749 : i32 to index
        %swap3A_830 = arith.constant 80 : index
        %swap3A_831 = tpu.vector_load %arg21[%swap3A_829, %swap3A_830] {strides = array<i32>} : memref<40x128xf32, #tpu.memory_space<vmem>>, vector<1x16xf32>,
        %swap3A_832 = vector.shape_cast %swap3A_831 : vector<1x16xf32> to vector<16xf32>
        %swap3A_833 = vector.shape_cast %mul3A_828 : vector<16xf32> to vector<1x16xf32>
        tpu.vector_store %arg21[%swap3A_829, %swap3A_830], %swap3A_833 {strides = array<i32>} : memref<40x128xf32, #tpu.memory_space<vmem>>, vector<1x16xf32>,
        %get3A_834 = arith.index_cast %add3A_749 : i32 to index
        %get3A_835 = arith.constant 96 : index
        %get3A_836 = tpu.vector_load %arg17[%get3A_834, %get3A_835] {strides = array<i32>} : memref<40x128xf32, #tpu.memory_space<vmem>>, vector<1x16xf32>,
        %get3A_837 = vector.shape_cast %get3A_836 : vector<1x16xf32> to vector<16xf32>
        %get3A_838 = arith.index_cast %add3A_749 : i32 to index
        %get3A_839 = arith.constant 96 : index
        %get3A_840 = tpu.vector_load %arg19[%get3A_838, %get3A_839] {strides = array<i32>} : memref<40x128xf32, #tpu.memory_space<vmem>>, vector<1x16xf32>,
        %get3A_841 = vector.shape_cast %get3A_840 : vector<1x16xf32> to vector<16xf32>
        %mul3A_842 = arith.mulf %get3A_837, %get3A_841 : vector<16xf32>
        %swap3A_843 = arith.index_cast %add3A_749 : i32 to index
        %swap3A_844 = arith.constant 96 : index
        %swap3A_845 = tpu.vector_load %arg21[%swap3A_843, %swap3A_844] {strides = array<i32>} : memref<40x128xf32, #tpu.memory_space<vmem>>, vector<1x16xf32>,
        %swap3A_846 = vector.shape_cast %swap3A_845 : vector<1x16xf32> to vector<16xf32>
        %swap3A_847 = vector.shape_cast %mul3A_842 : vector<16xf32> to vector<1x16xf32>
        tpu.vector_store %arg21[%swap3A_843, %swap3A_844], %swap3A_847 {strides = array<i32>} : memref<40x128xf32, #tpu.memory_space<vmem>>, vector<1x16xf32>,
        %get3A_848 = arith.index_cast %add3A_749 : i32 to index
        %get3A_849 = arith.constant 112 : index
        %get3A_850 = tpu.vector_load %arg17[%get3A_848, %get3A_849] {strides = array<i32>} : memref<40x128xf32, #tpu.memory_space<vmem>>, vector<1x16xf32>,
        %get3A_851 = vector.shape_cast %get3A_850 : vector<1x16xf32> to vector<16xf32>
        %get3A_852 = arith.index_cast %add3A_749 : i32 to index
        %get3A_853 = arith.constant 112 : index
        %get3A_854 = tpu.vector_load %arg19[%get3A_852, %get3A_853] {strides = array<i32>} : memref<40x128xf32, #tpu.memory_space<vmem>>, vector<1x16xf32>,
        %get3A_855 = vector.shape_cast %get3A_854 : vector<1x16xf32> to vector<16xf32>
        %mul3A_856 = arith.mulf %get3A_851, %get3A_855 : vector<16xf32>
        %swap3A_857 = arith.index_cast %add3A_749 : i32 to index
        %swap3A_858 = arith.constant 112 : index
        %swap3A_859 = tpu.vector_load %arg21[%swap3A_857, %swap3A_858] {strides = array<i32>} : memref<40x128xf32, #tpu.memory_space<vmem>>, vector<1x16xf32>,
        %swap3A_860 = vector.shape_cast %swap3A_859 : vector<1x16xf32> to vector<16xf32>
        %swap3A_861 = vector.shape_cast %mul3A_856 : vector<16xf32> to vector<1x16xf32>
        tpu.vector_store %arg21[%swap3A_857, %swap3A_858], %swap3A_861 {strides = array<i32>} : memref<40x128xf32, #tpu.memory_space<vmem>>, vector<1x16xf32>,
        %scan3A_862 = arith.constant 6 : i32
        %scan3A_863 = arith.addi %scan3A_157, %scan3A_862 : i32
        %mul3A_864 = arith.constant 1 : i32
        %mul3A_865 = arith.muli %scan3A_863, %mul3A_864 : i32
        %add3A_866 = arith.constant 0 : i32
        %add3A_867 = arith.addi %add3A_866, %mul3A_865 : i32
        %get3A_868 = arith.index_cast %add3A_867 : i32 to index
        %get3A_869 = arith.constant 0 : index
        %get3A_870 = tpu.vector_load %arg17[%get3A_868, %get3A_869] {strides = array<i32>} : memref<40x128xf32, #tpu.memory_space<vmem>>, vector<1x16xf32>,
        %get3A_871 = vector.shape_cast %get3A_870 : vector<1x16xf32> to vector<16xf32>
        %get3A_872 = arith.index_cast %add3A_867 : i32 to index
        %get3A_873 = arith.constant 0 : index
        %get3A_874 = tpu.vector_load %arg19[%get3A_872, %get3A_873] {strides = array<i32>} : memref<40x128xf32, #tpu.memory_space<vmem>>, vector<1x16xf32>,
        %get3A_875 = vector.shape_cast %get3A_874 : vector<1x16xf32> to vector<16xf32>
        %mul3A_876 = arith.mulf %get3A_871, %get3A_875 : vector<16xf32>
        %swap3A_877 = arith.index_cast %add3A_867 : i32 to index
        %swap3A_878 = arith.constant 0 : index
        %swap3A_879 = tpu.vector_load %arg21[%swap3A_877, %swap3A_878] {strides = array<i32>} : memref<40x128xf32, #tpu.memory_space<vmem>>, vector<1x16xf32>,
        %swap3A_880 = vector.shape_cast %swap3A_879 : vector<1x16xf32> to vector<16xf32>
        %swap3A_881 = vector.shape_cast %mul3A_876 : vector<16xf32> to vector<1x16xf32>
        tpu.vector_store %arg21[%swap3A_877, %swap3A_878], %swap3A_881 {strides = array<i32>} : memref<40x128xf32, #tpu.memory_space<vmem>>, vector<1x16xf32>,
        %get3A_882 = arith.index_cast %add3A_867 : i32 to index
        %get3A_883 = arith.constant 16 : index
        %get3A_884 = tpu.vector_load %arg17[%get3A_882, %get3A_883] {strides = array<i32>} : memref<40x128xf32, #tpu.memory_space<vmem>>, vector<1x16xf32>,
        %get3A_885 = vector.shape_cast %get3A_884 : vector<1x16xf32> to vector<16xf32>
        %get3A_886 = arith.index_cast %add3A_867 : i32 to index
        %get3A_887 = arith.constant 16 : index
        %get3A_888 = tpu.vector_load %arg19[%get3A_886, %get3A_887] {strides = array<i32>} : memref<40x128xf32, #tpu.memory_space<vmem>>, vector<1x16xf32>,
        %get3A_889 = vector.shape_cast %get3A_888 : vector<1x16xf32> to vector<16xf32>
        %mul3A_890 = arith.mulf %get3A_885, %get3A_889 : vector<16xf32>
        %swap3A_891 = arith.index_cast %add3A_867 : i32 to index
        %swap3A_892 = arith.constant 16 : index
        %swap3A_893 = tpu.vector_load %arg21[%swap3A_891, %swap3A_892] {strides = array<i32>} : memref<40x128xf32, #tpu.memory_space<vmem>>, vector<1x16xf32>,
        %swap3A_894 = vector.shape_cast %swap3A_893 : vector<1x16xf32> to vector<16xf32>
        %swap3A_895 = vector.shape_cast %mul3A_890 : vector<16xf32> to vector<1x16xf32>
        tpu.vector_store %arg21[%swap3A_891, %swap3A_892], %swap3A_895 {strides = array<i32>} : memref<40x128xf32, #tpu.memory_space<vmem>>, vector<1x16xf32>,
        %get3A_896 = arith.index_cast %add3A_867 : i32 to index
        %get3A_897 = arith.constant 32 : index
        %get3A_898 = tpu.vector_load %arg17[%get3A_896, %get3A_897] {strides = array<i32>} : memref<40x128xf32, #tpu.memory_space<vmem>>, vector<1x16xf32>,
        %get3A_899 = vector.shape_cast %get3A_898 : vector<1x16xf32> to vector<16xf32>
        %get3A_900 = arith.index_cast %add3A_867 : i32 to index
        %get3A_901 = arith.constant 32 : index
        %get3A_902 = tpu.vector_load %arg19[%get3A_900, %get3A_901] {strides = array<i32>} : memref<40x128xf32, #tpu.memory_space<vmem>>, vector<1x16xf32>,
        %get3A_903 = vector.shape_cast %get3A_902 : vector<1x16xf32> to vector<16xf32>
        %mul3A_904 = arith.mulf %get3A_899, %get3A_903 : vector<16xf32>
        %swap3A_905 = arith.index_cast %add3A_867 : i32 to index
        %swap3A_906 = arith.constant 32 : index
        %swap3A_907 = tpu.vector_load %arg21[%swap3A_905, %swap3A_906] {strides = array<i32>} : memref<40x128xf32, #tpu.memory_space<vmem>>, vector<1x16xf32>,
        %swap3A_908 = vector.shape_cast %swap3A_907 : vector<1x16xf32> to vector<16xf32>
        %swap3A_909 = vector.shape_cast %mul3A_904 : vector<16xf32> to vector<1x16xf32>
        tpu.vector_store %arg21[%swap3A_905, %swap3A_906], %swap3A_909 {strides = array<i32>} : memref<40x128xf32, #tpu.memory_space<vmem>>, vector<1x16xf32>,
        %get3A_910 = arith.index_cast %add3A_867 : i32 to index
        %get3A_911 = arith.constant 48 : index
        %get3A_912 = tpu.vector_load %arg17[%get3A_910, %get3A_911] {strides = array<i32>} : memref<40x128xf32, #tpu.memory_space<vmem>>, vector<1x16xf32>,
        %get3A_913 = vector.shape_cast %get3A_912 : vector<1x16xf32> to vector<16xf32>
        %get3A_914 = arith.index_cast %add3A_867 : i32 to index
        %get3A_915 = arith.constant 48 : index
        %get3A_916 = tpu.vector_load %arg19[%get3A_914, %get3A_915] {strides = array<i32>} : memref<40x128xf32, #tpu.memory_space<vmem>>, vector<1x16xf32>,
        %get3A_917 = vector.shape_cast %get3A_916 : vector<1x16xf32> to vector<16xf32>
        %mul3A_918 = arith.mulf %get3A_913, %get3A_917 : vector<16xf32>
        %swap3A_919 = arith.index_cast %add3A_867 : i32 to index
        %swap3A_920 = arith.constant 48 : index
        %swap3A_921 = tpu.vector_load %arg21[%swap3A_919, %swap3A_920] {strides = array<i32>} : memref<40x128xf32, #tpu.memory_space<vmem>>, vector<1x16xf32>,
        %swap3A_922 = vector.shape_cast %swap3A_921 : vector<1x16xf32> to vector<16xf32>
        %swap3A_923 = vector.shape_cast %mul3A_918 : vector<16xf32> to vector<1x16xf32>
        tpu.vector_store %arg21[%swap3A_919, %swap3A_920], %swap3A_923 {strides = array<i32>} : memref<40x128xf32, #tpu.memory_space<vmem>>, vector<1x16xf32>,
        %get3A_924 = arith.index_cast %add3A_867 : i32 to index
        %get3A_925 = arith.constant 64 : index
        %get3A_926 = tpu.vector_load %arg17[%get3A_924, %get3A_925] {strides = array<i32>} : memref<40x128xf32, #tpu.memory_space<vmem>>, vector<1x16xf32>,
        %get3A_927 = vector.shape_cast %get3A_926 : vector<1x16xf32> to vector<16xf32>
        %get3A_928 = arith.index_cast %add3A_867 : i32 to index
        %get3A_929 = arith.constant 64 : index
        %get3A_930 = tpu.vector_load %arg19[%get3A_928, %get3A_929] {strides = array<i32>} : memref<40x128xf32, #tpu.memory_space<vmem>>, vector<1x16xf32>,
        %get3A_931 = vector.shape_cast %get3A_930 : vector<1x16xf32> to vector<16xf32>
        %mul3A_932 = arith.mulf %get3A_927, %get3A_931 : vector<16xf32>
        %swap3A_933 = arith.index_cast %add3A_867 : i32 to index
        %swap3A_934 = arith.constant 64 : index
        %swap3A_935 = tpu.vector_load %arg21[%swap3A_933, %swap3A_934] {strides = array<i32>} : memref<40x128xf32, #tpu.memory_space<vmem>>, vector<1x16xf32>,
        %swap3A_936 = vector.shape_cast %swap3A_935 : vector<1x16xf32> to vector<16xf32>
        %swap3A_937 = vector.shape_cast %mul3A_932 : vector<16xf32> to vector<1x16xf32>
        tpu.vector_store %arg21[%swap3A_933, %swap3A_934], %swap3A_937 {strides = array<i32>} : memref<40x128xf32, #tpu.memory_space<vmem>>, vector<1x16xf32>,
        %get3A_938 = arith.index_cast %add3A_867 : i32 to index
        %get3A_939 = arith.constant 80 : index
        %get3A_940 = tpu.vector_load %arg17[%get3A_938, %get3A_939] {strides = array<i32>} : memref<40x128xf32, #tpu.memory_space<vmem>>, vector<1x16xf32>,
        %get3A_941 = vector.shape_cast %get3A_940 : vector<1x16xf32> to vector<16xf32>
        %get3A_942 = arith.index_cast %add3A_867 : i32 to index
        %get3A_943 = arith.constant 80 : index
        %get3A_944 = tpu.vector_load %arg19[%get3A_942, %get3A_943] {strides = array<i32>} : memref<40x128xf32, #tpu.memory_space<vmem>>, vector<1x16xf32>,
        %get3A_945 = vector.shape_cast %get3A_944 : vector<1x16xf32> to vector<16xf32>
        %mul3A_946 = arith.mulf %get3A_941, %get3A_945 : vector<16xf32>
        %swap3A_947 = arith.index_cast %add3A_867 : i32 to index
        %swap3A_948 = arith.constant 80 : index
        %swap3A_949 = tpu.vector_load %arg21[%swap3A_947, %swap3A_948] {strides = array<i32>} : memref<40x128xf32, #tpu.memory_space<vmem>>, vector<1x16xf32>,
        %swap3A_950 = vector.shape_cast %swap3A_949 : vector<1x16xf32> to vector<16xf32>
        %swap3A_951 = vector.shape_cast %mul3A_946 : vector<16xf32> to vector<1x16xf32>
        tpu.vector_store %arg21[%swap3A_947, %swap3A_948], %swap3A_951 {strides = array<i32>} : memref<40x128xf32, #tpu.memory_space<vmem>>, vector<1x16xf32>,
        %get3A_952 = arith.index_cast %add3A_867 : i32 to index
        %get3A_953 = arith.constant 96 : index
        %get3A_954 = tpu.vector_load %arg17[%get3A_952, %get3A_953] {strides = array<i32>} : memref<40x128xf32, #tpu.memory_space<vmem>>, vector<1x16xf32>,
        %get3A_955 = vector.shape_cast %get3A_954 : vector<1x16xf32> to vector<16xf32>
        %get3A_956 = arith.index_cast %add3A_867 : i32 to index
        %get3A_957 = arith.constant 96 : index
        %get3A_958 = tpu.vector_load %arg19[%get3A_956, %get3A_957] {strides = array<i32>} : memref<40x128xf32, #tpu.memory_space<vmem>>, vector<1x16xf32>,
        %get3A_959 = vector.shape_cast %get3A_958 : vector<1x16xf32> to vector<16xf32>
        %mul3A_960 = arith.mulf %get3A_955, %get3A_959 : vector<16xf32>
        %swap3A_961 = arith.index_cast %add3A_867 : i32 to index
        %swap3A_962 = arith.constant 96 : index
        %swap3A_963 = tpu.vector_load %arg21[%swap3A_961, %swap3A_962] {strides = array<i32>} : memref<40x128xf32, #tpu.memory_space<vmem>>, vector<1x16xf32>,
        %swap3A_964 = vector.shape_cast %swap3A_963 : vector<1x16xf32> to vector<16xf32>
        %swap3A_965 = vector.shape_cast %mul3A_960 : vector<16xf32> to vector<1x16xf32>
        tpu.vector_store %arg21[%swap3A_961, %swap3A_962], %swap3A_965 {strides = array<i32>} : memref<40x128xf32, #tpu.memory_space<vmem>>, vector<1x16xf32>,
        %get3A_966 = arith.index_cast %add3A_867 : i32 to index
        %get3A_967 = arith.constant 112 : index
        %get3A_968 = tpu.vector_load %arg17[%get3A_966, %get3A_967] {strides = array<i32>} : memref<40x128xf32, #tpu.memory_space<vmem>>, vector<1x16xf32>,
        %get3A_969 = vector.shape_cast %get3A_968 : vector<1x16xf32> to vector<16xf32>
        %get3A_970 = arith.index_cast %add3A_867 : i32 to index
        %get3A_971 = arith.constant 112 : index
        %get3A_972 = tpu.vector_load %arg19[%get3A_970, %get3A_971] {strides = array<i32>} : memref<40x128xf32, #tpu.memory_space<vmem>>, vector<1x16xf32>,
        %get3A_973 = vector.shape_cast %get3A_972 : vector<1x16xf32> to vector<16xf32>
        %mul3A_974 = arith.mulf %get3A_969, %get3A_973 : vector<16xf32>
        %swap3A_975 = arith.index_cast %add3A_867 : i32 to index
        %swap3A_976 = arith.constant 112 : index
        %swap3A_977 = tpu.vector_load %arg21[%swap3A_975, %swap3A_976] {strides = array<i32>} : memref<40x128xf32, #tpu.memory_space<vmem>>, vector<1x16xf32>,
        %swap3A_978 = vector.shape_cast %swap3A_977 : vector<1x16xf32> to vector<16xf32>
        %swap3A_979 = vector.shape_cast %mul3A_974 : vector<16xf32> to vector<1x16xf32>
        tpu.vector_store %arg21[%swap3A_975, %swap3A_976], %swap3A_979 {strides = array<i32>} : memref<40x128xf32, #tpu.memory_space<vmem>>, vector<1x16xf32>,
        %scan3A_980 = arith.constant 7 : i32
        %scan3A_981 = arith.addi %scan3A_157, %scan3A_980 : i32
        %mul3A_982 = arith.constant 1 : i32
        %mul3A_983 = arith.muli %scan3A_981, %mul3A_982 : i32
        %add3A_984 = arith.constant 0 : i32
        %add3A_985 = arith.addi %add3A_984, %mul3A_983 : i32
        %get3A_986 = arith.index_cast %add3A_985 : i32 to index
        %get3A_987 = arith.constant 0 : index
        %get3A_988 = tpu.vector_load %arg17[%get3A_986, %get3A_987] {strides = array<i32>} : memref<40x128xf32, #tpu.memory_space<vmem>>, vector<1x16xf32>,
        %get3A_989 = vector.shape_cast %get3A_988 : vector<1x16xf32> to vector<16xf32>
        %get3A_990 = arith.index_cast %add3A_985 : i32 to index
        %get3A_991 = arith.constant 0 : index
        %get3A_992 = tpu.vector_load %arg19[%get3A_990, %get3A_991] {strides = array<i32>} : memref<40x128xf32, #tpu.memory_space<vmem>>, vector<1x16xf32>,
        %get3A_993 = vector.shape_cast %get3A_992 : vector<1x16xf32> to vector<16xf32>
        %mul3A_994 = arith.mulf %get3A_989, %get3A_993 : vector<16xf32>
        %swap3A_995 = arith.index_cast %add3A_985 : i32 to index
        %swap3A_996 = arith.constant 0 : index
        %swap3A_997 = tpu.vector_load %arg21[%swap3A_995, %swap3A_996] {strides = array<i32>} : memref<40x128xf32, #tpu.memory_space<vmem>>, vector<1x16xf32>,
        %swap3A_998 = vector.shape_cast %swap3A_997 : vector<1x16xf32> to vector<16xf32>
        %swap3A_999 = vector.shape_cast %mul3A_994 : vector<16xf32> to vector<1x16xf32>
        tpu.vector_store %arg21[%swap3A_995, %swap3A_996], %swap3A_999 {strides = array<i32>} : memref<40x128xf32, #tpu.memory_space<vmem>>, vector<1x16xf32>,
        %get3A_1000 = arith.index_cast %add3A_985 : i32 to index
        %get3A_1001 = arith.constant 16 : index
        %get3A_1002 = tpu.vector_load %arg17[%get3A_1000, %get3A_1001] {strides = array<i32>} : memref<40x128xf32, #tpu.memory_space<vmem>>, vector<1x16xf32>,
        %get3A_1003 = vector.shape_cast %get3A_1002 : vector<1x16xf32> to vector<16xf32>
        %get3A_1004 = arith.index_cast %add3A_985 : i32 to index
        %get3A_1005 = arith.constant 16 : index
        %get3A_1006 = tpu.vector_load %arg19[%get3A_1004, %get3A_1005] {strides = array<i32>} : memref<40x128xf32, #tpu.memory_space<vmem>>, vector<1x16xf32>,
        %get3A_1007 = vector.shape_cast %get3A_1006 : vector<1x16xf32> to vector<16xf32>
        %mul3A_1008 = arith.mulf %get3A_1003, %get3A_1007 : vector<16xf32>
        %swap3A_1009 = arith.index_cast %add3A_985 : i32 to index
        %swap3A_1010 = arith.constant 16 : index
        %swap3A_1011 = tpu.vector_load %arg21[%swap3A_1009, %swap3A_1010] {strides = array<i32>} : memref<40x128xf32, #tpu.memory_space<vmem>>, vector<1x16xf32>,
        %swap3A_1012 = vector.shape_cast %swap3A_1011 : vector<1x16xf32> to vector<16xf32>
        %swap3A_1013 = vector.shape_cast %mul3A_1008 : vector<16xf32> to vector<1x16xf32>
        tpu.vector_store %arg21[%swap3A_1009, %swap3A_1010], %swap3A_1013 {strides = array<i32>} : memref<40x128xf32, #tpu.memory_space<vmem>>, vector<1x16xf32>,
        %get3A_1014 = arith.index_cast %add3A_985 : i32 to index
        %get3A_1015 = arith.constant 32 : index
        %get3A_1016 = tpu.vector_load %arg17[%get3A_1014, %get3A_1015] {strides = array<i32>} : memref<40x128xf32, #tpu.memory_space<vmem>>, vector<1x16xf32>,
        %get3A_1017 = vector.shape_cast %get3A_1016 : vector<1x16xf32> to vector<16xf32>
        %get3A_1018 = arith.index_cast %add3A_985 : i32 to index
        %get3A_1019 = arith.constant 32 : index
        %get3A_1020 = tpu.vector_load %arg19[%get3A_1018, %get3A_1019] {strides = array<i32>} : memref<40x128xf32, #tpu.memory_space<vmem>>, vector<1x16xf32>,
        %get3A_1021 = vector.shape_cast %get3A_1020 : vector<1x16xf32> to vector<16xf32>
        %mul3A_1022 = arith.mulf %get3A_1017, %get3A_1021 : vector<16xf32>
        %swap3A_1023 = arith.index_cast %add3A_985 : i32 to index
        %swap3A_1024 = arith.constant 32 : index
        %swap3A_1025 = tpu.vector_load %arg21[%swap3A_1023, %swap3A_1024] {strides = array<i32>} : memref<40x128xf32, #tpu.memory_space<vmem>>, vector<1x16xf32>,
        %swap3A_1026 = vector.shape_cast %swap3A_1025 : vector<1x16xf32> to vector<16xf32>
        %swap3A_1027 = vector.shape_cast %mul3A_1022 : vector<16xf32> to vector<1x16xf32>
        tpu.vector_store %arg21[%swap3A_1023, %swap3A_1024], %swap3A_1027 {strides = array<i32>} : memref<40x128xf32, #tpu.memory_space<vmem>>, vector<1x16xf32>,
        %get3A_1028 = arith.index_cast %add3A_985 : i32 to index
        %get3A_1029 = arith.constant 48 : index
        %get3A_1030 = tpu.vector_load %arg17[%get3A_1028, %get3A_1029] {strides = array<i32>} : memref<40x128xf32, #tpu.memory_space<vmem>>, vector<1x16xf32>,
        %get3A_1031 = vector.shape_cast %get3A_1030 : vector<1x16xf32> to vector<16xf32>
        %get3A_1032 = arith.index_cast %add3A_985 : i32 to index
        %get3A_1033 = arith.constant 48 : index
        %get3A_1034 = tpu.vector_load %arg19[%get3A_1032, %get3A_1033] {strides = array<i32>} : memref<40x128xf32, #tpu.memory_space<vmem>>, vector<1x16xf32>,
        %get3A_1035 = vector.shape_cast %get3A_1034 : vector<1x16xf32> to vector<16xf32>
        %mul3A_1036 = arith.mulf %get3A_1031, %get3A_1035 : vector<16xf32>
        %swap3A_1037 = arith.index_cast %add3A_985 : i32 to index
        %swap3A_1038 = arith.constant 48 : index
        %swap3A_1039 = tpu.vector_load %arg21[%swap3A_1037, %swap3A_1038] {strides = array<i32>} : memref<40x128xf32, #tpu.memory_space<vmem>>, vector<1x16xf32>,
        %swap3A_1040 = vector.shape_cast %swap3A_1039 : vector<1x16xf32> to vector<16xf32>
        %swap3A_1041 = vector.shape_cast %mul3A_1036 : vector<16xf32> to vector<1x16xf32>
        tpu.vector_store %arg21[%swap3A_1037, %swap3A_1038], %swap3A_1041 {strides = array<i32>} : memref<40x128xf32, #tpu.memory_space<vmem>>, vector<1x16xf32>,
        %get3A_1042 = arith.index_cast %add3A_985 : i32 to index
        %get3A_1043 = arith.constant 64 : index
        %get3A_1044 = tpu.vector_load %arg17[%get3A_1042, %get3A_1043] {strides = array<i32>} : memref<40x128xf32, #tpu.memory_space<vmem>>, vector<1x16xf32>,
        %get3A_1045 = vector.shape_cast %get3A_1044 : vector<1x16xf32> to vector<16xf32>
        %get3A_1046 = arith.index_cast %add3A_985 : i32 to index
        %get3A_1047 = arith.constant 64 : index
        %get3A_1048 = tpu.vector_load %arg19[%get3A_1046, %get3A_1047] {strides = array<i32>} : memref<40x128xf32, #tpu.memory_space<vmem>>, vector<1x16xf32>,
        %get3A_1049 = vector.shape_cast %get3A_1048 : vector<1x16xf32> to vector<16xf32>
        %mul3A_1050 = arith.mulf %get3A_1045, %get3A_1049 : vector<16xf32>
        %swap3A_1051 = arith.index_cast %add3A_985 : i32 to index
        %swap3A_1052 = arith.constant 64 : index
        %swap3A_1053 = tpu.vector_load %arg21[%swap3A_1051, %swap3A_1052] {strides = array<i32>} : memref<40x128xf32, #tpu.memory_space<vmem>>, vector<1x16xf32>,
        %swap3A_1054 = vector.shape_cast %swap3A_1053 : vector<1x16xf32> to vector<16xf32>
        %swap3A_1055 = vector.shape_cast %mul3A_1050 : vector<16xf32> to vector<1x16xf32>
        tpu.vector_store %arg21[%swap3A_1051, %swap3A_1052], %swap3A_1055 {strides = array<i32>} : memref<40x128xf32, #tpu.memory_space<vmem>>, vector<1x16xf32>,
        %get3A_1056 = arith.index_cast %add3A_985 : i32 to index
        %get3A_1057 = arith.constant 80 : index
        %get3A_1058 = tpu.vector_load %arg17[%get3A_1056, %get3A_1057] {strides = array<i32>} : memref<40x128xf32, #tpu.memory_space<vmem>>, vector<1x16xf32>,
        %get3A_1059 = vector.shape_cast %get3A_1058 : vector<1x16xf32> to vector<16xf32>
        %get3A_1060 = arith.index_cast %add3A_985 : i32 to index
        %get3A_1061 = arith.constant 80 : index
        %get3A_1062 = tpu.vector_load %arg19[%get3A_1060, %get3A_1061] {strides = array<i32>} : memref<40x128xf32, #tpu.memory_space<vmem>>, vector<1x16xf32>,
        %get3A_1063 = vector.shape_cast %get3A_1062 : vector<1x16xf32> to vector<16xf32>
        %mul3A_1064 = arith.mulf %get3A_1059, %get3A_1063 : vector<16xf32>
        %swap3A_1065 = arith.index_cast %add3A_985 : i32 to index
        %swap3A_1066 = arith.constant 80 : index
        %swap3A_1067 = tpu.vector_load %arg21[%swap3A_1065, %swap3A_1066] {strides = array<i32>} : memref<40x128xf32, #tpu.memory_space<vmem>>, vector<1x16xf32>,
        %swap3A_1068 = vector.shape_cast %swap3A_1067 : vector<1x16xf32> to vector<16xf32>
        %swap3A_1069 = vector.shape_cast %mul3A_1064 : vector<16xf32> to vector<1x16xf32>
        tpu.vector_store %arg21[%swap3A_1065, %swap3A_1066], %swap3A_1069 {strides = array<i32>} : memref<40x128xf32, #tpu.memory_space<vmem>>, vector<1x16xf32>,
        %get3A_1070 = arith.index_cast %add3A_985 : i32 to index
        %get3A_1071 = arith.constant 96 : index
        %get3A_1072 = tpu.vector_load %arg17[%get3A_1070, %get3A_1071] {strides = array<i32>} : memref<40x128xf32, #tpu.memory_space<vmem>>, vector<1x16xf32>,
        %get3A_1073 = vector.shape_cast %get3A_1072 : vector<1x16xf32> to vector<16xf32>
        %get3A_1074 = arith.index_cast %add3A_985 : i32 to index
        %get3A_1075 = arith.constant 96 : index
        %get3A_1076 = tpu.vector_load %arg19[%get3A_1074, %get3A_1075] {strides = array<i32>} : memref<40x128xf32, #tpu.memory_space<vmem>>, vector<1x16xf32>,
        %get3A_1077 = vector.shape_cast %get3A_1076 : vector<1x16xf32> to vector<16xf32>
        %mul3A_1078 = arith.mulf %get3A_1073, %get3A_1077 : vector<16xf32>
        %swap3A_1079 = arith.index_cast %add3A_985 : i32 to index
        %swap3A_1080 = arith.constant 96 : index
        %swap3A_1081 = tpu.vector_load %arg21[%swap3A_1079, %swap3A_1080] {strides = array<i32>} : memref<40x128xf32, #tpu.memory_space<vmem>>, vector<1x16xf32>,
        %swap3A_1082 = vector.shape_cast %swap3A_1081 : vector<1x16xf32> to vector<16xf32>
        %swap3A_1083 = vector.shape_cast %mul3A_1078 : vector<16xf32> to vector<1x16xf32>
        tpu.vector_store %arg21[%swap3A_1079, %swap3A_1080], %swap3A_1083 {strides = array<i32>} : memref<40x128xf32, #tpu.memory_space<vmem>>, vector<1x16xf32>,
        %get3A_1084 = arith.index_cast %add3A_985 : i32 to index
        %get3A_1085 = arith.constant 112 : index
        %get3A_1086 = tpu.vector_load %arg17[%get3A_1084, %get3A_1085] {strides = array<i32>} : memref<40x128xf32, #tpu.memory_space<vmem>>, vector<1x16xf32>,
        %get3A_1087 = vector.shape_cast %get3A_1086 : vector<1x16xf32> to vector<16xf32>
        %get3A_1088 = arith.index_cast %add3A_985 : i32 to index
        %get3A_1089 = arith.constant 112 : index
        %get3A_1090 = tpu.vector_load %arg19[%get3A_1088, %get3A_1089] {strides = array<i32>} : memref<40x128xf32, #tpu.memory_space<vmem>>, vector<1x16xf32>,
        %get3A_1091 = vector.shape_cast %get3A_1090 : vector<1x16xf32> to vector<16xf32>
        %mul3A_1092 = arith.mulf %get3A_1087, %get3A_1091 : vector<16xf32>
        %swap3A_1093 = arith.index_cast %add3A_985 : i32 to index
        %swap3A_1094 = arith.constant 112 : index
        %swap3A_1095 = tpu.vector_load %arg21[%swap3A_1093, %swap3A_1094] {strides = array<i32>} : memref<40x128xf32, #tpu.memory_space<vmem>>, vector<1x16xf32>,
        %swap3A_1096 = vector.shape_cast %swap3A_1095 : vector<1x16xf32> to vector<16xf32>
        %swap3A_1097 = vector.shape_cast %mul3A_1092 : vector<16xf32> to vector<1x16xf32>
        tpu.vector_store %arg21[%swap3A_1093, %swap3A_1094], %swap3A_1097 {strides = array<i32>} : memref<40x128xf32, #tpu.memory_space<vmem>>, vector<1x16xf32>,
      }
      %scan3A_136 = arith.constant 40 : i32
      %add3A_137 = arith.constant 1 : i32
      %add3A_138 = arith.addi %add3A_56, %add3A_137 : i32
      %mul3A_139 = arith.constant 40 : i32
      %mul3A_140 = arith.muli %add3A_138, %mul3A_139 : i32
      %add3A_141 = arith.addi %mul3A_4, %mul3A_140 : i32
      %dma_wait3A_142 = tpu.memref_slice %arg4[%add3A_141] : memref<320000xi32, #tpu.memory_space<hbm>> -> memref<40xi32, #tpu.memory_space<hbm>>
      %dma_wait3A_143 = tpu.memref_slice %arg4[%add3A_141] : memref<320000xi32, #tpu.memory_space<hbm>> -> memref<40xi32, #tpu.memory_space<hbm>>
      tpu.wait_dma2 semaphore(%arg29 : memref<!tpu.dma_semaphore, #tpu.memory_space<semaphore_mem>>) src(%dma_wait3A_143 : memref<40xi32, #tpu.memory_space<hbm>>) dst(%arg15 : memref<40xi32, #tpu.memory_space<vmem>>)
      %dma_wait3A_144 = arith.constant 0 : i32
      %dma_wait3A_145 = arith.constant 0 : i32
      %dma_wait3A_146 = tpu.memref_slice %arg9[%dma_wait3A_144, %dma_wait3A_145] : memref<10000x128xf32, #tpu.memory_space<vmem_shared>> -> memref<10000x128xf32, #tpu.memory_space<vmem_shared>>
      tpu.wait_indirect_dma semaphore(%arg24 : memref<!tpu.dma_semaphore, #tpu.memory_space<semaphore_mem>>) src(%arg20 : memref<40x128xf32, #tpu.memory_space<vmem>>) dst(%dma_wait3A_146 : memref<10000x128xf32, #tpu.memory_space<vmem_shared>>)
      %dma_start3A_147 = arith.constant 0 : i32
      %dma_start3A_148 = arith.constant 0 : i32
      %dma_start3A_149 = tpu.memref_slice %arg9[%dma_start3A_147, %dma_start3A_148] : memref<10000x128xf32, #tpu.memory_space<vmem_shared>> -> memref<10000x128xf32, #tpu.memory_space<vmem_shared>>
      tpu.enqueue_indirect_dma source(%arg21 : memref<40x128xf32, #tpu.memory_space<vmem>>) target(%dma_start3A_149 : memref<10000x128xf32, #tpu.memory_space<vmem_shared>>) offsets(%arg15 : memref<40xi32, #tpu.memory_space<vmem>>) semaphore(%arg25 : memref<!tpu.dma_semaphore, #tpu.memory_space<semaphore_mem>>) {add = true}
      %add3A_150 = arith.constant 2 : i32
      %add3A_151 = arith.addi %add3A_56, %add3A_150 : i32
      %lt3A_152 = arith.constant 250 : i32
      %lt3A_153 = arith.cmpi slt, %add3A_151, %lt3A_152 : i32
      %convert_element_type3A_154 = arith.extui %lt3A_153 : i1 to i32
      %cond3A_155 = arith.constant 0 : i32
      %cond3A_156 = arith.cmpi ne, %convert_element_type3A_154, %cond3A_155 : i32
      scf.if %cond3A_156 {
        %add3A_157 = arith.constant 2 : i32
        %add3A_158 = arith.addi %add3A_56, %add3A_157 : i32
        %mul3A_159 = arith.constant 40 : i32
        %mul3A_160 = arith.muli %add3A_158, %mul3A_159 : i32
        %add3A_161 = arith.addi %mul3A_4, %mul3A_160 : i32
        %dma_start3A_162 = tpu.memref_slice %arg4[%add3A_161] : memref<320000xi32, #tpu.memory_space<hbm>> -> memref<40xi32, #tpu.memory_space<hbm>>
        %dma_start3A_163 = tpu.memref_slice %arg4[%add3A_161] : memref<320000xi32, #tpu.memory_space<hbm>> -> memref<40xi32, #tpu.memory_space<hbm>>
        tpu.enqueue_dma source(%dma_start3A_163 : memref<40xi32, #tpu.memory_space<hbm>>) target(%arg14 : memref<40xi32, #tpu.memory_space<vmem>>) target_semaphore(%arg28 : memref<!tpu.dma_semaphore, #tpu.memory_space<semaphore_mem>>)
      } else {
      }
    }
    %scan3A_42 = arith.constant 125 : i32
    %dma_wait3A_43 = arith.constant 0 : i32
    %dma_wait3A_44 = arith.constant 0 : i32
    %dma_wait3A_45 = tpu.memref_slice %arg9[%dma_wait3A_43, %dma_wait3A_44] : memref<10000x128xf32, #tpu.memory_space<vmem_shared>> -> memref<10000x128xf32, #tpu.memory_space<vmem_shared>>
    tpu.wait_indirect_dma semaphore(%arg25 : memref<!tpu.dma_semaphore, #tpu.memory_space<semaphore_mem>>) src(%arg21 : memref<40x128xf32, #tpu.memory_space<vmem>>) dst(%dma_wait3A_45 : memref<10000x128xf32, #tpu.memory_space<vmem_shared>>)
    %barrier3A_46 = arith.constant 0 : index
    tpu.barrier barrier_id(%barrier3A_46)
    %lt3A_47 = arith.constant 10 : i32
    %lt3A_48 = arith.cmpi slt, %arg1, %lt3A_47 : i32
    %convert_element_type3A_49 = arith.extui %lt3A_48 : i1 to i32
    %cond3A_50 = arith.constant 0 : i32
    %cond3A_51 = arith.cmpi ne, %convert_element_type3A_49, %cond3A_50 : i32
    scf.if %cond3A_51 {
      "tpu.region"() ({
        %run_scoped3A = tpu.sem_alloc : memref<!tpu.dma_semaphore, #tpu.memory_space<semaphore_mem>>
        %dma_start3A_52 = arith.constant 0 : i32
        %dma_start3A_53 = tpu.memref_slice %arg8[%arg0, %mul3A_2, %dma_start3A_52] : memref<2x10000x128xf32, #tpu.memory_space<hbm>> -> memref<1x1000x128xf32, #tpu.memory_space<hbm>>
        %dma_start3A_54 = tpu.memref_squeeze %dma_start3A_53 : memref<1x1000x128xf32, #tpu.memory_space<hbm>> -> memref<1000x128xf32, #tpu.memory_space<hbm>>
        %dma_start3A_55 = arith.constant 0 : i32
        %dma_start3A_56 = tpu.memref_slice %arg9[%mul3A_2, %dma_start3A_55] : memref<10000x128xf32, #tpu.memory_space<vmem_shared>> -> memref<1000x128xf32, #tpu.memory_space<vmem_shared>>
        tpu.enqueue_dma source(%dma_start3A_56 : memref<1000x128xf32, #tpu.memory_space<vmem_shared>>) target(%dma_start3A_54 : memref<1000x128xf32, #tpu.memory_space<hbm>>) target_semaphore(%run_scoped3A : memref<!tpu.dma_semaphore, #tpu.memory_space<semaphore_mem>>)
        %dma_wait3A_57 = arith.constant 0 : i32
        %dma_wait3A_58 = tpu.memref_slice %arg8[%arg0, %mul3A_2, %dma_wait3A_57] : memref<2x10000x128xf32, #tpu.memory_space<hbm>> -> memref<1x1000x128xf32, #tpu.memory_space<hbm>>
        %dma_wait3A_59 = tpu.memref_squeeze %dma_wait3A_58 : memref<1x1000x128xf32, #tpu.memory_space<hbm>> -> memref<1000x128xf32, #tpu.memory_space<hbm>>
        %dma_wait3A_60 = arith.constant 0 : i32
        %dma_wait3A_61 = tpu.memref_slice %arg9[%mul3A_2, %dma_wait3A_60] : memref<10000x128xf32, #tpu.memory_space<vmem_shared>> -> memref<1000x128xf32, #tpu.memory_space<vmem_shared>>
        tpu.wait_dma2 semaphore(%run_scoped3A : memref<!tpu.dma_semaphore, #tpu.memory_space<semaphore_mem>>) src(%dma_wait3A_61 : memref<1000x128xf32, #tpu.memory_space<vmem_shared>>) dst(%dma_wait3A_59 : memref<1000x128xf32, #tpu.memory_space<hbm>>)
        tpu.yield
      }) : () -> ()
    } else {
    }
    return
  }
}

module attributes {stable_mosaic.version = 14 : i64} {
  func.func @body(%arg0: i32, %arg1: memref<2000x128xf32, #tpu.memory_space<vmem>>, %arg2: memref<2000x128xf32, #tpu.memory_space<vmem>>, %arg3: memref<2000x128xf32, #tpu.memory_space<vmem>>, %arg4: memref<2000x1xf32, #tpu.memory_space<vmem>>, %arg5: memref<1x128xf32, #tpu.memory_space<vmem>>, %arg6: memref<1x128xf32, #tpu.memory_space<vmem>>, %arg7: memref<128x256xf32, #tpu.memory_space<vmem>>, %arg8: memref<1x256xf32, #tpu.memory_space<vmem>>, %arg9: memref<256x128xf32, #tpu.memory_space<vmem>>, %arg10: memref<1x128xf32, #tpu.memory_space<vmem>>, %arg11: memref<2000x128xf32, #tpu.memory_space<vmem>>) attributes {dimension_semantics = [#tpu.dimension_semantics<arbitrary>], iteration_bounds = array<i64: 5>, scalar_prefetch = 0 : i64, scratch_operands = 0 : i64, tpu.core_type = #tpu.core_type<tc>, window_params = [{transform_indices = @transform_0, window_bounds = array<i64: 2000, 128>}, {transform_indices = @transform_1, window_bounds = array<i64: 2000, 128>}, {transform_indices = @transform_2, window_bounds = array<i64: 2000, 128>}, {transform_indices = @transform_3, window_bounds = array<i64: 2000, 1>}, {pipeline_mode = #tpu.pipeline_mode<synchronous>, transform_indices = @transform_4, window_bounds = array<i64: 1, 128>}, {pipeline_mode = #tpu.pipeline_mode<synchronous>, transform_indices = @transform_5, window_bounds = array<i64: 1, 128>}, {pipeline_mode = #tpu.pipeline_mode<synchronous>, transform_indices = @transform_6, window_bounds = array<i64: 128, 256>}, {pipeline_mode = #tpu.pipeline_mode<synchronous>, transform_indices = @transform_7, window_bounds = array<i64: 1, 256>}, {pipeline_mode = #tpu.pipeline_mode<synchronous>, transform_indices = @transform_8, window_bounds = array<i64: 256, 128>}, {pipeline_mode = #tpu.pipeline_mode<synchronous>, transform_indices = @transform_9, window_bounds = array<i64: 1, 128>}, {transform_indices = @transform_10, window_bounds = array<i64: 2000, 128>}]} {
    %get3A = arith.constant 0 : index
    %get3A_0 = arith.constant 0 : index
    %get3A_1 = vector.load %arg1[%get3A, %get3A_0] : memref<2000x128xf32, #tpu.memory_space<vmem>>, vector<2000x128xf32>
    %get3A_2 = arith.constant 0 : index
    %get3A_3 = arith.constant 0 : index
    %get3A_4 = vector.load %arg2[%get3A_2, %get3A_3] : memref<2000x128xf32, #tpu.memory_space<vmem>>, vector<2000x128xf32>
    %get3A_5 = arith.constant 0 : index
    %get3A_6 = arith.constant 0 : index
    %get3A_7 = vector.load %arg3[%get3A_5, %get3A_6] : memref<2000x128xf32, #tpu.memory_space<vmem>>, vector<2000x128xf32>
    %add3A = arith.addf %get3A_4, %get3A_7 : vector<2000x128xf32>
    %get3A_8 = arith.constant 0 : index
    %get3A_9 = arith.constant 0 : index
    %get3A_10 = vector.load %arg4[%get3A_8, %get3A_9] : memref<2000x1xf32, #tpu.memory_space<vmem>>, vector<2000x1xf32>
    %div3A = vector.broadcast %get3A_10 : vector<2000x1xf32> to vector<2000x128xf32>
    %div3A_11 = arith.divf %add3A, %div3A : vector<2000x128xf32>
    %add3A_12 = arith.addf %get3A_1, %div3A_11 : vector<2000x128xf32>
    %reduce_sum3A = arith.constant dense<0.000000e+00> : vector<2000xf32>
    %reduce_sum3A_13 = vector.multi_reduction <add>, %add3A_12, %reduce_sum3A [1] : vector<2000x128xf32> to vector<2000xf32>
    %broadcast_in_dim3A = vector.shape_cast %reduce_sum3A_13 : vector<2000xf32> to vector<2000x1xf32>
    %div3A_14 = arith.constant 1.280000e+02 : f32
    %div3A_15 = vector.broadcast %div3A_14 : f32 to vector<2000x1xf32>
    %div3A_16 = arith.divf %broadcast_in_dim3A, %div3A_15 : vector<2000x1xf32>
    %sub3A = vector.broadcast %div3A_16 : vector<2000x1xf32> to vector<2000x128xf32>
    %sub3A_17 = arith.subf %add3A_12, %sub3A : vector<2000x128xf32>
    %mul3A = arith.mulf %sub3A_17, %sub3A_17 : vector<2000x128xf32>
    %reduce_sum3A_18 = arith.constant dense<0.000000e+00> : vector<2000xf32>
    %reduce_sum3A_19 = vector.multi_reduction <add>, %mul3A, %reduce_sum3A_18 [1] : vector<2000x128xf32> to vector<2000xf32>
    %broadcast_in_dim3A_20 = vector.shape_cast %reduce_sum3A_19 : vector<2000xf32> to vector<2000x1xf32>
    %div3A_21 = arith.constant 1.280000e+02 : f32
    %div3A_22 = vector.broadcast %div3A_21 : f32 to vector<2000x1xf32>
    %div3A_23 = arith.divf %broadcast_in_dim3A_20, %div3A_22 : vector<2000x1xf32>
    %add3A_24 = arith.constant 9.99999974E-6 : f32
    %add3A_25 = vector.broadcast %add3A_24 : f32 to vector<2000x1xf32>
    %add3A_26 = arith.addf %div3A_23, %add3A_25 : vector<2000x1xf32>
    %rsqrt3A = math.rsqrt %add3A_26 : vector<2000x1xf32>
    %mul3A_27 = vector.broadcast %rsqrt3A : vector<2000x1xf32> to vector<2000x128xf32>
    %mul3A_28 = arith.mulf %sub3A_17, %mul3A_27 : vector<2000x128xf32>
    %get3A_29 = arith.constant 0 : index
    %get3A_30 = arith.constant 0 : index
    %get3A_31 = vector.load %arg5[%get3A_29, %get3A_30] : memref<1x128xf32, #tpu.memory_space<vmem>>, vector<1x128xf32>
    %mul3A_32 = vector.broadcast %get3A_31 : vector<1x128xf32> to vector<2000x128xf32>
    %mul3A_33 = arith.mulf %mul3A_28, %mul3A_32 : vector<2000x128xf32>
    %get3A_34 = arith.constant 0 : index
    %get3A_35 = arith.constant 0 : index
    %get3A_36 = vector.load %arg6[%get3A_34, %get3A_35] : memref<1x128xf32, #tpu.memory_space<vmem>>, vector<1x128xf32>
    %add3A_37 = vector.broadcast %get3A_36 : vector<1x128xf32> to vector<2000x128xf32>
    %add3A_38 = arith.addf %mul3A_33, %add3A_37 : vector<2000x128xf32>
    %get3A_39 = arith.constant 0 : index
    %get3A_40 = arith.constant 0 : index
    %get3A_41 = vector.load %arg7[%get3A_39, %get3A_40] : memref<128x256xf32, #tpu.memory_space<vmem>>, vector<128x256xf32>
    %dot_general3A = arith.constant dense<0.000000e+00> : vector<2000x256xf32>
    %dot_general3A_42 = tpu.matmul %add3A_38, %get3A_41, %dot_general3A {dimension_numbers = #tpu.dot_dimension_numbers<[1], [0], [0], [1], [0, 0, 1, 1], [], []>, transpose_lhs_hint = false} : vector<2000x128xf32>, vector<128x256xf32>, vector<2000x256xf32> -> vector<2000x256xf32>
    %get3A_43 = arith.constant 0 : index
    %get3A_44 = arith.constant 0 : index
    %get3A_45 = vector.load %arg8[%get3A_43, %get3A_44] : memref<1x256xf32, #tpu.memory_space<vmem>>, vector<1x256xf32>
    %add3A_46 = vector.broadcast %get3A_45 : vector<1x256xf32> to vector<2000x256xf32>
    %add3A_47 = arith.addf %dot_general3A_42, %add3A_46 : vector<2000x256xf32>
    %mul3A_48 = arith.constant 5.000000e-01 : f32
    %mul3A_49 = vector.broadcast %mul3A_48 : f32 to vector<2000x256xf32>
    %mul3A_50 = arith.mulf %mul3A_49, %add3A_47 : vector<2000x256xf32>
    %mul3A_51 = arith.constant 0.707106769 : f32
    %mul3A_52 = vector.broadcast %mul3A_51 : f32 to vector<2000x256xf32>
    %mul3A_53 = arith.mulf %add3A_47, %mul3A_52 : vector<2000x256xf32>
    %erf3A = math.erf %mul3A_53 : vector<2000x256xf32>
    %add3A_54 = arith.constant 1.000000e+00 : f32
    %add3A_55 = vector.broadcast %add3A_54 : f32 to vector<2000x256xf32>
    %add3A_56 = arith.addf %add3A_55, %erf3A : vector<2000x256xf32>
    %mul3A_57 = arith.mulf %mul3A_50, %add3A_56 : vector<2000x256xf32>
    %get3A_58 = arith.constant 0 : index
    %get3A_59 = arith.constant 0 : index
    %get3A_60 = vector.load %arg9[%get3A_58, %get3A_59] : memref<256x128xf32, #tpu.memory_space<vmem>>, vector<256x128xf32>
    %dot_general3A_61 = arith.constant dense<0.000000e+00> : vector<2000x128xf32>
    %dot_general3A_62 = tpu.matmul %mul3A_57, %get3A_60, %dot_general3A_61 {dimension_numbers = #tpu.dot_dimension_numbers<[1], [0], [0], [1], [0, 0, 1, 1], [], []>, transpose_lhs_hint = false} : vector<2000x256xf32>, vector<256x128xf32>, vector<2000x128xf32> -> vector<2000x128xf32>
    %add3A_63 = arith.addf %add3A_12, %dot_general3A_62 : vector<2000x128xf32>
    %get3A_64 = arith.constant 0 : index
    %get3A_65 = arith.constant 0 : index
    %get3A_66 = vector.load %arg10[%get3A_64, %get3A_65] : memref<1x128xf32, #tpu.memory_space<vmem>>, vector<1x128xf32>
    %add3A_67 = vector.broadcast %get3A_66 : vector<1x128xf32> to vector<2000x128xf32>
    %add3A_68 = arith.addf %add3A_63, %add3A_67 : vector<2000x128xf32>
    %swap3A = arith.constant 0 : index
    %swap3A_69 = arith.constant 0 : index
    %swap3A_70 = vector.load %arg11[%swap3A, %swap3A_69] : memref<2000x128xf32, #tpu.memory_space<vmem>>, vector<2000x128xf32>
    tpu.vector_store %arg11[%swap3A, %swap3A_69], %add3A_68 {strides = array<i32>} : memref<2000x128xf32, #tpu.memory_space<vmem>>, vector<2000x128xf32>,
    return
  }
  func.func @transform_0(%arg0: i32) -> (i32, i32) {
    %c0_i32 = arith.constant 0 : i32
    %c0_i32_0 = arith.constant 0 : i32
    return %arg0, %c0_i32 : i32, i32
  }
  func.func @transform_1(%arg0: i32) -> (i32, i32) {
    %c0_i32 = arith.constant 0 : i32
    %c0_i32_0 = arith.constant 0 : i32
    return %arg0, %c0_i32 : i32, i32
  }
  func.func @transform_2(%arg0: i32) -> (i32, i32) {
    %c0_i32 = arith.constant 0 : i32
    %c0_i32_0 = arith.constant 0 : i32
    return %arg0, %c0_i32 : i32, i32
  }
  func.func @transform_3(%arg0: i32) -> (i32, i32) {
    %c0_i32 = arith.constant 0 : i32
    %c0_i32_0 = arith.constant 0 : i32
    return %arg0, %c0_i32 : i32, i32
  }
  func.func @transform_4(%arg0: i32) -> (i32, i32) {
    %c0_i32 = arith.constant 0 : i32
    %c0_i32_0 = arith.constant 0 : i32
    %c0_i32_1 = arith.constant 0 : i32
    return %c0_i32, %c0_i32_0 : i32, i32
  }
  func.func @transform_5(%arg0: i32) -> (i32, i32) {
    %c0_i32 = arith.constant 0 : i32
    %c0_i32_0 = arith.constant 0 : i32
    %c0_i32_1 = arith.constant 0 : i32
    return %c0_i32, %c0_i32_0 : i32, i32
  }
  func.func @transform_6(%arg0: i32) -> (i32, i32) {
    %c0_i32 = arith.constant 0 : i32
    %c0_i32_0 = arith.constant 0 : i32
    %c0_i32_1 = arith.constant 0 : i32
    return %c0_i32, %c0_i32_0 : i32, i32
  }
  func.func @transform_7(%arg0: i32) -> (i32, i32) {
    %c0_i32 = arith.constant 0 : i32
    %c0_i32_0 = arith.constant 0 : i32
    %c0_i32_1 = arith.constant 0 : i32
    return %c0_i32, %c0_i32_0 : i32, i32
  }
  func.func @transform_8(%arg0: i32) -> (i32, i32) {
    %c0_i32 = arith.constant 0 : i32
    %c0_i32_0 = arith.constant 0 : i32
    %c0_i32_1 = arith.constant 0 : i32
    return %c0_i32, %c0_i32_0 : i32, i32
  }
  func.func @transform_9(%arg0: i32) -> (i32, i32) {
    %c0_i32 = arith.constant 0 : i32
    %c0_i32_0 = arith.constant 0 : i32
    %c0_i32_1 = arith.constant 0 : i32
    return %c0_i32, %c0_i32_0 : i32, i32
  }
  func.func @transform_10(%arg0: i32) -> (i32, i32) {
    %c0_i32 = arith.constant 0 : i32
    %c0_i32_0 = arith.constant 0 : i32
    return %arg0, %c0_i32 : i32, i32
  }
}

</mosaic_0001>

<sc_bundles>
// kernel: kernel.4.cloned.1.call-start
scs
__scs_entry_jumppad:
0x0: {  	(pc) =	sbr.rel $0x88, $3  }
0x1: {  	(tag) =	ssettag $0x0;
	lr =	simm.s32 $0x1  }
0x2: {  	[smem:$0x3F96] =	sst lr;
	_ =	strace $0xD0000000  }
0x3: {  	_ = 	snop  }
0x4: {  	_ = 	snop  }
0x5: {  	_ = 	snop  }
0x6: {  	_ = 	snop  }
0x7: {  	_ = 	snop  }
__scs_overlays_trampoline_lowered:
0x8: {  	[smem:$0x3FA5] =	sst s0  }
0x9: {  	[smem:$0x3FA6] =	sst s1  }
0xa: {  	[smem:$0x3FA7] =	sst s2  }
0xb: {  	[smem:$0x3FA8] =	sst s3  }
0xc: {  	[smem:$0x3FA9] =	sst s4  }
0xd: {  	[smem:$0x3FAA] =	sst s5  }
0xe: {  	[smem:$0x3FAB] =	sst s6  }
0xf: {  	[smem:$0x3FAC] =	sst s7  }
0x10: {  	[smem:$0x3FAD] =	sst s8  }
0x11: {  	[smem:$0x3FAE] =	sst s9;
	s0 =	simm.s32 @!p0 $0x0  }
0x12: {  	s1 =	sld [smem:$0x3F94];
	s0 =	simm.s32 @p0 $0x1  }
0x13: {  	[smem:$0x3FAF] =	sst s0;
	s0 =	simm.s32 @!p1 $0x0  }
0x14: {  	s2 =	sld [smem:$0x3F93];
	s0 =	simm.s32 @p1 $0x1  }
0x15: {  	[smem:$0x3FB0] =	sst s0;
	s0 =	simm.s32 @!p2 $0x0  }
0x16: {  	s3 =	sld [smem:$0x3FDB];
	s0 =	simm.s32 @p2 $0x1  }
0x17: {  	s4 =	simm.s32 $0x1BF5;
	[smem:$0x3FB2] =	sst s0  }
0x18: {  	s0 =	sld [smem:$0x3F95];
	_ =	swait.ge [sflag:s4], $0x0  }
0x19: {  	s7 =	sld [smem:$0x3F96]  }
0x1a: {  	s8 =	sadd.s32 $0xFFFFE003, lr  }
0x1b: {  	s9 =	sadd.s32 $0xFFFFFEF7, lr;
	s5 =	simm.s32 $0xFFFFFFFF;
	p2 =	slt.u32 s8, $0xFFFFF086  }
0x1c: {  	p1 =	slt.u32 s9, $0xF7A;
	s5 =	simm.s32 @!p2 $0x0  }
0x1d: {  	s5 =	simm.s32 @p1 $0x1;
	p0 =	seq.s32 s7, s2  }
0x1e: {  	s7 =	smul.u32 @!p0 $0xF7A, s2;
	p2 =	seq.s32 @!p0 s5, $0x0  }
0x1f: {  	s9 =	smul.u32 $0xF7A, s1;
	s8 =	simm.s32 @!p0 $0x1BF5;
	p2 =	por !p2, p0  }
0x20: {  	[sflag:s8] =	ssyncset.s32 @!p0 $0xFFFFF086;
	s6 =	sadd.s32 @!p0 s3, s7;
	s7 =	simm.s32 @!p0 $0x108  }
0x21: {  	s3 =	sadd.s32 s3, s9;
	s6 =	sadd.s32 @!p0 $0x88, s6;
	s7 =	simm.s32 @p2 $0x1082  }
0x22: {  	[simem:s7], [sflag:s8] =	dma.local @!p0 [hbm:s6], $0xF7A  }
0x23: {  	s9 =	sor.u32 $0xD0000000, s2;
	s6 =	simm.s32 $0x108;
	_ =	swait.ge @!p0 [sflag:s8], $0x0  }
0x24: {  	s3 =	sadd.s32 $0x88, s3;
	s6 =	simm.s32 @!p1 $0x1082;
	[sflag:s4] =	ssyncset.s32 $0xFFFFF086  }
0x25: {  	[simem:s6], [sflag:s4] =	dma.local [hbm:s3], $0xF7A  }
0x26: {  	[smem:$0x3F96] =	sst s1;
	(tag) =	ssettag s2;
	_ =	strace s9  }
0x27: {  	s1 =	sld [smem:$0x3FA6]  }
0x28: {  	s2 =	sld [smem:$0x3FA7]  }
0x29: {  	s4 =	sld [smem:$0x3FA9]  }
0x2a: {  	p0 =	seq.s32 s5, $0x0;
	s5 =	sld [smem:$0x3FAA]  }
0x2b: {  	s6 =	sld [smem:$0x3FAB]  }
0x2c: {  	s7 =	sld [smem:$0x3FAC]  }
0x2d: {  	s3 =	simm.s32 $0x108;
	s8 =	sld [smem:$0x3FAD]  }
0x2e: {  	s3 =	simm.s32 @!p0 $0x1082;
	s9 =	sld [smem:$0x3FAE]  }
0x2f: {  	lr =	sadd.s32 s0, s3;
	s0 =	sld [smem:$0x3FA5]  }
0x30: {  	s3 =	sld [smem:$0x3FA8]  }
0x31: {  	[smem:$0x3FB1] =	sst s10  }
0x32: {  	s10 =	sld [smem:$0x3FAF];
	_ =	sdelay $0x3  }
0x33: {  	p0 =	seq.s32 s10, $0x1;
	s10 =	sld [smem:$0x3FB1];
	_ =	sdelay $0x3  }
0x34: {  	[smem:$0x3FB1] =	sst s10  }
0x35: {  	s10 =	sld [smem:$0x3FB0];
	_ =	sdelay $0x3  }
0x36: {  	p1 =	seq.s32 s10, $0x1;
	s10 =	sld [smem:$0x3FB1];
	_ =	sdelay $0x3  }
0x37: {  	[smem:$0x3FB1] =	sst s10  }
0x38: {  	s10 =	sld [smem:$0x3FB2]  }
0x39: {  	_ = 	snop;
	(pc) =	sbr.ind lr, $3  }
0x3a: {  	_ = 	snop  }
0x3b: {  	_ = 	snop  }
0x3c: {  	p2 =	seq.s32 s10, $0x1;
	s10 =	sld [smem:$0x3FB1]  }
0x3d: {  	_ =	shalt  }
0x3e: {  	_ =	shalt  }
0x3f: {  	_ =	shalt  }
0x40: {  	_ =	shalt  }
0x41: {  	_ =	shalt  }
0x42: {  	_ =	shalt  }
0x43: {  	_ =	shalt  }
0x44: {  	_ =	shalt  }
0x45: {  	_ =	shalt  }
0x46: {  	_ =	shalt  }
0x47: {  	_ =	shalt  }
0x48: {  	_ =	shalt  }
0x49: {  	_ =	shalt  }
0x4a: {  	_ =	shalt  }
0x4b: {  	_ =	shalt  }
0x4c: {  	_ =	shalt  }
0x4d: {  	_ =	shalt  }
0x4e: {  	_ =	shalt  }
0x4f: {  	_ =	shalt  }
0x50: {  	_ =	shalt  }
0x51: {  	_ =	shalt  }
0x52: {  	_ =	shalt  }
0x53: {  	_ =	shalt  }
0x54: {  	_ =	shalt  }
0x55: {  	_ =	shalt  }
0x56: {  	_ =	shalt  }
0x57: {  	_ =	shalt  }
0x58: {  	_ =	shalt  }
0x59: {  	_ =	shalt  }
0x5a: {  	_ =	shalt  }
0x5b: {  	_ =	shalt  }
0x5c: {  	_ =	shalt  }
0x5d: {  	_ =	shalt  }
0x5e: {  	_ =	shalt  }
0x5f: {  	_ =	shalt  }
0x60: {  	_ =	shalt  }
0x61: {  	_ =	shalt  }
0x62: {  	_ =	shalt  }
0x63: {  	_ =	shalt  }
0x64: {  	_ =	shalt  }
0x65: {  	_ =	shalt  }
0x66: {  	_ =	shalt  }
0x67: {  	_ =	shalt  }
0x68: {  	_ =	shalt  }
0x69: {  	_ =	shalt  }
0x6a: {  	_ =	shalt  }
0x6b: {  	_ =	shalt  }
0x6c: {  	_ =	shalt  }
0x6d: {  	_ =	shalt  }
0x6e: {  	_ =	shalt  }
0x6f: {  	_ =	shalt  }
0x70: {  	_ =	shalt  }
0x71: {  	_ =	shalt  }
0x72: {  	_ =	shalt  }
0x73: {  	_ =	shalt  }
0x74: {  	_ =	shalt  }
0x75: {  	_ =	shalt  }
0x76: {  	_ =	shalt  }
0x77: {  	_ =	shalt  }
0x78: {  	_ =	shalt  }
0x79: {  	_ =	shalt  }
0x7a: {  	_ =	shalt  }
0x7b: {  	_ =	shalt  }
0x7c: {  	_ =	shalt  }
0x7d: {  	_ =	shalt  }
0x7e: {  	_ =	shalt  }
0x7f: {  	_ =	shalt  }
0x80: {  	_ =	shalt  }
0x81: {  	_ =	shalt  }
0x82: {  	_ =	shalt  }
0x83: {  	_ =	shalt  }
0x84: {  	_ =	shalt  }
0x85: {  	_ =	shalt  }
0x86: {  	_ =	shalt  }
0x87: {  	_ =	shalt  }
.Lfunc_end0:
.L_simem_size_0:
called_computation_lowered:
.L_overlay_start_0:
0x88: {  	s2 =	sld [smem:$0x3FD9]  }
0x89: {  	s3 =	sld [smem:$0x3FFE];
	_ =	sdelay $0x1  }
0x8a: {  	s1 =	srdreg.scid  }
0x8b: {  	s0 =	sand.u32 $0x1, s1  }
0x8c: {  	s17 =	sshll.u32 s0, $0xA;
	s2 =	sadd.s32 s3, s2  }
0x8d: {  	s2 =	sadd.s32 s2, s17  }
0x8e: {  	[smem:$0x3FBD] =	sst s2  }
0x8f: {  	_ = 	snop  }
0x90: {  	s2 =	sld [smem:$0x3FC9]  }
0x91: {  	s18 =	sld [smem:$0x3FD0];
	(tm) =	ssettm $0x1  }
0x92: {  	s4 =	sld [smem:$0x3FFB];
	_ =	sdelay $0x3  }
0x93: {  	_ =	strace s4  }
0x94: {  	s4 =	sld [smem:$0x3FFC];
	_ =	sdelay $0x3  }
0x95: {  	_ =	strace s4  }
0x96: {  	s4 =	sld [smem:$0x3FFD];
	_ =	sdelay $0x3  }
0x97: {  	_ =	strace s4  }
0x98: {  	_ =	strace $0x8FFFFFFF  }
0x99: {  	s19 =	sld [smem:$0x3FDB];
	_ =	sdelay $0x1  }
0x9a: {  	s5 =	simm.s32 $_scs_section_size  }
0x9b: {  	s6 =	simm.s32 $_size__tile_overlayer_lowered;
	s7 =	simm.s32 $_tile_overlayer_lowered  }
0x9c: {  	s22 =	simm.s32 $0x1BFF;
	s21 =	sshll.u32 s7, $0x1;
	s4 =	sadd.s32 s5, s19  }
0x9d: {  	s8 =	simm.s32 $0x0;
	s20 =	sshll.u32 s6, $0x1;
	s6 =	sadd.s32 s21, s4  }
0x9e: {  	[timem:s8], [sflag:s22] =	dma.local [hbm:s6], s20  }
0x9f: {  	_ =	swait.ge [sflag:s22], s20  }
0xa0: {  	s5 =	ssub.s32 $0x0, s20;
	[sflag:s22] =	ssyncset.done $0x0  }
0xa1: {  	[sflag:s22] =	ssyncadd.s32 s5;
	_ =	sdelay $0x1  }
0xa2: {  	s23 =	simm.s32 $0x1B8B  }
0xa3: {  	_ =	swait.ge [sflag:s23], $0x1  }
0xa4: {  	[sflag:s23] =	ssyncset.done $0x0  }
0xa5: {  	s25 =	simm.s32 $0x1B8E;
	s24 =	sld [smem:$0x3FFE];
	[sflag:s23] =	ssyncadd.s32 $0xFFFFFFFF  }
0xa6: {  	s26 =	simm.s32 $execute0_lowered;
	[smem:$0x3FD2] =	sst s25  }
0xa7: {  	s6 =	sshll.u32 s26, $0x1;
	_ =	strace $0x80000046;
	[dreg:$0x1] =	wrdreg $0xFFFFFFFF  }
0xa8: {  	s28 =	simm.s32 $_size_execute0_lowered;
	s4 =	sadd.s32 s4, s6;
	[dreg:$0x0] =	wrdreg $0x0  }
0xa9: {  	s6 =	sshll.u32 s28, $0x1;
	[dreg:$0x2] =	wrdreg s4  }
0xaa: {  	[dreg:$0x3] =	wrdreg s6  }
0xab: {  	[dreg:$0x4] =	wrdreg $0xC0  }
0xac: {  	_ =	task [dreg:s8], $0x5FFFF  }
0xad: {  	[dreg:$0x1] =	wrdreg $0xFFFFFFFF  }
0xae: {  	[dreg:$0x0] =	wrdreg $0x60  }
0xaf: {  	[dreg:$0x2] =	wrdreg s2  }
0xb0: {  	[dreg:$0x3] =	wrdreg s24  }
0xb1: {  	[dreg:$0x4] =	wrdreg s18  }
0xb2: {  	[dreg:$0x5] =	wrdreg $0x0  }
0xb3: {  	[dreg:$0x6] =	wrdreg $0x9  }
0xb4: {  	_ =	task.clear_ibuf [dreg:s8], $0x7FFFF;
	_ =	strace $0x90000046  }
0xb5: {  	s29 =	simm.s32 $0x9;
	_ =	strace $0x80000048  }
0xb6: {  	_ =	swait.ge [sflag:s29], $0x1  }
0xb7: {  	[sflag:s29] =	ssyncadd.s32 $0xFFFFFFFF  }
0xb8: {  	_ =	strace $0x90000048  }
0xb9: {  	_ =	sfence  }
0xba: {  	s30 =	sld [smem:$0x0];
	_ =	sdelay $0x2  }
0xbb: {  	s31 =	sshll.u32 s1, $0xD;
	s1 =	sshrl.u32 s1, $0x2  }
0xbc: {  	s3 =	sand.u32 $0x4000, s31;
	s1 =	sadd.s32 s1, s30  }
0xbd: {  	s0 =	sor.u32 s3, s0;
	s1 =	sshll.u32 s1, $0x11  }
0xbe: {  	s0 =	sor.u32 s1, s0  }
0xbf: {  	s0 =	sadd.s32 $0x8F2B, s0  }
0xc0: {  	[sflag:s0] =	ssyncadd.remote.s32 $0x1  }
0xc1: {  	_ =	sfence.sel $0xFFFF  }
0xc2: {  	[dreg:$0x0] =	wrdreg $0xFFFFFFFF;
	(pc) =	sbr.abs _section_cstart, $3  }
0xc3: {  	[dreg:$0x1] =	wrdreg $0xFFFFFFFF  }
0xc4: {  	_ =	task.clear_ibuf [dreg:s8], $0x2FFFF;
	_ =	strace $0x9FFFFFFF  }
0xc5: {  	(tm) =	ssettm $0x7FFFFFFF  }
tec
execute0_lowered:
.L_overlay_start_1:
0x0: {  	(tag) =	ssettag $0x1  }
0x1: {  	s1 =	rddreg [dreg:$0x0]  }
0x2: {  	s0 =	rddreg [dreg:$0x1]  }
0x3: {  	s2 =	rddreg [dreg:$0x2]  }
0x4: {  	s3 =	rddreg [dreg:$0x3]  }
0x5: {  	s5 =	simm.s32 $0x0;
	s4 =	srdreg.scid;
	s14 =	stileid.u32  }
0x6: {  	s28 =	simm.s32 $0x28;
	s31 =	simm.s32 $0x6;
	s29 =	simm.s32 $0x17780  }
0x7: {  	[smem:$0x7FF] =	sst s5;
	s4 =	sand.u32 $0x1, s4;
	s6 =	sadd.s32 $0x1800, s0  }
0x8: {  	s10 =	smul.u32 $0x1F400, s14;
	s7 =	sadd.s32 $0x11800, s0;
	s8 =	sadd.s32 $0xB600, s0  }
0x9: {  	s20 =	sadd.s32 $0x1B600, s0;
	s22 =	smul.u32 $0x7D000, s14;
	p0 =	sgt.u32 s14, $0x9  }
0xa: {  	s30 =	simm.s32 $0x1;
	s9 =	smul.u32 $0x138800, s4;
	_ =	strace $0x80000047  }
0xb: {  	s11 =	sshll.u32 s4, $0x4;
	s4 =	ssub.s32 $0x2, s4;
	[dreg:$0x5] =	wrdreg s20  }
0xc: {  	s18 =	sor.u32 s14, s11;
	s12 =	sshrl.u32 s4, $0x1;
	s9 =	sadd.s32 s10, s9  }
0xd: {  	s4 =	ssub.s32 s4, s12;
	s12 =	sshrl.u32 s22, $0x2;
	s22 =	simm.s32 $0x19F80  }
0xe: {  	s19 =	sshrl.u32 s9, $0x3;
	s9 =	smul.u32 $0x2710, s18;
	s25 =	sadd.s32 s12, s3  }
0xf: {  	s26 =	smax.u32 s4, $0x1;
	s4 =	simm.s32 $0x7;
	[dreg:$0xb] =	wrdreg s25  }
0x10: {  	s12 =	simm.s32 $0x13B00;
	s0 =	sadd.s32 s19, s0;
	[dreg:$0xd] =	wrdreg s26  }
0x11: {  	s25 =	simm.s32 $0x13A80;
	s21 =	sshrl.u32 s9, $0x3;
	s11 =	sadd.s32 $0x28, s9  }
0x12: {  	s18 =	sadd.s32 $0x78, s9;
	s0 =	sadd.s32 $0x1F600, s0;
	s13 =	sadd.s32 s6, s21  }
0x13: {  	s23 =	sadd.s32 s7, s21;
	s24 =	sshrl.u32 s11, $0x3;
	[dreg:$0xc] =	wrdreg s0  }
.Ltmp0:
0x14: {  	s10 =	sadd.s32 s2, s21;
	[dreg:$0x6] =	wrdreg s13;
	(pc) =	sbr.rel .LBB2_1-.Ltmp0, $4  }
0x15: {  	s21 =	simm.s32 $0x8;
	[dreg:$0x7] =	wrdreg s23;
	s15 =	sadd.s32 s6, s24  }
0x16: {  	s13 =	sadd.s32 s7, s24;
	[dreg:$0xa] =	wrdreg s10;
	s23 =	simm.s32 $0x13900  }
0x17: {  	s24 =	simm.s32 $0x13A00;
	s10 =	simm.s32 $0x18B80;
	[dreg:$0x8] =	wrdreg s15  }
0x18: {  	[dreg:$0x9] =	wrdreg s13;
	s13 =	simm.s32 $0x3;
	s15 =	simm.s32 $0x0  }
.LBB2_8:
0x19: {  	s0 =	simm.s32 $0x4  }
0x1a: {  	_ =	swait.ge [sflag:s0], $0x1400  }
0x1b: {  	[sflag:s0] =	ssyncset.done $0x0  }
0x1c: {  	[sflag:s0] =	ssyncadd.s32 $0xFFFFEC00  }
0x1d: {  	[bflag:$0x0] =	sbarrier.arrive $0xFFFF  }
0x1e: {  	s0 =	rddreg [dreg:$0xc]  }
0x1f: {  	s14 =	rddreg [dreg:$0xf]  }
0x20: {  	s15 =	rddreg [dreg:$0x10]  }
0x21: {  	[hbm:s0], [sflag:s14] =	dma.local @!p0 [spmem:s15], $0x3E80  }
0x22: {  	s0 =	simm.s32 @!p0 $0x9  }
0x23: {  	_ =	swait.ge @!p0 [sflag:s0], $0x3E80  }
0x24: {  	s20 =	rddreg [dreg:$0xe]  }
0x25: {  	s26 =	rddreg [dreg:$0xd];
	s15 =	sadd.s32 $0x1, s20  }
0x26: {  	p1 =	sne.s32 s15, s26  }
.Ltmp1:
0x27: {  	_ = 	snop;
	(pc) =	sbr.rel @!p1 .LBB2_9-.Ltmp1, $3  }
0x28: {  	_ =	sdelay $0x1  }
0x29: {  	[sflag:s0] =	ssyncset.done @!p0 $0x0  }
0x2a: {  	[sflag:s0] =	ssyncadd.s32 @!p0 $0xFFFFC180  }
.LBB2_1:
0x2b: {  	[dreg:$0xe] =	wrdreg s15  }
0x2c: {  	s0 =	rddreg [dreg:$0x6]  }
0x2d: {  	s14 =	simm.s32 $0x13880;
	s20 =	rddreg [dreg:$0x7]  }
0x2e: {  	[tilespmem:s14], [sflag:$0x5] =	stream.linear.gather [hbm4b:s0+s5], $0x28, $0x38;
	[tilespmem:$0x1B380] =	vst v63  }
0x2f: {  	s15 =	simm.s32 $0x13980;
	s26 =	rddreg [dreg:$0x8]  }
0x30: {  	[tilespmem:s15], [sflag:$0x5] =	stream.linear.gather [hbm4b:s20+s5], $0x28, $0x38;
	[tilespmem:$0x1B380] =	vst v63  }
0x31: {  	s16 =	rddreg [dreg:$0x9];
	s0 =	stileid.u32  }
0x32: {  	[tilespmem:s23], [sflag:$0x6] =	stream.linear.gather [hbm4b:s26+s5], $0x28, $0x38;
	[tilespmem:$0x1B380] =	vst v63  }
0x33: {  	s17 =	rddreg [dreg:$0xa];
	s0 =	sshll.u32 @!p0 s0, $0x6  }
0x34: {  	[tilespmem:s24], [sflag:$0x6] =	stream.linear.gather [hbm4b:s16+s5], $0x28, $0x38;
	[tilespmem:$0x1B380] =	vst v63  }
0x35: {  	s16 =	sor.u32 @!p0 $0x1C09, s0;
	s0 =	rddreg [dreg:$0xb]  }
0x36: {  	[dreg:$0xf] =	wrdreg s16  }
0x37: {  	[tilespmem:s25], [sflag:$0x7] =	stream.linear.gather [hbm4b:s17+s5], $0x28, $0x38;
	[tilespmem:$0x1B380] =	vst v63  }
0x38: {  	s17 =	sshrl.u32 @!p0 s0, $0x3;
	s0 =	rddreg [dreg:$0x5]  }
0x39: {  	[dreg:$0x10] =	wrdreg s17  }
0x3a: {  	[spmem:s17], [sflag:s16] =	dma.local @!p0 [hbm:s0], $0x3E80  }
0x3b: {  	s0 =	simm.s32 @!p0 $0x9  }
0x3c: {  	_ =	swait.ge @!p0 [sflag:s0], $0x3E80  }
0x3d: {  	[sflag:s0] =	ssyncset.done @!p0 $0x0  }
0x3e: {  	[sflag:s0] =	ssyncadd.s32 @!p0 $0xFFFFC180  }
0x3f: {  	s19 =	simm.s32 $0x5;
	[bflag:$0x0] =	sbarrier.arrive $0xFFFF  }
0x40: {  	_ =	swait.ge [sflag:s19], $0x28  }
0x41: {  	[sflag:s19] =	ssyncset.done $0x0  }
0x42: {  	[sflag:s19] =	ssyncadd.s32 $0xFFFFFFD8  }
0x43: {  	_ =	swait.ge [sflag:s19], $0x28  }
0x44: {  	[sflag:s19] =	ssyncset.done $0x0  }
0x45: {  	s20 =	simm.s32 $0x13B80;
	[sflag:s19] =	ssyncadd.s32 $0xFFFFFFD8  }
0x46: {  	[tilespmem:s20], [sflag:$0x1] =	stream.indirect.gather [hbm4b:s1+s28], $0x80, s14, s28, $0xb8;
	[tilespmem:$0x1B380] =	vst v63  }
0x47: {  	s26 =	simm.s32 $0x16380;
	s19 =	simm.s32 $0x0  }
0x48: {  	[tilespmem:s26], [sflag:$0x1] =	stream.indirect.gather [hbm4b:s8+s28], $0x80, s15, s28, $0xb8;
	[tilespmem:$0x1B380] =	vst v63  }
.LBB2_2:
0x49: {  	_ =	swait.ge [sflag:s31], $0x28  }
0x4a: {  	[sflag:s31] =	ssyncset.done $0x0  }
0x4b: {  	[sflag:s31] =	ssyncadd.s32 $0xFFFFFFD8  }
0x4c: {  	_ =	swait.ge [sflag:s31], $0x28  }
0x4d: {  	[sflag:s31] =	ssyncset.done $0x0  }
0x4e: {  	s0 =	simm.s32 $0x14F80;
	[sflag:s31] =	ssyncadd.s32 $0xFFFFFFD8  }
0x4f: {  	[tilespmem:s0], [sflag:$0x2] =	stream.indirect.gather [hbm4b:s1+s28], $0x80, s23, s28, $0xb8;
	[tilespmem:$0x1B380] =	vst v63  }
0x50: {  	s26 =	sshll.u32 s19, $0x1  }
0x51: {  	[tilespmem:s29], [sflag:$0x2] =	stream.indirect.gather [hbm4b:s8+s28], $0x80, s24, s28, $0xb8;
	[tilespmem:$0x1B380] =	vst v63  }
0x52: {  	p1 =	seq.s32 s19, $0x7C;
	s20 =	sadd.s32 $0x2, s26;
	_ =	swait.ge [sflag:s30], $0x1400  }
0x53: {  	s0 =	smul.u32 @!p1 $0x28, s20;
	[sflag:s30] =	ssyncset.done $0x0  }
0x54: {  	[sflag:s30] =	ssyncadd.s32 $0xFFFFEC00  }
0x55: {  	s0 =	sadd.s32 @!p1 s9, s0;
	_ =	swait.ge [sflag:s30], $0x1400  }
0x56: {  	s15 =	simm.s32 @!p1 $0x0;
	s0 =	sshrl.u32 @!p1 s0, $0x3;
	[sflag:s30] =	ssyncset.done $0x0  }
0x57: {  	s16 =	simm.s32 @!p1 $0x13880;
	s14 =	sadd.s32 @!p1 s6, s0;
	[sflag:s30] =	ssyncadd.s32 $0xFFFFEC00  }
0x58: {  	[tilespmem:s16], [sflag:$0x5] =	stream.linear.gather @!p1 [hbm4b:s14+s15], $0x28, $0x38;
	[tilespmem:$0x1B380] =	vst v63  }
0x59: {  	s0 =	sadd.s32 @!p1 s7, s0;
	s14 =	smul.u32 $0x50, s19;
	s16 =	simm.s32 @!p1 $0x13980  }
0x5a: {  	[tilespmem:s16], [sflag:$0x5] =	stream.linear.gather @!p1 [hbm4b:s0+s15], $0x28, $0x38;
	[tilespmem:$0x1B380] =	vst v63  }
0x5b: {  	s17 =	simm.s32 $0x13D80;
	s26 =	sadd.s32 s14, s11  }
0x5c: {  	s16 =	simm.s32 $0xFFFFFFF8;
	s15 =	simm.s32 $0x16580;
	s0 =	simm.s32 $0x18D80  }
.LBB2_3:
0x5d: {  	v0 =	vld [tilespmem:s17+$0xFFFFFE00]  }
0x5e: {  	v1 =	vld [tilespmem:s15+$0xFFFFFE00];
	_ =	sdelay $0x4  }
0x5f: {  	v0 =	vmul.f32 v1, v0;
	_ =	sdelay $0x1  }
0x60: {  	[tilespmem:s0+$0xFFFFFE00] =	vst v0  }
0x61: {  	v0 =	vld [tilespmem:s17+$0xFFFFFE10]  }
0x62: {  	v61 =	vld [tilespmem:s15+$0xFFFFFE10];
	_ =	sdelay $0x4  }
0x63: {  	v0 =	vmul.f32 v61, v0;
	_ =	sdelay $0x1  }
0x64: {  	[tilespmem:s0+$0xFFFFFE10] =	vst v0  }
0x65: {  	v0 =	vld [tilespmem:s17+$0xFFFFFE20]  }
0x66: {  	v62 =	vld [tilespmem:s15+$0xFFFFFE20];
	_ =	sdelay $0x4  }
0x67: {  	v0 =	vmul.f32 v62, v0;
	_ =	sdelay $0x1  }
0x68: {  	[tilespmem:s0+$0xFFFFFE20] =	vst v0  }
0x69: {  	v0 =	vld [tilespmem:s17+$0xFFFFFE30]  }
0x6a: {  	v63 =	vld [tilespmem:s15+$0xFFFFFE30];
	_ =	sdelay $0x4  }
0x6b: {  	v0 =	vmul.f32 v63, v0;
	_ =	sdelay $0x1  }
0x6c: {  	[tilespmem:s0+$0xFFFFFE30] =	vst v0  }
0x6d: {  	v0 =	vld [tilespmem:s17+$0xFFFFFE40]  }
0x6e: {  	v4 =	vld [tilespmem:s15+$0xFFFFFE40];
	_ =	sdelay $0x4  }
0x6f: {  	v0 =	vmul.f32 v4, v0;
	_ =	sdelay $0x1  }
0x70: {  	[tilespmem:s0+$0xFFFFFE40] =	vst v0  }
0x71: {  	v0 =	vld [tilespmem:s17+$0xFFFFFE50]  }
0x72: {  	v5 =	vld [tilespmem:s15+$0xFFFFFE50];
	_ =	sdelay $0x4  }
0x73: {  	v0 =	vmul.f32 v5, v0;
	_ =	sdelay $0x1  }
0x74: {  	[tilespmem:s0+$0xFFFFFE50] =	vst v0  }
0x75: {  	v0 =	vld [tilespmem:s17+$0xFFFFFE60]  }
0x76: {  	v6 =	vld [tilespmem:s15+$0xFFFFFE60];
	_ =	sdelay $0x4  }
0x77: {  	v0 =	vmul.f32 v6, v0;
	_ =	sdelay $0x1  }
0x78: {  	[tilespmem:s0+$0xFFFFFE60] =	vst v0  }
0x79: {  	v0 =	vld [tilespmem:s17+$0xFFFFFE70]  }
0x7a: {  	v7 =	vld [tilespmem:s15+$0xFFFFFE70];
	_ =	sdelay $0x4  }
0x7b: {  	v0 =	vmul.f32 v7, v0;
	_ =	sdelay $0x1  }
0x7c: {  	[tilespmem:s0+$0xFFFFFE70] =	vst v0  }
0x7d: {  	v0 =	vld [tilespmem:s17+$0xFFFFFE80]  }
0x7e: {  	v8 =	vld [tilespmem:s15+$0xFFFFFE80];
	_ =	sdelay $0x4  }
0x7f: {  	v0 =	vmul.f32 v8, v0;
	_ =	sdelay $0x1  }
0x80: {  	[tilespmem:s0+$0xFFFFFE80] =	vst v0  }
0x81: {  	v0 =	vld [tilespmem:s17+$0xFFFFFE90]  }
0x82: {  	v9 =	vld [tilespmem:s15+$0xFFFFFE90];
	_ =	sdelay $0x4  }
0x83: {  	v0 =	vmul.f32 v9, v0;
	_ =	sdelay $0x1  }
0x84: {  	[tilespmem:s0+$0xFFFFFE90] =	vst v0  }
0x85: {  	v0 =	vld [tilespmem:s17+$0xFFFFFEA0]  }
0x86: {  	v10 =	vld [tilespmem:s15+$0xFFFFFEA0];
	_ =	sdelay $0x4  }
0x87: {  	v0 =	vmul.f32 v10, v0;
	_ =	sdelay $0x1  }
0x88: {  	[tilespmem:s0+$0xFFFFFEA0] =	vst v0  }
0x89: {  	v0 =	vld [tilespmem:s17+$0xFFFFFEB0]  }
0x8a: {  	v11 =	vld [tilespmem:s15+$0xFFFFFEB0];
	_ =	sdelay $0x4  }
0x8b: {  	v0 =	vmul.f32 v11, v0;
	_ =	sdelay $0x1  }
0x8c: {  	[tilespmem:s0+$0xFFFFFEB0] =	vst v0  }
0x8d: {  	v0 =	vld [tilespmem:s17+$0xFFFFFEC0]  }
0x8e: {  	v12 =	vld [tilespmem:s15+$0xFFFFFEC0];
	_ =	sdelay $0x4  }
0x8f: {  	v0 =	vmul.f32 v12, v0;
	_ =	sdelay $0x1  }
0x90: {  	[tilespmem:s0+$0xFFFFFEC0] =	vst v0  }
0x91: {  	v0 =	vld [tilespmem:s17+$0xFFFFFED0]  }
0x92: {  	v13 =	vld [tilespmem:s15+$0xFFFFFED0];
	_ =	sdelay $0x4  }
0x93: {  	v0 =	vmul.f32 v13, v0;
	_ =	sdelay $0x1  }
0x94: {  	[tilespmem:s0+$0xFFFFFED0] =	vst v0  }
0x95: {  	v0 =	vld [tilespmem:s17+$0xFFFFFEE0]  }
0x96: {  	v14 =	vld [tilespmem:s15+$0xFFFFFEE0];
	_ =	sdelay $0x4  }
0x97: {  	v0 =	vmul.f32 v14, v0;
	_ =	sdelay $0x1  }
0x98: {  	[tilespmem:s0+$0xFFFFFEE0] =	vst v0  }
0x99: {  	v0 =	vld [tilespmem:s17+$0xFFFFFEF0]  }
0x9a: {  	v15 =	vld [tilespmem:s15+$0xFFFFFEF0];
	_ =	sdelay $0x4  }
0x9b: {  	v0 =	vmul.f32 v15, v0;
	_ =	sdelay $0x1  }
0x9c: {  	[tilespmem:s0+$0xFFFFFEF0] =	vst v0  }
0x9d: {  	v0 =	vld [tilespmem:s17+$0xFFFFFF00]  }
0x9e: {  	v16 =	vld [tilespmem:s15+$0xFFFFFF00];
	_ =	sdelay $0x4  }
0x9f: {  	v0 =	vmul.f32 v16, v0;
	_ =	sdelay $0x1  }
0xa0: {  	[tilespmem:s0+$0xFFFFFF00] =	vst v0  }
0xa1: {  	v0 =	vld [tilespmem:s17+$0xFFFFFF10]  }
0xa2: {  	v17 =	vld [tilespmem:s15+$0xFFFFFF10];
	_ =	sdelay $0x4  }
0xa3: {  	v0 =	vmul.f32 v17, v0;
	_ =	sdelay $0x1  }
0xa4: {  	[tilespmem:s0+$0xFFFFFF10] =	vst v0  }
0xa5: {  	v0 =	vld [tilespmem:s17+$0xFFFFFF20]  }
0xa6: {  	v18 =	vld [tilespmem:s15+$0xFFFFFF20];
	_ =	sdelay $0x4  }
0xa7: {  	v0 =	vmul.f32 v18, v0;
	_ =	sdelay $0x1  }
0xa8: {  	[tilespmem:s0+$0xFFFFFF20] =	vst v0  }
0xa9: {  	v0 =	vld [tilespmem:s17+$0xFFFFFF30]  }
0xaa: {  	v19 =	vld [tilespmem:s15+$0xFFFFFF30];
	_ =	sdelay $0x4  }
0xab: {  	v0 =	vmul.f32 v19, v0;
	_ =	sdelay $0x1  }
0xac: {  	[tilespmem:s0+$0xFFFFFF30] =	vst v0  }
0xad: {  	v0 =	vld [tilespmem:s17+$0xFFFFFF40]  }
0xae: {  	v20 =	vld [tilespmem:s15+$0xFFFFFF40];
	_ =	sdelay $0x4  }
0xaf: {  	v0 =	vmul.f32 v20, v0;
	_ =	sdelay $0x1  }
0xb0: {  	[tilespmem:s0+$0xFFFFFF40] =	vst v0  }
0xb1: {  	v0 =	vld [tilespmem:s17+$0xFFFFFF50]  }
0xb2: {  	v21 =	vld [tilespmem:s15+$0xFFFFFF50];
	_ =	sdelay $0x4  }
0xb3: {  	v0 =	vmul.f32 v21, v0;
	_ =	sdelay $0x1  }
0xb4: {  	[tilespmem:s0+$0xFFFFFF50] =	vst v0  }
0xb5: {  	v0 =	vld [tilespmem:s17+$0xFFFFFF60]  }
0xb6: {  	v22 =	vld [tilespmem:s15+$0xFFFFFF60];
	_ =	sdelay $0x4  }
0xb7: {  	v0 =	vmul.f32 v22, v0;
	_ =	sdelay $0x1  }
0xb8: {  	[tilespmem:s0+$0xFFFFFF60] =	vst v0  }
0xb9: {  	v0 =	vld [tilespmem:s17+$0xFFFFFF70]  }
0xba: {  	v23 =	vld [tilespmem:s15+$0xFFFFFF70];
	_ =	sdelay $0x4  }
0xbb: {  	v0 =	vmul.f32 v23, v0;
	_ =	sdelay $0x1  }
0xbc: {  	[tilespmem:s0+$0xFFFFFF70] =	vst v0  }
0xbd: {  	v0 =	vld [tilespmem:s17+$0xFFFFFF80]  }
0xbe: {  	v24 =	vld [tilespmem:s15+$0xFFFFFF80];
	_ =	sdelay $0x4  }
0xbf: {  	v0 =	vmul.f32 v24, v0;
	_ =	sdelay $0x1  }
0xc0: {  	[tilespmem:s0+$0xFFFFFF80] =	vst v0  }
0xc1: {  	v0 =	vld [tilespmem:s17+$0xFFFFFF90]  }
0xc2: {  	v25 =	vld [tilespmem:s15+$0xFFFFFF90];
	_ =	sdelay $0x4  }
0xc3: {  	v0 =	vmul.f32 v25, v0;
	_ =	sdelay $0x1  }
0xc4: {  	[tilespmem:s0+$0xFFFFFF90] =	vst v0  }
0xc5: {  	v0 =	vld [tilespmem:s17+$0xFFFFFFA0]  }
0xc6: {  	v26 =	vld [tilespmem:s15+$0xFFFFFFA0];
	_ =	sdelay $0x4  }
0xc7: {  	v0 =	vmul.f32 v26, v0;
	_ =	sdelay $0x1  }
0xc8: {  	[tilespmem:s0+$0xFFFFFFA0] =	vst v0  }
0xc9: {  	v0 =	vld [tilespmem:s17+$0xFFFFFFB0]  }
0xca: {  	v27 =	vld [tilespmem:s15+$0xFFFFFFB0];
	_ =	sdelay $0x4  }
0xcb: {  	v0 =	vmul.f32 v27, v0;
	_ =	sdelay $0x1  }
0xcc: {  	[tilespmem:s0+$0xFFFFFFB0] =	vst v0  }
0xcd: {  	v0 =	vld [tilespmem:s17+$0xFFFFFFC0]  }
0xce: {  	v28 =	vld [tilespmem:s15+$0xFFFFFFC0];
	_ =	sdelay $0x4  }
0xcf: {  	v0 =	vmul.f32 v28, v0;
	_ =	sdelay $0x1  }
0xd0: {  	[tilespmem:s0+$0xFFFFFFC0] =	vst v0  }
0xd1: {  	v0 =	vld [tilespmem:s17+$0xFFFFFFD0]  }
0xd2: {  	v29 =	vld [tilespmem:s15+$0xFFFFFFD0];
	_ =	sdelay $0x4  }
0xd3: {  	v0 =	vmul.f32 v29, v0;
	_ =	sdelay $0x1  }
0xd4: {  	[tilespmem:s0+$0xFFFFFFD0] =	vst v0  }
0xd5: {  	v0 =	vld [tilespmem:s17+$0xFFFFFFE0]  }
0xd6: {  	v30 =	vld [tilespmem:s15+$0xFFFFFFE0];
	_ =	sdelay $0x4  }
0xd7: {  	v0 =	vmul.f32 v30, v0;
	_ =	sdelay $0x1  }
0xd8: {  	[tilespmem:s0+$0xFFFFFFE0] =	vst v0  }
0xd9: {  	v0 =	vld [tilespmem:s17+$0xFFFFFFF0]  }
0xda: {  	v31 =	vld [tilespmem:s15+$0xFFFFFFF0];
	_ =	sdelay $0x4  }
0xdb: {  	v0 =	vmul.f32 v31, v0;
	_ =	sdelay $0x1  }
0xdc: {  	[tilespmem:s0+$0xFFFFFFF0] =	vst v0  }
0xdd: {  	v0 =	vld [tilespmem:s17+$0x0]  }
0xde: {  	v32 =	vld [tilespmem:s15+$0x0];
	_ =	sdelay $0x4  }
0xdf: {  	v0 =	vmul.f32 v32, v0;
	_ =	sdelay $0x1  }
0xe0: {  	[tilespmem:s0+$0x0] =	vst v0  }
0xe1: {  	v0 =	vld [tilespmem:s17+$0x10]  }
0xe2: {  	v33 =	vld [tilespmem:s15+$0x10];
	_ =	sdelay $0x4  }
0xe3: {  	v0 =	vmul.f32 v33, v0;
	_ =	sdelay $0x1  }
0xe4: {  	[tilespmem:s0+$0x10] =	vst v0  }
0xe5: {  	v0 =	vld [tilespmem:s17+$0x20]  }
0xe6: {  	v34 =	vld [tilespmem:s15+$0x20];
	_ =	sdelay $0x4  }
0xe7: {  	v0 =	vmul.f32 v34, v0;
	_ =	sdelay $0x1  }
0xe8: {  	[tilespmem:s0+$0x20] =	vst v0  }
0xe9: {  	v0 =	vld [tilespmem:s17+$0x30]  }
0xea: {  	v35 =	vld [tilespmem:s15+$0x30];
	_ =	sdelay $0x4  }
0xeb: {  	v0 =	vmul.f32 v35, v0;
	_ =	sdelay $0x1  }
0xec: {  	[tilespmem:s0+$0x30] =	vst v0  }
0xed: {  	v0 =	vld [tilespmem:s17+$0x40]  }
0xee: {  	v36 =	vld [tilespmem:s15+$0x40];
	_ =	sdelay $0x4  }
0xef: {  	v0 =	vmul.f32 v36, v0;
	_ =	sdelay $0x1  }
0xf0: {  	[tilespmem:s0+$0x40] =	vst v0  }
0xf1: {  	v0 =	vld [tilespmem:s17+$0x50]  }
0xf2: {  	v37 =	vld [tilespmem:s15+$0x50];
	_ =	sdelay $0x4  }
0xf3: {  	v0 =	vmul.f32 v37, v0;
	_ =	sdelay $0x1  }
0xf4: {  	[tilespmem:s0+$0x50] =	vst v0  }
0xf5: {  	v0 =	vld [tilespmem:s17+$0x60]  }
0xf6: {  	v38 =	vld [tilespmem:s15+$0x60];
	_ =	sdelay $0x4  }
0xf7: {  	v0 =	vmul.f32 v38, v0;
	_ =	sdelay $0x1  }
0xf8: {  	[tilespmem:s0+$0x60] =	vst v0  }
0xf9: {  	v0 =	vld [tilespmem:s17+$0x70]  }
0xfa: {  	v39 =	vld [tilespmem:s15+$0x70];
	_ =	sdelay $0x4  }
0xfb: {  	v0 =	vmul.f32 v39, v0;
	_ =	sdelay $0x1  }
0xfc: {  	[tilespmem:s0+$0x70] =	vst v0  }
0xfd: {  	v0 =	vld [tilespmem:s17+$0x80]  }
0xfe: {  	v40 =	vld [tilespmem:s15+$0x80];
	_ =	sdelay $0x4  }
0xff: {  	v0 =	vmul.f32 v40, v0;
	_ =	sdelay $0x1  }
0x100: {  	[tilespmem:s0+$0x80] =	vst v0  }
0x101: {  	v0 =	vld [tilespmem:s17+$0x90]  }
0x102: {  	v41 =	vld [tilespmem:s15+$0x90];
	_ =	sdelay $0x4  }
0x103: {  	v0 =	vmul.f32 v41, v0;
	_ =	sdelay $0x1  }
0x104: {  	[tilespmem:s0+$0x90] =	vst v0  }
0x105: {  	v0 =	vld [tilespmem:s17+$0xA0]  }
0x106: {  	v42 =	vld [tilespmem:s15+$0xA0];
	_ =	sdelay $0x4  }
0x107: {  	v0 =	vmul.f32 v42, v0;
	_ =	sdelay $0x1  }
0x108: {  	[tilespmem:s0+$0xA0] =	vst v0  }
0x109: {  	v0 =	vld [tilespmem:s17+$0xB0]  }
0x10a: {  	v43 =	vld [tilespmem:s15+$0xB0];
	_ =	sdelay $0x4  }
0x10b: {  	v0 =	vmul.f32 v43, v0;
	_ =	sdelay $0x1  }
0x10c: {  	[tilespmem:s0+$0xB0] =	vst v0  }
0x10d: {  	v0 =	vld [tilespmem:s17+$0xC0]  }
0x10e: {  	v44 =	vld [tilespmem:s15+$0xC0];
	_ =	sdelay $0x4  }
0x10f: {  	v0 =	vmul.f32 v44, v0;
	_ =	sdelay $0x1  }
0x110: {  	[tilespmem:s0+$0xC0] =	vst v0  }
0x111: {  	v0 =	vld [tilespmem:s17+$0xD0]  }
0x112: {  	v45 =	vld [tilespmem:s15+$0xD0];
	_ =	sdelay $0x4  }
0x113: {  	v0 =	vmul.f32 v45, v0;
	_ =	sdelay $0x1  }
0x114: {  	[tilespmem:s0+$0xD0] =	vst v0  }
0x115: {  	v0 =	vld [tilespmem:s17+$0xE0]  }
0x116: {  	v46 =	vld [tilespmem:s15+$0xE0];
	_ =	sdelay $0x4  }
0x117: {  	v0 =	vmul.f32 v46, v0;
	_ =	sdelay $0x1  }
0x118: {  	[tilespmem:s0+$0xE0] =	vst v0  }
0x119: {  	v0 =	vld [tilespmem:s17+$0xF0]  }
0x11a: {  	v47 =	vld [tilespmem:s15+$0xF0];
	_ =	sdelay $0x4  }
0x11b: {  	v0 =	vmul.f32 v47, v0;
	_ =	sdelay $0x1  }
0x11c: {  	[tilespmem:s0+$0xF0] =	vst v0  }
0x11d: {  	v0 =	vld [tilespmem:s17+$0x100]  }
0x11e: {  	v48 =	vld [tilespmem:s15+$0x100];
	_ =	sdelay $0x4  }
0x11f: {  	v0 =	vmul.f32 v48, v0;
	_ =	sdelay $0x1  }
0x120: {  	[tilespmem:s0+$0x100] =	vst v0  }
0x121: {  	v0 =	vld [tilespmem:s17+$0x110]  }
0x122: {  	v49 =	vld [tilespmem:s15+$0x110];
	_ =	sdelay $0x4  }
0x123: {  	v0 =	vmul.f32 v49, v0;
	_ =	sdelay $0x1  }
0x124: {  	[tilespmem:s0+$0x110] =	vst v0  }
0x125: {  	v0 =	vld [tilespmem:s17+$0x120]  }
0x126: {  	v50 =	vld [tilespmem:s15+$0x120];
	_ =	sdelay $0x4  }
0x127: {  	v0 =	vmul.f32 v50, v0;
	_ =	sdelay $0x1  }
0x128: {  	[tilespmem:s0+$0x120] =	vst v0  }
0x129: {  	v0 =	vld [tilespmem:s17+$0x130]  }
0x12a: {  	v51 =	vld [tilespmem:s15+$0x130];
	_ =	sdelay $0x4  }
0x12b: {  	v0 =	vmul.f32 v51, v0;
	_ =	sdelay $0x1  }
0x12c: {  	[tilespmem:s0+$0x130] =	vst v0  }
0x12d: {  	v0 =	vld [tilespmem:s17+$0x140]  }
0x12e: {  	v52 =	vld [tilespmem:s15+$0x140];
	_ =	sdelay $0x4  }
0x12f: {  	v0 =	vmul.f32 v52, v0;
	_ =	sdelay $0x1  }
0x130: {  	[tilespmem:s0+$0x140] =	vst v0  }
0x131: {  	v0 =	vld [tilespmem:s17+$0x150]  }
0x132: {  	v53 =	vld [tilespmem:s15+$0x150];
	_ =	sdelay $0x4  }
0x133: {  	v0 =	vmul.f32 v53, v0;
	_ =	sdelay $0x1  }
0x134: {  	[tilespmem:s0+$0x150] =	vst v0  }
0x135: {  	v0 =	vld [tilespmem:s17+$0x160]  }
0x136: {  	v54 =	vld [tilespmem:s15+$0x160];
	_ =	sdelay $0x4  }
0x137: {  	v0 =	vmul.f32 v54, v0;
	_ =	sdelay $0x1  }
0x138: {  	[tilespmem:s0+$0x160] =	vst v0  }
0x139: {  	v0 =	vld [tilespmem:s17+$0x170]  }
0x13a: {  	v55 =	vld [tilespmem:s15+$0x170];
	_ =	sdelay $0x4  }
0x13b: {  	v0 =	vmul.f32 v55, v0;
	_ =	sdelay $0x1  }
0x13c: {  	[tilespmem:s0+$0x170] =	vst v0  }
0x13d: {  	v0 =	vld [tilespmem:s17+$0x180]  }
0x13e: {  	v56 =	vld [tilespmem:s15+$0x180];
	_ =	sdelay $0x4  }
0x13f: {  	v0 =	vmul.f32 v56, v0;
	_ =	sdelay $0x1  }
0x140: {  	[tilespmem:s0+$0x180] =	vst v0  }
0x141: {  	v0 =	vld [tilespmem:s17+$0x190]  }
0x142: {  	v57 =	vld [tilespmem:s15+$0x190];
	_ =	sdelay $0x4  }
0x143: {  	v0 =	vmul.f32 v57, v0;
	_ =	sdelay $0x1  }
0x144: {  	[tilespmem:s0+$0x190] =	vst v0  }
0x145: {  	v0 =	vld [tilespmem:s17+$0x1A0]  }
0x146: {  	v58 =	vld [tilespmem:s15+$0x1A0];
	_ =	sdelay $0x4  }
0x147: {  	v0 =	vmul.f32 v58, v0;
	_ =	sdelay $0x1  }
0x148: {  	[tilespmem:s0+$0x1A0] =	vst v0  }
0x149: {  	v0 =	vld [tilespmem:s17+$0x1B0]  }
0x14a: {  	v59 =	vld [tilespmem:s15+$0x1B0];
	_ =	sdelay $0x4  }
0x14b: {  	v0 =	vmul.f32 v59, v0;
	_ =	sdelay $0x1  }
0x14c: {  	[tilespmem:s0+$0x1B0] =	vst v0  }
0x14d: {  	v0 =	vld [tilespmem:s17+$0x1C0]  }
0x14e: {  	v60 =	vld [tilespmem:s15+$0x1C0];
	_ =	sdelay $0x4  }
0x14f: {  	v0 =	vmul.f32 v60, v0;
	_ =	sdelay $0x1  }
0x150: {  	[tilespmem:s0+$0x1C0] =	vst v0  }
0x151: {  	v0 =	vld [tilespmem:s17+$0x1D0]  }
0x152: {  	v61 =	vld [tilespmem:s15+$0x1D0];
	_ =	sdelay $0x4  }
0x153: {  	v0 =	vmul.f32 v61, v0;
	_ =	sdelay $0x1  }
0x154: {  	[tilespmem:s0+$0x1D0] =	vst v0  }
0x155: {  	v0 =	vld [tilespmem:s17+$0x1E0]  }
0x156: {  	v62 =	vld [tilespmem:s15+$0x1E0];
	_ =	sdelay $0x4  }
0x157: {  	v0 =	vmul.f32 v62, v0;
	_ =	sdelay $0x1  }
0x158: {  	[tilespmem:s0+$0x1E0] =	vst v0  }
0x159: {  	v0 =	vld [tilespmem:s17+$0x1F0]  }
0x15a: {  	v63 =	vld [tilespmem:s15+$0x1F0]  }
0x15b: {  	s16 =	sadd.s32 $0x8, s16  }
0x15c: {  	p2 =	slt.u32 s16, $0x20  }
.Ltmp2:
0x15d: {  	_ = 	snop;
	(pc) =	sbr.rel @p2 .LBB2_3-.Ltmp2, $3  }
0x15e: {  	_ = 	snop  }
0x15f: {  	v0 =	vmul.f32 v63, v0;
	_ =	sdelay $0x1  }
0x160: {  	s17 =	sadd.s32 $0x400, s17;
	s15 =	sadd.s32 $0x400, s15;
	[tilespmem:s0+$0x1F0] =	vst v0;
	s0 =	sadd.s32 $0x400, s0  }
0x161: {  	_ =	swait.ge [sflag:s4], $0x28  }
0x162: {  	p2 =	seq.s32 s19, $0x0;
	[sflag:s4] =	ssyncset.done $0x0  }
0x163: {  	s0 =	simm.s32 @!p2 $0x4;
	[sflag:s4] =	ssyncadd.s32 $0xFFFFFFD8  }
0x164: {  	_ =	swait.ge @!p2 [sflag:s0], $0x1400  }
0x165: {  	[sflag:s0] =	ssyncset.done @!p2 $0x0  }
0x166: {  	s26 =	sshrl.u32 s26, $0x3;
	[sflag:s0] =	ssyncadd.s32 @!p2 $0xFFFFEC00  }
0x167: {  	[spmem:s3] =	stream.indirect.scatter.add.f32 [tilespmem:s10], [sflag:$0x3], $0x80, s25, s28, $0xb8;
	[tilespmem:$0x1B380] =	vst v63  }
0x168: {  	s0 =	sadd.s32 s2, s26  }
0x169: {  	[tilespmem:s12], [sflag:$0x8] =	stream.linear.gather [hbm4b:s0+s5], $0x28, $0x38;
	[tilespmem:$0x1B380] =	vst v63  }
0x16a: {  	s0 =	simm.s32 @p1 $0x2  }
0x16b: {  	_ =	swait.ge @p1 [sflag:s0], $0x1400  }
0x16c: {  	[sflag:s0] =	ssyncset.done @p1 $0x0  }
0x16d: {  	[sflag:s0] =	ssyncadd.s32 @p1 $0xFFFFEC00  }
0x16e: {  	_ =	swait.ge @p1 [sflag:s0], $0x1400  }
0x16f: {  	[sflag:s0] =	ssyncset.done @p1 $0x0  }
0x170: {  	[sflag:s0] =	ssyncadd.s32 @p1 $0xFFFFEC00;
	s0 =	simm.s32 @!p1 $0x5  }
0x171: {  	_ =	swait.ge @!p1 [sflag:s0], $0x28  }
0x172: {  	[sflag:s0] =	ssyncset.done @!p1 $0x0  }
0x173: {  	[sflag:s0] =	ssyncadd.s32 @!p1 $0xFFFFFFD8  }
0x174: {  	_ =	swait.ge @!p1 [sflag:s0], $0x28  }
0x175: {  	s15 =	simm.s32 @!p1 $0x13880;
	[sflag:s0] =	ssyncset.done @!p1 $0x0  }
0x176: {  	s16 =	simm.s32 @!p1 $0x13B80;
	[sflag:s0] =	ssyncadd.s32 @!p1 $0xFFFFFFD8;
	s0 =	simm.s32 @!p1 $0x28  }
0x177: {  	[tilespmem:s16], [sflag:$0x1] =	stream.indirect.gather @!p1 [hbm4b:s1+s0], $0x80, s15, s0, $0xb8;
	[tilespmem:$0x1B380] =	vst v63  }
0x178: {  	s15 =	simm.s32 @!p1 $0x13980;
	s16 =	simm.s32 @!p1 $0x16380  }
0x179: {  	[tilespmem:s16], [sflag:$0x1] =	stream.indirect.gather @!p1 [hbm4b:s8+s0], $0x80, s15, s0, $0xb8;
	[tilespmem:$0x1B380] =	vst v63  }
0x17a: {  	s0 =	simm.s32 @!p1 $0x2  }
0x17b: {  	_ =	swait.ge @!p1 [sflag:s0], $0x1400  }
0x17c: {  	[sflag:s0] =	ssyncset.done @!p1 $0x0  }
0x17d: {  	[sflag:s0] =	ssyncadd.s32 @!p1 $0xFFFFEC00  }
0x17e: {  	_ =	swait.ge @!p1 [sflag:s0], $0x1400  }
0x17f: {  	s14 =	sadd.s32 @!p1 s14, s18;
	[sflag:s0] =	ssyncset.done @!p1 $0x0  }
0x180: {  	[sflag:s0] =	ssyncadd.s32 @!p1 $0xFFFFEC00;
	s0 =	sshrl.u32 @!p1 s14, $0x3  }
0x181: {  	s15 =	simm.s32 @!p1 $0x0;
	s16 =	simm.s32 @!p1 $0x13900;
	s14 =	sadd.s32 @!p1 s6, s0  }
0x182: {  	[tilespmem:s16], [sflag:$0x6] =	stream.linear.gather @!p1 [hbm4b:s14+s15], $0x28, $0x38;
	[tilespmem:$0x1B380] =	vst v63  }
0x183: {  	s0 =	sadd.s32 @!p1 s7, s0;
	s14 =	simm.s32 @!p1 $0x13A00;
	s16 =	simm.s32 $0x15180  }
0x184: {  	[tilespmem:s14], [sflag:$0x6] =	stream.linear.gather @!p1 [hbm4b:s0+s15], $0x28, $0x38;
	[tilespmem:$0x1B380] =	vst v63  }
0x185: {  	s14 =	simm.s32 $0xFFFFFFF8;
	s15 =	simm.s32 $0x17980;
	s0 =	simm.s32 $0x1A180  }
.LBB2_5:
0x186: {  	v0 =	vld [tilespmem:s16+$0xFFFFFE00]  }
0x187: {  	v1 =	vld [tilespmem:s15+$0xFFFFFE00];
	_ =	sdelay $0x4  }
0x188: {  	v0 =	vmul.f32 v1, v0;
	_ =	sdelay $0x1  }
0x189: {  	[tilespmem:s0+$0xFFFFFE00] =	vst v0  }
0x18a: {  	v0 =	vld [tilespmem:s16+$0xFFFFFE10]  }
0x18b: {  	v61 =	vld [tilespmem:s15+$0xFFFFFE10];
	_ =	sdelay $0x4  }
0x18c: {  	v0 =	vmul.f32 v61, v0;
	_ =	sdelay $0x1  }
0x18d: {  	[tilespmem:s0+$0xFFFFFE10] =	vst v0  }
0x18e: {  	v0 =	vld [tilespmem:s16+$0xFFFFFE20]  }
0x18f: {  	v62 =	vld [tilespmem:s15+$0xFFFFFE20];
	_ =	sdelay $0x4  }
0x190: {  	v0 =	vmul.f32 v62, v0;
	_ =	sdelay $0x1  }
0x191: {  	[tilespmem:s0+$0xFFFFFE20] =	vst v0  }
0x192: {  	v0 =	vld [tilespmem:s16+$0xFFFFFE30]  }
0x193: {  	v63 =	vld [tilespmem:s15+$0xFFFFFE30];
	_ =	sdelay $0x4  }
0x194: {  	v0 =	vmul.f32 v63, v0;
	_ =	sdelay $0x1  }
0x195: {  	[tilespmem:s0+$0xFFFFFE30] =	vst v0  }
0x196: {  	v0 =	vld [tilespmem:s16+$0xFFFFFE40]  }
0x197: {  	v4 =	vld [tilespmem:s15+$0xFFFFFE40];
	_ =	sdelay $0x4  }
0x198: {  	v0 =	vmul.f32 v4, v0;
	_ =	sdelay $0x1  }
0x199: {  	[tilespmem:s0+$0xFFFFFE40] =	vst v0  }
0x19a: {  	v0 =	vld [tilespmem:s16+$0xFFFFFE50]  }
0x19b: {  	v5 =	vld [tilespmem:s15+$0xFFFFFE50];
	_ =	sdelay $0x4  }
0x19c: {  	v0 =	vmul.f32 v5, v0;
	_ =	sdelay $0x1  }
0x19d: {  	[tilespmem:s0+$0xFFFFFE50] =	vst v0  }
0x19e: {  	v0 =	vld [tilespmem:s16+$0xFFFFFE60]  }
0x19f: {  	v6 =	vld [tilespmem:s15+$0xFFFFFE60];
	_ =	sdelay $0x4  }
0x1a0: {  	v0 =	vmul.f32 v6, v0;
	_ =	sdelay $0x1  }
0x1a1: {  	[tilespmem:s0+$0xFFFFFE60] =	vst v0  }
0x1a2: {  	v0 =	vld [tilespmem:s16+$0xFFFFFE70]  }
0x1a3: {  	v7 =	vld [tilespmem:s15+$0xFFFFFE70];
	_ =	sdelay $0x4  }
0x1a4: {  	v0 =	vmul.f32 v7, v0;
	_ =	sdelay $0x1  }
0x1a5: {  	[tilespmem:s0+$0xFFFFFE70] =	vst v0  }
0x1a6: {  	v0 =	vld [tilespmem:s16+$0xFFFFFE80]  }
0x1a7: {  	v8 =	vld [tilespmem:s15+$0xFFFFFE80];
	_ =	sdelay $0x4  }
0x1a8: {  	v0 =	vmul.f32 v8, v0;
	_ =	sdelay $0x1  }
0x1a9: {  	[tilespmem:s0+$0xFFFFFE80] =	vst v0  }
0x1aa: {  	v0 =	vld [tilespmem:s16+$0xFFFFFE90]  }
0x1ab: {  	v9 =	vld [tilespmem:s15+$0xFFFFFE90];
	_ =	sdelay $0x4  }
0x1ac: {  	v0 =	vmul.f32 v9, v0;
	_ =	sdelay $0x1  }
0x1ad: {  	[tilespmem:s0+$0xFFFFFE90] =	vst v0  }
0x1ae: {  	v0 =	vld [tilespmem:s16+$0xFFFFFEA0]  }
0x1af: {  	v10 =	vld [tilespmem:s15+$0xFFFFFEA0];
	_ =	sdelay $0x4  }
0x1b0: {  	v0 =	vmul.f32 v10, v0;
	_ =	sdelay $0x1  }
0x1b1: {  	[tilespmem:s0+$0xFFFFFEA0] =	vst v0  }
0x1b2: {  	v0 =	vld [tilespmem:s16+$0xFFFFFEB0]  }
0x1b3: {  	v11 =	vld [tilespmem:s15+$0xFFFFFEB0];
	_ =	sdelay $0x4  }
0x1b4: {  	v0 =	vmul.f32 v11, v0;
	_ =	sdelay $0x1  }
0x1b5: {  	[tilespmem:s0+$0xFFFFFEB0] =	vst v0  }
0x1b6: {  	v0 =	vld [tilespmem:s16+$0xFFFFFEC0]  }
0x1b7: {  	v12 =	vld [tilespmem:s15+$0xFFFFFEC0];
	_ =	sdelay $0x4  }
0x1b8: {  	v0 =	vmul.f32 v12, v0;
	_ =	sdelay $0x1  }
0x1b9: {  	[tilespmem:s0+$0xFFFFFEC0] =	vst v0  }
0x1ba: {  	v0 =	vld [tilespmem:s16+$0xFFFFFED0]  }
0x1bb: {  	v13 =	vld [tilespmem:s15+$0xFFFFFED0];
	_ =	sdelay $0x4  }
0x1bc: {  	v0 =	vmul.f32 v13, v0;
	_ =	sdelay $0x1  }
0x1bd: {  	[tilespmem:s0+$0xFFFFFED0] =	vst v0  }
0x1be: {  	v0 =	vld [tilespmem:s16+$0xFFFFFEE0]  }
0x1bf: {  	v14 =	vld [tilespmem:s15+$0xFFFFFEE0];
	_ =	sdelay $0x4  }
0x1c0: {  	v0 =	vmul.f32 v14, v0;
	_ =	sdelay $0x1  }
0x1c1: {  	[tilespmem:s0+$0xFFFFFEE0] =	vst v0  }
0x1c2: {  	v0 =	vld [tilespmem:s16+$0xFFFFFEF0]  }
0x1c3: {  	v15 =	vld [tilespmem:s15+$0xFFFFFEF0];
	_ =	sdelay $0x4  }
0x1c4: {  	v0 =	vmul.f32 v15, v0;
	_ =	sdelay $0x1  }
0x1c5: {  	[tilespmem:s0+$0xFFFFFEF0] =	vst v0  }
0x1c6: {  	v0 =	vld [tilespmem:s16+$0xFFFFFF00]  }
0x1c7: {  	v16 =	vld [tilespmem:s15+$0xFFFFFF00];
	_ =	sdelay $0x4  }
0x1c8: {  	v0 =	vmul.f32 v16, v0;
	_ =	sdelay $0x1  }
0x1c9: {  	[tilespmem:s0+$0xFFFFFF00] =	vst v0  }
0x1ca: {  	v0 =	vld [tilespmem:s16+$0xFFFFFF10]  }
0x1cb: {  	v17 =	vld [tilespmem:s15+$0xFFFFFF10];
	_ =	sdelay $0x4  }
0x1cc: {  	v0 =	vmul.f32 v17, v0;
	_ =	sdelay $0x1  }
0x1cd: {  	[tilespmem:s0+$0xFFFFFF10] =	vst v0  }
0x1ce: {  	v0 =	vld [tilespmem:s16+$0xFFFFFF20]  }
0x1cf: {  	v18 =	vld [tilespmem:s15+$0xFFFFFF20];
	_ =	sdelay $0x4  }
0x1d0: {  	v0 =	vmul.f32 v18, v0;
	_ =	sdelay $0x1  }
0x1d1: {  	[tilespmem:s0+$0xFFFFFF20] =	vst v0  }
0x1d2: {  	v0 =	vld [tilespmem:s16+$0xFFFFFF30]  }
0x1d3: {  	v19 =	vld [tilespmem:s15+$0xFFFFFF30];
	_ =	sdelay $0x4  }
0x1d4: {  	v0 =	vmul.f32 v19, v0;
	_ =	sdelay $0x1  }
0x1d5: {  	[tilespmem:s0+$0xFFFFFF30] =	vst v0  }
0x1d6: {  	v0 =	vld [tilespmem:s16+$0xFFFFFF40]  }
0x1d7: {  	v20 =	vld [tilespmem:s15+$0xFFFFFF40];
	_ =	sdelay $0x4  }
0x1d8: {  	v0 =	vmul.f32 v20, v0;
	_ =	sdelay $0x1  }
0x1d9: {  	[tilespmem:s0+$0xFFFFFF40] =	vst v0  }
0x1da: {  	v0 =	vld [tilespmem:s16+$0xFFFFFF50]  }
0x1db: {  	v21 =	vld [tilespmem:s15+$0xFFFFFF50];
	_ =	sdelay $0x4  }
0x1dc: {  	v0 =	vmul.f32 v21, v0;
	_ =	sdelay $0x1  }
0x1dd: {  	[tilespmem:s0+$0xFFFFFF50] =	vst v0  }
0x1de: {  	v0 =	vld [tilespmem:s16+$0xFFFFFF60]  }
0x1df: {  	v22 =	vld [tilespmem:s15+$0xFFFFFF60];
	_ =	sdelay $0x4  }
0x1e0: {  	v0 =	vmul.f32 v22, v0;
	_ =	sdelay $0x1  }
0x1e1: {  	[tilespmem:s0+$0xFFFFFF60] =	vst v0  }
0x1e2: {  	v0 =	vld [tilespmem:s16+$0xFFFFFF70]  }
0x1e3: {  	v23 =	vld [tilespmem:s15+$0xFFFFFF70];
	_ =	sdelay $0x4  }
0x1e4: {  	v0 =	vmul.f32 v23, v0;
	_ =	sdelay $0x1  }
0x1e5: {  	[tilespmem:s0+$0xFFFFFF70] =	vst v0  }
0x1e6: {  	v0 =	vld [tilespmem:s16+$0xFFFFFF80]  }
0x1e7: {  	v24 =	vld [tilespmem:s15+$0xFFFFFF80];
	_ =	sdelay $0x4  }
0x1e8: {  	v0 =	vmul.f32 v24, v0;
	_ =	sdelay $0x1  }
0x1e9: {  	[tilespmem:s0+$0xFFFFFF80] =	vst v0  }
0x1ea: {  	v0 =	vld [tilespmem:s16+$0xFFFFFF90]  }
0x1eb: {  	v25 =	vld [tilespmem:s15+$0xFFFFFF90];
	_ =	sdelay $0x4  }
0x1ec: {  	v0 =	vmul.f32 v25, v0;
	_ =	sdelay $0x1  }
0x1ed: {  	[tilespmem:s0+$0xFFFFFF90] =	vst v0  }
0x1ee: {  	v0 =	vld [tilespmem:s16+$0xFFFFFFA0]  }
0x1ef: {  	v26 =	vld [tilespmem:s15+$0xFFFFFFA0];
	_ =	sdelay $0x4  }
0x1f0: {  	v0 =	vmul.f32 v26, v0;
	_ =	sdelay $0x1  }
0x1f1: {  	[tilespmem:s0+$0xFFFFFFA0] =	vst v0  }
0x1f2: {  	v0 =	vld [tilespmem:s16+$0xFFFFFFB0]  }
0x1f3: {  	v27 =	vld [tilespmem:s15+$0xFFFFFFB0];
	_ =	sdelay $0x4  }
0x1f4: {  	v0 =	vmul.f32 v27, v0;
	_ =	sdelay $0x1  }
0x1f5: {  	[tilespmem:s0+$0xFFFFFFB0] =	vst v0  }
0x1f6: {  	v0 =	vld [tilespmem:s16+$0xFFFFFFC0]  }
0x1f7: {  	v28 =	vld [tilespmem:s15+$0xFFFFFFC0];
	_ =	sdelay $0x4  }
0x1f8: {  	v0 =	vmul.f32 v28, v0;
	_ =	sdelay $0x1  }
0x1f9: {  	[tilespmem:s0+$0xFFFFFFC0] =	vst v0  }
0x1fa: {  	v0 =	vld [tilespmem:s16+$0xFFFFFFD0]  }
0x1fb: {  	v29 =	vld [tilespmem:s15+$0xFFFFFFD0];
	_ =	sdelay $0x4  }
0x1fc: {  	v0 =	vmul.f32 v29, v0;
	_ =	sdelay $0x1  }
0x1fd: {  	[tilespmem:s0+$0xFFFFFFD0] =	vst v0  }
0x1fe: {  	v0 =	vld [tilespmem:s16+$0xFFFFFFE0]  }
0x1ff: {  	v30 =	vld [tilespmem:s15+$0xFFFFFFE0];
	_ =	sdelay $0x4  }
0x200: {  	v0 =	vmul.f32 v30, v0;
	_ =	sdelay $0x1  }
0x201: {  	[tilespmem:s0+$0xFFFFFFE0] =	vst v0  }
0x202: {  	v0 =	vld [tilespmem:s16+$0xFFFFFFF0]  }
0x203: {  	v31 =	vld [tilespmem:s15+$0xFFFFFFF0];
	_ =	sdelay $0x4  }
0x204: {  	v0 =	vmul.f32 v31, v0;
	_ =	sdelay $0x1  }
0x205: {  	[tilespmem:s0+$0xFFFFFFF0] =	vst v0  }
0x206: {  	v0 =	vld [tilespmem:s16+$0x0]  }
0x207: {  	v32 =	vld [tilespmem:s15+$0x0];
	_ =	sdelay $0x4  }
0x208: {  	v0 =	vmul.f32 v32, v0;
	_ =	sdelay $0x1  }
0x209: {  	[tilespmem:s0+$0x0] =	vst v0  }
0x20a: {  	v0 =	vld [tilespmem:s16+$0x10]  }
0x20b: {  	v33 =	vld [tilespmem:s15+$0x10];
	_ =	sdelay $0x4  }
0x20c: {  	v0 =	vmul.f32 v33, v0;
	_ =	sdelay $0x1  }
0x20d: {  	[tilespmem:s0+$0x10] =	vst v0  }
0x20e: {  	v0 =	vld [tilespmem:s16+$0x20]  }
0x20f: {  	v34 =	vld [tilespmem:s15+$0x20];
	_ =	sdelay $0x4  }
0x210: {  	v0 =	vmul.f32 v34, v0;
	_ =	sdelay $0x1  }
0x211: {  	[tilespmem:s0+$0x20] =	vst v0  }
0x212: {  	v0 =	vld [tilespmem:s16+$0x30]  }
0x213: {  	v35 =	vld [tilespmem:s15+$0x30];
	_ =	sdelay $0x4  }
0x214: {  	v0 =	vmul.f32 v35, v0;
	_ =	sdelay $0x1  }
0x215: {  	[tilespmem:s0+$0x30] =	vst v0  }
0x216: {  	v0 =	vld [tilespmem:s16+$0x40]  }
0x217: {  	v36 =	vld [tilespmem:s15+$0x40];
	_ =	sdelay $0x4  }
0x218: {  	v0 =	vmul.f32 v36, v0;
	_ =	sdelay $0x1  }
0x219: {  	[tilespmem:s0+$0x40] =	vst v0  }
0x21a: {  	v0 =	vld [tilespmem:s16+$0x50]  }
0x21b: {  	v37 =	vld [tilespmem:s15+$0x50];
	_ =	sdelay $0x4  }
0x21c: {  	v0 =	vmul.f32 v37, v0;
	_ =	sdelay $0x1  }
0x21d: {  	[tilespmem:s0+$0x50] =	vst v0  }
0x21e: {  	v0 =	vld [tilespmem:s16+$0x60]  }
0x21f: {  	v38 =	vld [tilespmem:s15+$0x60];
	_ =	sdelay $0x4  }
0x220: {  	v0 =	vmul.f32 v38, v0;
	_ =	sdelay $0x1  }
0x221: {  	[tilespmem:s0+$0x60] =	vst v0  }
0x222: {  	v0 =	vld [tilespmem:s16+$0x70]  }
0x223: {  	v39 =	vld [tilespmem:s15+$0x70];
	_ =	sdelay $0x4  }
0x224: {  	v0 =	vmul.f32 v39, v0;
	_ =	sdelay $0x1  }
0x225: {  	[tilespmem:s0+$0x70] =	vst v0  }
0x226: {  	v0 =	vld [tilespmem:s16+$0x80]  }
0x227: {  	v40 =	vld [tilespmem:s15+$0x80];
	_ =	sdelay $0x4  }
0x228: {  	v0 =	vmul.f32 v40, v0;
	_ =	sdelay $0x1  }
0x229: {  	[tilespmem:s0+$0x80] =	vst v0  }
0x22a: {  	v0 =	vld [tilespmem:s16+$0x90]  }
0x22b: {  	v41 =	vld [tilespmem:s15+$0x90];
	_ =	sdelay $0x4  }
0x22c: {  	v0 =	vmul.f32 v41, v0;
	_ =	sdelay $0x1  }
0x22d: {  	[tilespmem:s0+$0x90] =	vst v0  }
0x22e: {  	v0 =	vld [tilespmem:s16+$0xA0]  }
0x22f: {  	v42 =	vld [tilespmem:s15+$0xA0];
	_ =	sdelay $0x4  }
0x230: {  	v0 =	vmul.f32 v42, v0;
	_ =	sdelay $0x1  }
0x231: {  	[tilespmem:s0+$0xA0] =	vst v0  }
0x232: {  	v0 =	vld [tilespmem:s16+$0xB0]  }
0x233: {  	v43 =	vld [tilespmem:s15+$0xB0];
	_ =	sdelay $0x4  }
0x234: {  	v0 =	vmul.f32 v43, v0;
	_ =	sdelay $0x1  }
0x235: {  	[tilespmem:s0+$0xB0] =	vst v0  }
0x236: {  	v0 =	vld [tilespmem:s16+$0xC0]  }
0x237: {  	v44 =	vld [tilespmem:s15+$0xC0];
	_ =	sdelay $0x4  }
0x238: {  	v0 =	vmul.f32 v44, v0;
	_ =	sdelay $0x1  }
0x239: {  	[tilespmem:s0+$0xC0] =	vst v0  }
0x23a: {  	v0 =	vld [tilespmem:s16+$0xD0]  }
0x23b: {  	v45 =	vld [tilespmem:s15+$0xD0];
	_ =	sdelay $0x4  }
0x23c: {  	v0 =	vmul.f32 v45, v0;
	_ =	sdelay $0x1  }
0x23d: {  	[tilespmem:s0+$0xD0] =	vst v0  }
0x23e: {  	v0 =	vld [tilespmem:s16+$0xE0]  }
0x23f: {  	v46 =	vld [tilespmem:s15+$0xE0];
	_ =	sdelay $0x4  }
0x240: {  	v0 =	vmul.f32 v46, v0;
	_ =	sdelay $0x1  }
0x241: {  	[tilespmem:s0+$0xE0] =	vst v0  }
0x242: {  	v0 =	vld [tilespmem:s16+$0xF0]  }
0x243: {  	v47 =	vld [tilespmem:s15+$0xF0];
	_ =	sdelay $0x4  }
0x244: {  	v0 =	vmul.f32 v47, v0;
	_ =	sdelay $0x1  }
0x245: {  	[tilespmem:s0+$0xF0] =	vst v0  }
0x246: {  	v0 =	vld [tilespmem:s16+$0x100]  }
0x247: {  	v48 =	vld [tilespmem:s15+$0x100];
	_ =	sdelay $0x4  }
0x248: {  	v0 =	vmul.f32 v48, v0;
	_ =	sdelay $0x1  }
0x249: {  	[tilespmem:s0+$0x100] =	vst v0  }
0x24a: {  	v0 =	vld [tilespmem:s16+$0x110]  }
0x24b: {  	v49 =	vld [tilespmem:s15+$0x110];
	_ =	sdelay $0x4  }
0x24c: {  	v0 =	vmul.f32 v49, v0;
	_ =	sdelay $0x1  }
0x24d: {  	[tilespmem:s0+$0x110] =	vst v0  }
0x24e: {  	v0 =	vld [tilespmem:s16+$0x120]  }
0x24f: {  	v50 =	vld [tilespmem:s15+$0x120];
	_ =	sdelay $0x4  }
0x250: {  	v0 =	vmul.f32 v50, v0;
	_ =	sdelay $0x1  }
0x251: {  	[tilespmem:s0+$0x120] =	vst v0  }
0x252: {  	v0 =	vld [tilespmem:s16+$0x130]  }
0x253: {  	v51 =	vld [tilespmem:s15+$0x130];
	_ =	sdelay $0x4  }
0x254: {  	v0 =	vmul.f32 v51, v0;
	_ =	sdelay $0x1  }
0x255: {  	[tilespmem:s0+$0x130] =	vst v0  }
0x256: {  	v0 =	vld [tilespmem:s16+$0x140]  }
0x257: {  	v52 =	vld [tilespmem:s15+$0x140];
	_ =	sdelay $0x4  }
0x258: {  	v0 =	vmul.f32 v52, v0;
	_ =	sdelay $0x1  }
0x259: {  	[tilespmem:s0+$0x140] =	vst v0  }
0x25a: {  	v0 =	vld [tilespmem:s16+$0x150]  }
0x25b: {  	v53 =	vld [tilespmem:s15+$0x150];
	_ =	sdelay $0x4  }
0x25c: {  	v0 =	vmul.f32 v53, v0;
	_ =	sdelay $0x1  }
0x25d: {  	[tilespmem:s0+$0x150] =	vst v0  }
0x25e: {  	v0 =	vld [tilespmem:s16+$0x160]  }
0x25f: {  	v54 =	vld [tilespmem:s15+$0x160];
	_ =	sdelay $0x4  }
0x260: {  	v0 =	vmul.f32 v54, v0;
	_ =	sdelay $0x1  }
0x261: {  	[tilespmem:s0+$0x160] =	vst v0  }
0x262: {  	v0 =	vld [tilespmem:s16+$0x170]  }
0x263: {  	v55 =	vld [tilespmem:s15+$0x170];
	_ =	sdelay $0x4  }
0x264: {  	v0 =	vmul.f32 v55, v0;
	_ =	sdelay $0x1  }
0x265: {  	[tilespmem:s0+$0x170] =	vst v0  }
0x266: {  	v0 =	vld [tilespmem:s16+$0x180]  }
0x267: {  	v56 =	vld [tilespmem:s15+$0x180];
	_ =	sdelay $0x4  }
0x268: {  	v0 =	vmul.f32 v56, v0;
	_ =	sdelay $0x1  }
0x269: {  	[tilespmem:s0+$0x180] =	vst v0  }
0x26a: {  	v0 =	vld [tilespmem:s16+$0x190]  }
0x26b: {  	v57 =	vld [tilespmem:s15+$0x190];
	_ =	sdelay $0x4  }
0x26c: {  	v0 =	vmul.f32 v57, v0;
	_ =	sdelay $0x1  }
0x26d: {  	[tilespmem:s0+$0x190] =	vst v0  }
0x26e: {  	v0 =	vld [tilespmem:s16+$0x1A0]  }
0x26f: {  	v58 =	vld [tilespmem:s15+$0x1A0];
	_ =	sdelay $0x4  }
0x270: {  	v0 =	vmul.f32 v58, v0;
	_ =	sdelay $0x1  }
0x271: {  	[tilespmem:s0+$0x1A0] =	vst v0  }
0x272: {  	v0 =	vld [tilespmem:s16+$0x1B0]  }
0x273: {  	v59 =	vld [tilespmem:s15+$0x1B0];
	_ =	sdelay $0x4  }
0x274: {  	v0 =	vmul.f32 v59, v0;
	_ =	sdelay $0x1  }
0x275: {  	[tilespmem:s0+$0x1B0] =	vst v0  }
0x276: {  	v0 =	vld [tilespmem:s16+$0x1C0]  }
0x277: {  	v60 =	vld [tilespmem:s15+$0x1C0];
	_ =	sdelay $0x4  }
0x278: {  	v0 =	vmul.f32 v60, v0;
	_ =	sdelay $0x1  }
0x279: {  	[tilespmem:s0+$0x1C0] =	vst v0  }
0x27a: {  	v0 =	vld [tilespmem:s16+$0x1D0]  }
0x27b: {  	v61 =	vld [tilespmem:s15+$0x1D0];
	_ =	sdelay $0x4  }
0x27c: {  	v0 =	vmul.f32 v61, v0;
	_ =	sdelay $0x1  }
0x27d: {  	[tilespmem:s0+$0x1D0] =	vst v0  }
0x27e: {  	v0 =	vld [tilespmem:s16+$0x1E0]  }
0x27f: {  	v62 =	vld [tilespmem:s15+$0x1E0];
	_ =	sdelay $0x4  }
0x280: {  	v0 =	vmul.f32 v62, v0;
	_ =	sdelay $0x1  }
0x281: {  	[tilespmem:s0+$0x1E0] =	vst v0  }
0x282: {  	v0 =	vld [tilespmem:s16+$0x1F0]  }
0x283: {  	v63 =	vld [tilespmem:s15+$0x1F0]  }
0x284: {  	s14 =	sadd.s32 $0x8, s14  }
0x285: {  	p2 =	slt.u32 s14, $0x20  }
.Ltmp3:
0x286: {  	_ = 	snop;
	(pc) =	sbr.rel @p2 .LBB2_5-.Ltmp3, $3  }
0x287: {  	_ = 	snop  }
0x288: {  	v0 =	vmul.f32 v63, v0;
	_ =	sdelay $0x1  }
0x289: {  	s16 =	sadd.s32 $0x400, s16;
	s15 =	sadd.s32 $0x400, s15;
	[tilespmem:s0+$0x1F0] =	vst v0;
	s0 =	sadd.s32 $0x400, s0  }
0x28a: {  	_ =	swait.ge [sflag:s21], $0x28  }
0x28b: {  	[sflag:s21] =	ssyncset.done $0x0  }
.Ltmp4:
0x28c: {  	[sflag:s21] =	ssyncadd.s32 $0xFFFFFFD8;
	(pc) =	sbr.rel @p1 .LBB2_8-.Ltmp4, $4  }
0x28d: {  	_ =	swait.ge [sflag:s13], $0x1400  }
0x28e: {  	[sflag:s13] =	ssyncset.done $0x0  }
0x28f: {  	[sflag:s13] =	ssyncadd.s32 $0xFFFFEC00  }
0x290: {  	[spmem:s3] =	stream.indirect.scatter.add.f32 [tilespmem:s22], [sflag:$0x4], $0x80, s12, s28, $0xb8;
	[tilespmem:$0x1B380] =	vst v63  }
0x291: {  	s0 =	smul.u32 $0x28, s20  }
.Ltmp5:
0x292: {  	_ = 	snop;
	(pc) =	sbr.rel .LBB2_2-.Ltmp5, $4  }
0x293: {  	s0 =	sadd.s32 s9, s0  }
0x294: {  	s0 =	sshrl.u32 s0, $0x3  }
0x295: {  	s19 =	sadd.s32 $0x1, s19;
	s0 =	sadd.s32 s2, s0  }
0x296: {  	[tilespmem:s25], [sflag:$0x7] =	stream.linear.gather [hbm4b:s0+s5], $0x28, $0x38;
	[tilespmem:$0x1B380] =	vst v63  }
.LBB2_9:
0x297: {  	_ =	sfence.sel $0x180000  }
0x298: {  	[bflag:$0x0] =	sbarrier.arrive $0xFFFF  }
0x299: {  	_ =	strace $0x90000047  }
0x29a: {  	s0 =	stileid.u32;
	[bflag:$0x2] =	sbarrier.arrive $0xFFFF  }
0x29b: {  	p0 =	sne.s32 s0, $0x0;
	s0 =	rddreg [dreg:$0x4]  }
0x29c: {  	s0 =	sadd.s32 @!p0 $0x100000, s0  }
0x29d: {  	[sflag:s0] =	ssyncadd.tile.s32 @!p0 $0x1;
	_ =	shalt  }
.Lfunc_end2:
_tile_overlayer_lowered:
.L_overlay_start_2:
0x29e: {  	(tag) =	ssettag $0x2  }
0x29f: {  	s0 =	rddreg [dreg:$0x0];
	s2 =	stileid.u32  }
0x2a0: {  	s1 =	rddreg [dreg:$0x1];
	p0 =	sne.s32 s2, $0x0  }
0x2a1: {  	s3 =	rddreg [dreg:$0x2];
	[bflag:$0x3] =	sbarrier.arrive $0xFFFF;
	s2 =	simm.s32 @!p0 $0x1C09  }
0x2a2: {  	[timem:s3], [sflag:s2] =	dma.local @!p0 [hbm:s0], s1  }
0x2a3: {  	s0 =	simm.s32 @!p0 $0x9  }
0x2a4: {  	_ =	swait.ge @!p0 [sflag:s0], s1  }
0x2a5: {  	s1 =	ssub.s32 @!p0 $0x0, s1;
	[sflag:s0] =	ssyncset.done @!p0 $0x0  }
0x2a6: {  	[sflag:s0] =	ssyncadd.s32 @!p0 s1  }
0x2a7: {  	[bflag:$0x3] =	sbarrier.arrive $0xFFFF  }
0x2a8: {  	_ =	shalt  }

</sc_bundles>
